<compile_context>
chip_gen: v7x
topology: tpu7x:2x2x1
jax: 0.10.2.dev20260603
libtpu: 0.0.44.dev20260713+nightly
codegen_flags: <defaults>
</compile_context>

<pallas_src>
import functools

import jax
import jax.numpy as jnp
from jax import lax
from jax.experimental import pallas as pl
from jax.experimental.pallas import tpu as pltpu
from jax.experimental.pallas import tpu_sc as plsc

_RATE = 1.0
_MEAN = 0.5
_STD = 0.2
_UPPER = 10.0



def _mix_body(prior_ref, u_mix_ref, u_exp_ref, eps_ref, out_ref):
    p0 = prior_ref[0] / (prior_ref[0] + prior_ref[1])
    gauss = _MEAN + _STD * eps_ref[...]
    exp_s = -jnp.log1p(-u_exp_ref[...]) / _RATE
    out = jnp.where(u_mix_ref[...] >= p0, gauss, exp_s)
    out_ref[...] = jnp.clip(out, 0.0, _UPPER)


def _kernel_tc(u_mix, u_exp, eps_gauss, prior):
    R, C = u_mix.shape
    BC = 4096
    grid = (C // BC,)
    bspec = pl.BlockSpec((R, BC), lambda i: (0, i))
    return pl.pallas_call(
        _mix_body,
        grid=grid,
        in_specs=[
            pl.BlockSpec(memory_space=pltpu.SMEM),
            bspec,
            bspec,
            bspec,
        ],
        out_specs=bspec,
        out_shape=jax.ShapeDtypeStruct((R, C), jnp.float32),
    )(prior, u_mix, u_exp, eps_gauss)



_NC = 2
_NS = 16
_NW = _NC * _NS
_LANES = 16
_CHUNK = 8192

_G_COEFS = (
    0.0007252174248962018,
    0.417299795584964,
    -0.5729210622930205,
    0.15544599529659334,
)
_LN2 = 0.6931471805599453


def _neg_log(x):
    bits = plsc.bitcast(x, jnp.int32)
    t = bits.astype(jnp.float32) * jnp.float32(2.0 ** -23) - jnp.float32(127.0)
    m = plsc.bitcast((bits & 0x7FFFFF) | 0x3F800000, jnp.float32)
    r = m - 1.0
    g = jnp.float32(_G_COEFS[3])
    for c in (_G_COEFS[2], _G_COEFS[1], _G_COEFS[0]):
        g = g * r + jnp.float32(c)
    return jnp.float32(-_LN2) * (t + g)


def _sc_body(n_chunks, in_row_off, prior_hbm, umix_hbm, uexp_hbm, eps_hbm,
             out_hbm, pri_v, umix_v0, umix_v1, uexp_v0, uexp_v1, eps_v0,
             eps_v1, out_v0, out_v1, in_sem0, in_sem1, out_sem0, out_sem1):
    wid = lax.axis_index("s") * _NC + lax.axis_index("c")
    base_chunk = wid * n_chunks

    pltpu.sync_copy(prior_hbm, pri_v)
    pv = pri_v[...]
    rv = lax.rev(pv, (0,))
    lanes = lax.iota(jnp.int32, _LANES)
    num = jnp.where(lanes % 2 == 0, pv, rv)
    thresh = num / (pv + rv)

    in_sems = (in_sem0, in_sem1)
    out_sems = (out_sem0, out_sem1)
    umix_v = (umix_v0, umix_v1)
    uexp_v = (uexp_v0, uexp_v1)
    eps_v = (eps_v0, eps_v1)
    out_v = (out_v0, out_v1)

    def rowcol(ci):
        g = base_chunk + ci
        return g // _CHUNKS_PER_ROW, (g % _CHUNKS_PER_ROW) * _CHUNK

    def start_in(ci, slot):
        row, col = rowcol(ci)
        row = row + in_row_off
        sl = pl.ds(col, _CHUNK)
        return (
            pltpu.async_copy(umix_hbm.at[row, sl], umix_v[slot], in_sems[slot]),
            pltpu.async_copy(uexp_hbm.at[row, sl], uexp_v[slot], in_sems[slot]),
            pltpu.async_copy(eps_hbm.at[row, sl], eps_v[slot], in_sems[slot]),
        )

    def compute(slot):
        um_r = umix_v[slot]
        ue_r = uexp_v[slot]
        ep_r = eps_v[slot]
        ot_r = out_v[slot]

        @plsc.parallel_loop(0, _CHUNK // _LANES, unroll=8)
        def _(i):
            sl = pl.ds(i * _LANES, _LANES)
            exp_s = _neg_log(1.0 - ue_r[sl]) / _RATE
            gauss = _MEAN + _STD * ep_r[sl]
            res = jnp.where(um_r[sl] >= thresh, gauss, exp_s)
            ot_r[sl] = jnp.clip(res, 0.0, _UPPER)

    in_descs = [None, None]
    out_descs = [None, None]
    in_descs[0] = start_in(0, 0)
    for ci in range(n_chunks):
        slot = ci % 2
        if ci + 1 < n_chunks:
            in_descs[(ci + 1) % 2] = start_in(ci + 1, (ci + 1) % 2)
        for d in in_descs[slot]:
            d.wait()
        if out_descs[slot] is not None:
            out_descs[slot].wait()
        compute(slot)
        row, col = rowcol(ci)
        out_descs[slot] = pltpu.async_copy(
            out_v[slot], out_hbm.at[row, pl.ds(col, _CHUNK)], out_sems[slot]
        )
    for d in out_descs:
        if d is not None:
            d.wait()


_ROW_COLS = 32768
_CHUNKS_PER_ROW = _ROW_COLS // _CHUNK


def _sc_call(u_mix, u_exp, eps_gauss, prior, out_rows, in_row_off):
    C = u_mix.shape[1]
    n_chunks = out_rows * _CHUNKS_PER_ROW // _NW
    prior16 = jnp.tile(prior, _LANES // prior.shape[0])
    mesh = plsc.VectorSubcoreMesh(
        core_axis_name="c", subcore_axis_name="s",
        num_cores=_NC, num_subcores=_NS,
    )
    f = pl.kernel(
        functools.partial(_sc_body, n_chunks, in_row_off),
        out_type=jax.ShapeDtypeStruct((out_rows, C), jnp.float32),
        mesh=mesh,
        scratch_types=[pltpu.VMEM((_LANES,), jnp.float32)]
        + [pltpu.VMEM((_CHUNK,), jnp.float32)] * 8
        + [pltpu.SemaphoreType.DMA] * 4,
        compiler_params=pltpu.CompilerParams(needs_layout_passes=False),
    )
    return f(prior16, u_mix, u_exp, eps_gauss)


def _kernel_sc(u_mix, u_exp, eps_gauss, prior):
    return _sc_call(u_mix, u_exp, eps_gauss, prior, u_mix.shape[0], 0)


_R_TC = 80


def _kernel_hybrid(u_mix, u_exp, eps_gauss, prior):
    R, C = u_mix.shape
    r_sc = R - _R_TC
    sc_out = _sc_call(u_mix, u_exp, eps_gauss, prior, r_sc, _R_TC)
    BC = 4096
    bspec = pl.BlockSpec((_R_TC, BC), lambda i: (0, i))
    tc_out = pl.pallas_call(
        _mix_body,
        grid=(C // BC,),
        in_specs=[pl.BlockSpec(memory_space=pltpu.SMEM), bspec, bspec, bspec],
        out_specs=bspec,
        out_shape=jax.ShapeDtypeStruct((R, C), jnp.float32),
    )(prior, u_mix, u_exp, eps_gauss)
    return lax.dynamic_update_slice(tc_out, sc_out, (_R_TC, 0))


def kernel(u_mix, u_exp, eps_gauss, prior):
    return _kernel_hybrid(u_mix, u_exp, eps_gauss, prior)

# --- scband reference (transcript-rebuilt; emitter-appended) ---
"""Pipeline reference for scband-exponential-normal-noise-model-3762391352119 (READ-ONLY COPY).

The authoritative reference and input builder live on the scoring server;
editing this copy changes nothing except your own understanding.
"""

import jax, jax.numpy as jnp
import numpy as np

RATE = 1.0
MEAN = 0.5
STD = 0.2
PRIOR = [0.3, 0.7]
UPPER_BOUND = 10.0
SAMPLE_SHAPE = (128, 32768)


def setup_inputs(seed: int = 0) -> dict:
    key = jax.random.key(seed)
    k1, k2, k3 = jax.random.split(key, 3)
    # Base randomness, reparameterized so the mixture math is explicit:
    #   categorical mix  <- inverse-CDF on u_mix
    #   exponential      <- inverse-CDF on u_exp: -log1p(-u)/rate
    #   normal           <- mean + std * eps
    u_mix = jax.random.uniform(k1, SAMPLE_SHAPE, dtype=jnp.float32)
    u_exp = jax.random.uniform(k2, SAMPLE_SHAPE, dtype=jnp.float32)
    eps_gauss = jax.random.normal(k3, SAMPLE_SHAPE, dtype=jnp.float32)
    prior = jnp.asarray(PRIOR, dtype=jnp.float32)
    return {"u_mix": u_mix, "u_exp": u_exp, "eps_gauss": eps_gauss, "prior": prior}


def reference(u_mix, u_exp, eps_gauss, prior):
    # Faithful translation of ExponentialNormalNoiseModel.sample(sample_shape):
    #   mix  ~ Categorical(prior)            (2 components: 0 -> Exponential, 1 -> Normal)
    #   exp  ~ Exponential(rate)
    #   gauss~ Normal(mean, std)
    #   out  = where(mix.bool(), gauss, exp).clip(min=0, max=upper_bound)
    probs = prior / jnp.sum(prior)
    # Inverse-CDF categorical over {0, 1}: component 1 iff u >= P(mix==0)
    mix = (u_mix >= probs[0])
    exp_sample = -jnp.log1p(-u_exp) / RATE
    gauss_sample = MEAN + STD * eps_gauss
    out = jnp.where(mix, gauss_sample, exp_sample)
    return jnp.clip(out, 0.0, UPPER_BOUND)

if __name__ == "__main__":
    import jax
    _d = setup_inputs()
    print(jax.jit(kernel)(*tuple(_d.values())))

</pallas_src>

<mosaic_0001>
#map = affine_map<(d0, d1) -> (0)>
#map1 = affine_map<(d0, d1) -> (0, 0)>
module attributes {stable_mosaic.version = 14 : i64} {
  func.func @_sc_body(%arg0: i32, %arg1: i32, %arg2: memref<16xf32, #tpu.memory_space<hbm>>, %arg3: memref<128x32768xf32, #tpu.memory_space<hbm>>, %arg4: memref<128x32768xf32, #tpu.memory_space<hbm>>, %arg5: memref<128x32768xf32, #tpu.memory_space<hbm>>, %arg6: memref<48x32768xf32, #tpu.memory_space<hbm>>, %arg7: memref<16xf32, #tpu.memory_space<vmem>>, %arg8: memref<8192xf32, #tpu.memory_space<vmem>>, %arg9: memref<8192xf32, #tpu.memory_space<vmem>>, %arg10: memref<8192xf32, #tpu.memory_space<vmem>>, %arg11: memref<8192xf32, #tpu.memory_space<vmem>>, %arg12: memref<8192xf32, #tpu.memory_space<vmem>>, %arg13: memref<8192xf32, #tpu.memory_space<vmem>>, %arg14: memref<8192xf32, #tpu.memory_space<vmem>>, %arg15: memref<8192xf32, #tpu.memory_space<vmem>>, %arg16: memref<!tpu.dma_semaphore, #tpu.memory_space<semaphore_mem>>, %arg17: memref<!tpu.dma_semaphore, #tpu.memory_space<semaphore_mem>>, %arg18: memref<!tpu.dma_semaphore, #tpu.memory_space<semaphore_mem>>, %arg19: memref<!tpu.dma_semaphore, #tpu.memory_space<semaphore_mem>>) attributes {dimension_semantics = [#tpu.dimension_semantics<core_parallel>, #tpu.dimension_semantics<subcore_parallel>], iteration_bounds = array<i64: 2, 16>, scalar_prefetch = 0 : i64, scratch_operands = 13 : i64, tpu.core_type = #tpu.core_type<sc_vector_subcore>, window_params = [{transform_indices = #map}, {transform_indices = #map1}, {transform_indices = #map1}, {transform_indices = #map1}, {transform_indices = #map1}]} {
    %mul3A = arith.constant 2 : i32
    %mul3A_0 = arith.muli %arg1, %mul3A : i32
    %add3A = arith.addi %mul3A_0, %arg0 : i32
    %mul3A_1 = arith.constant 6 : i32
    %mul3A_2 = arith.muli %add3A, %mul3A_1 : i32
    "tpu.region"() ({
      %run_scoped3A = tpu.sem_alloc : memref<!tpu.dma_semaphore, #tpu.memory_space<semaphore_mem>>
      tpu.enqueue_dma source(%arg2 : memref<16xf32, #tpu.memory_space<hbm>>) target(%arg7 : memref<16xf32, #tpu.memory_space<vmem>>) target_semaphore(%run_scoped3A : memref<!tpu.dma_semaphore, #tpu.memory_space<semaphore_mem>>)
      tpu.wait_dma2 semaphore(%run_scoped3A : memref<!tpu.dma_semaphore, #tpu.memory_space<semaphore_mem>>) src(%arg2 : memref<16xf32, #tpu.memory_space<hbm>>) dst(%arg7 : memref<16xf32, #tpu.memory_space<vmem>>)
      tpu.yield
    }) : () -> ()
    %get3A = arith.constant 0 : index
    %get3A_3 = tpu.vector_load %arg7[%get3A] {strides = array<i32>} : memref<16xf32, #tpu.memory_space<vmem>>, vector<16xf32>,
    %rev3A = arith.constant 15 : i32
    %rev3A_4 = vector.broadcast %rev3A : i32 to vector<16xi32>
    %rev3A_5 = tpu.iota {dimensions = array<i32: 0>} : vector<16xi32>
    %rev3A_6 = arith.subi %rev3A_4, %rev3A_5 : vector<16xi32>
    %rev3A_7 = tpu.dynamic_gather %get3A_3[%rev3A_6] in [0] : vector<16xf32>, vector<16xi32> -> vector<16xf32>
    %iota3A = tpu.iota {dimensions = array<i32: 0>} : vector<16xi32>
    %jit3A = arith.constant 2 : i32
    %eq3A = arith.constant 0 : i32
    %eq3A_8 = arith.cmpi eq, %jit3A, %eq3A : i32
    %jit3A_9 = arith.constant 1 : i32
    %select_n3A = arith.select %eq3A_8, %jit3A_9, %jit3A : i32
    %rem3A = vector.broadcast %select_n3A : i32 to vector<16xi32>
    %rem3A_10 = arith.remsi %iota3A, %rem3A : vector<16xi32>
    %ne3A = arith.constant 0 : i32
    %ne3A_11 = vector.broadcast %ne3A : i32 to vector<16xi32>
    %ne3A_12 = arith.cmpi ne, %rem3A_10, %ne3A_11 : vector<16xi32>
    %lt3A = arith.constant 0 : i32
    %lt3A_13 = vector.broadcast %lt3A : i32 to vector<16xi32>
    %lt3A_14 = arith.cmpi slt, %rem3A_10, %lt3A_13 : vector<16xi32>
    %lt3A_15 = arith.constant 0 : i32
    %lt3A_16 = arith.cmpi slt, %select_n3A, %lt3A_15 : i32
    %ne3A_17 = vector.broadcast %lt3A_16 : i1 to vector<16xi1>
    %ne3A_18 = vector.broadcast %ne3A_17 : vector<16xi1> to vector<16xi1>
    %ne3A_19 = arith.xori %lt3A_14, %ne3A_18 : vector<16xi1>
    %and3A = arith.andi %ne3A_19, %ne3A_12 : vector<16xi1>
    %add3A_20 = vector.broadcast %select_n3A : i32 to vector<16xi32>
    %add3A_21 = arith.addi %rem3A_10, %add3A_20 : vector<16xi32>
    %select_n3A_22 = arith.select %and3A, %add3A_21, %rem3A_10 : vector<16xi1>, vector<16xi32>
    %eq3A_23 = arith.constant 0 : i32
    %eq3A_24 = vector.broadcast %eq3A_23 : i32 to vector<16xi32>
    %eq3A_25 = arith.cmpi eq, %select_n3A_22, %eq3A_24 : vector<16xi32>
    %select_n3A_26 = arith.select %eq3A_25, %get3A_3, %rev3A_7 : vector<16xi1>, vector<16xf32>
    %add3A_27 = arith.addf %get3A_3, %rev3A_7 : vector<16xf32>
    %div3A = arith.divf %select_n3A_26, %add3A_27 : vector<16xf32>
    %add3A_28 = arith.constant 0 : i32
    %add3A_29 = arith.addi %mul3A_2, %add3A_28 : i32
    %jit3A_30 = arith.constant 4 : i32
    %div3A_31 = arith.divsi %add3A_29, %jit3A_30 : i32
    %sign3A = arith.constant 0 : i32
    %sign3A_32 = arith.cmpi sgt, %add3A_29, %sign3A : i32
    %sign3A_33 = arith.extui %sign3A_32 : i1 to i32
    %sign3A_34 = arith.constant 0 : i32
    %sign3A_35 = arith.cmpi slt, %add3A_29, %sign3A_34 : i32
    %sign3A_36 = arith.extui %sign3A_35 : i1 to i32
    %sign3A_37 = arith.subi %sign3A_33, %sign3A_36 : i32
    %sign3A_38 = arith.constant 0 : i32
    %sign3A_39 = arith.cmpi sgt, %jit3A_30, %sign3A_38 : i32
    %sign3A_40 = arith.extui %sign3A_39 : i1 to i32
    %sign3A_41 = arith.constant 0 : i32
    %sign3A_42 = arith.cmpi slt, %jit3A_30, %sign3A_41 : i32
    %sign3A_43 = arith.extui %sign3A_42 : i1 to i32
    %sign3A_44 = arith.subi %sign3A_40, %sign3A_43 : i32
    %ne3A_45 = arith.cmpi ne, %sign3A_37, %sign3A_44 : i32
    %rem3A_46 = arith.remsi %add3A_29, %jit3A_30 : i32
    %ne3A_47 = arith.constant 0 : i32
    %ne3A_48 = arith.cmpi ne, %rem3A_46, %ne3A_47 : i32
    %and3A_49 = arith.andi %ne3A_45, %ne3A_48 : i1
    %sub3A = arith.constant 1 : i32
    %sub3A_50 = arith.subi %div3A_31, %sub3A : i32
    %select_n3A_51 = arith.select %and3A_49, %sub3A_50, %div3A_31 : i32
    %jit3A_52 = arith.constant 4 : i32
    %eq3A_53 = arith.constant 0 : i32
    %eq3A_54 = arith.cmpi eq, %jit3A_52, %eq3A_53 : i32
    %jit3A_55 = arith.constant 1 : i32
    %select_n3A_56 = arith.select %eq3A_54, %jit3A_55, %jit3A_52 : i32
    %rem3A_57 = arith.remsi %add3A_29, %select_n3A_56 : i32
    %ne3A_58 = arith.constant 0 : i32
    %ne3A_59 = arith.cmpi ne, %rem3A_57, %ne3A_58 : i32
    %lt3A_60 = arith.constant 0 : i32
    %lt3A_61 = arith.cmpi slt, %rem3A_57, %lt3A_60 : i32
    %lt3A_62 = arith.constant 0 : i32
    %lt3A_63 = arith.cmpi slt, %select_n3A_56, %lt3A_62 : i32
    %ne3A_64 = arith.xori %lt3A_61, %lt3A_63 : i1
    %and3A_65 = arith.andi %ne3A_64, %ne3A_59 : i1
    %add3A_66 = arith.addi %rem3A_57, %select_n3A_56 : i32
    %select_n3A_67 = arith.select %and3A_65, %add3A_66, %rem3A_57 : i32
    %mul3A_68 = arith.constant 8192 : i32
    %mul3A_69 = arith.muli %select_n3A_67, %mul3A_68 : i32
    %add3A_70 = arith.constant 80 : i32
    %add3A_71 = arith.addi %select_n3A_51, %add3A_70 : i32
    %dma_start3A = tpu.memref_slice %arg3[%add3A_71, %mul3A_69] : memref<128x32768xf32, #tpu.memory_space<hbm>> -> memref<1x8192xf32, #tpu.memory_space<hbm>>
    %dma_start3A_72 = tpu.memref_squeeze %dma_start3A : memref<1x8192xf32, #tpu.memory_space<hbm>> -> memref<8192xf32, #tpu.memory_space<hbm>>
    %dma_start3A_73 = tpu.memref_slice %arg3[%add3A_71, %mul3A_69] : memref<128x32768xf32, #tpu.memory_space<hbm>> -> memref<1x8192xf32, #tpu.memory_space<hbm>>
    %dma_start3A_74 = tpu.memref_squeeze %dma_start3A_73 : memref<1x8192xf32, #tpu.memory_space<hbm>> -> memref<8192xf32, #tpu.memory_space<hbm>>
    tpu.enqueue_dma source(%dma_start3A_74 : memref<8192xf32, #tpu.memory_space<hbm>>) target(%arg8 : memref<8192xf32, #tpu.memory_space<vmem>>) target_semaphore(%arg16 : memref<!tpu.dma_semaphore, #tpu.memory_space<semaphore_mem>>)
    %dma_start3A_75 = tpu.memref_slice %arg4[%add3A_71, %mul3A_69] : memref<128x32768xf32, #tpu.memory_space<hbm>> -> memref<1x8192xf32, #tpu.memory_space<hbm>>
    %dma_start3A_76 = tpu.memref_squeeze %dma_start3A_75 : memref<1x8192xf32, #tpu.memory_space<hbm>> -> memref<8192xf32, #tpu.memory_space<hbm>>
    %dma_start3A_77 = tpu.memref_slice %arg4[%add3A_71, %mul3A_69] : memref<128x32768xf32, #tpu.memory_space<hbm>> -> memref<1x8192xf32, #tpu.memory_space<hbm>>
    %dma_start3A_78 = tpu.memref_squeeze %dma_start3A_77 : memref<1x8192xf32, #tpu.memory_space<hbm>> -> memref<8192xf32, #tpu.memory_space<hbm>>
    tpu.enqueue_dma source(%dma_start3A_78 : memref<8192xf32, #tpu.memory_space<hbm>>) target(%arg10 : memref<8192xf32, #tpu.memory_space<vmem>>) target_semaphore(%arg16 : memref<!tpu.dma_semaphore, #tpu.memory_space<semaphore_mem>>)
    %dma_start3A_79 = tpu.memref_slice %arg5[%add3A_71, %mul3A_69] : memref<128x32768xf32, #tpu.memory_space<hbm>> -> memref<1x8192xf32, #tpu.memory_space<hbm>>
    %dma_start3A_80 = tpu.memref_squeeze %dma_start3A_79 : memref<1x8192xf32, #tpu.memory_space<hbm>> -> memref<8192xf32, #tpu.memory_space<hbm>>
    %dma_start3A_81 = tpu.memref_slice %arg5[%add3A_71, %mul3A_69] : memref<128x32768xf32, #tpu.memory_space<hbm>> -> memref<1x8192xf32, #tpu.memory_space<hbm>>
    %dma_start3A_82 = tpu.memref_squeeze %dma_start3A_81 : memref<1x8192xf32, #tpu.memory_space<hbm>> -> memref<8192xf32, #tpu.memory_space<hbm>>
    tpu.enqueue_dma source(%dma_start3A_82 : memref<8192xf32, #tpu.memory_space<hbm>>) target(%arg12 : memref<8192xf32, #tpu.memory_space<vmem>>) target_semaphore(%arg16 : memref<!tpu.dma_semaphore, #tpu.memory_space<semaphore_mem>>)
    %add3A_83 = arith.constant 1 : i32
    %add3A_84 = arith.addi %mul3A_2, %add3A_83 : i32
    %jit3A_85 = arith.constant 4 : i32
    %div3A_86 = arith.divsi %add3A_84, %jit3A_85 : i32
    %sign3A_87 = arith.constant 0 : i32
    %sign3A_88 = arith.cmpi sgt, %add3A_84, %sign3A_87 : i32
    %sign3A_89 = arith.extui %sign3A_88 : i1 to i32
    %sign3A_90 = arith.constant 0 : i32
    %sign3A_91 = arith.cmpi slt, %add3A_84, %sign3A_90 : i32
    %sign3A_92 = arith.extui %sign3A_91 : i1 to i32
    %sign3A_93 = arith.subi %sign3A_89, %sign3A_92 : i32
    %sign3A_94 = arith.constant 0 : i32
    %sign3A_95 = arith.cmpi sgt, %jit3A_85, %sign3A_94 : i32
    %sign3A_96 = arith.extui %sign3A_95 : i1 to i32
    %sign3A_97 = arith.constant 0 : i32
    %sign3A_98 = arith.cmpi slt, %jit3A_85, %sign3A_97 : i32
    %sign3A_99 = arith.extui %sign3A_98 : i1 to i32
    %sign3A_100 = arith.subi %sign3A_96, %sign3A_99 : i32
    %ne3A_101 = arith.cmpi ne, %sign3A_93, %sign3A_100 : i32
    %rem3A_102 = arith.remsi %add3A_84, %jit3A_85 : i32
    %ne3A_103 = arith.constant 0 : i32
    %ne3A_104 = arith.cmpi ne, %rem3A_102, %ne3A_103 : i32
    %and3A_105 = arith.andi %ne3A_101, %ne3A_104 : i1
    %sub3A_106 = arith.constant 1 : i32
    %sub3A_107 = arith.subi %div3A_86, %sub3A_106 : i32
    %select_n3A_108 = arith.select %and3A_105, %sub3A_107, %div3A_86 : i32
    %jit3A_109 = arith.constant 4 : i32
    %eq3A_110 = arith.constant 0 : i32
    %eq3A_111 = arith.cmpi eq, %jit3A_109, %eq3A_110 : i32
    %jit3A_112 = arith.constant 1 : i32
    %select_n3A_113 = arith.select %eq3A_111, %jit3A_112, %jit3A_109 : i32
    %rem3A_114 = arith.remsi %add3A_84, %select_n3A_113 : i32
    %ne3A_115 = arith.constant 0 : i32
    %ne3A_116 = arith.cmpi ne, %rem3A_114, %ne3A_115 : i32
    %lt3A_117 = arith.constant 0 : i32
    %lt3A_118 = arith.cmpi slt, %rem3A_114, %lt3A_117 : i32
    %lt3A_119 = arith.constant 0 : i32
    %lt3A_120 = arith.cmpi slt, %select_n3A_113, %lt3A_119 : i32
    %ne3A_121 = arith.xori %lt3A_118, %lt3A_120 : i1
    %and3A_122 = arith.andi %ne3A_121, %ne3A_116 : i1
    %add3A_123 = arith.addi %rem3A_114, %select_n3A_113 : i32
    %select_n3A_124 = arith.select %and3A_122, %add3A_123, %rem3A_114 : i32
    %mul3A_125 = arith.constant 8192 : i32
    %mul3A_126 = arith.muli %select_n3A_124, %mul3A_125 : i32
    %add3A_127 = arith.constant 80 : i32
    %add3A_128 = arith.addi %select_n3A_108, %add3A_127 : i32
    %dma_start3A_129 = tpu.memref_slice %arg3[%add3A_128, %mul3A_126] : memref<128x32768xf32, #tpu.memory_space<hbm>> -> memref<1x8192xf32, #tpu.memory_space<hbm>>
    %dma_start3A_130 = tpu.memref_squeeze %dma_start3A_129 : memref<1x8192xf32, #tpu.memory_space<hbm>> -> memref<8192xf32, #tpu.memory_space<hbm>>
    %dma_start3A_131 = tpu.memref_slice %arg3[%add3A_128, %mul3A_126] : memref<128x32768xf32, #tpu.memory_space<hbm>> -> memref<1x8192xf32, #tpu.memory_space<hbm>>
    %dma_start3A_132 = tpu.memref_squeeze %dma_start3A_131 : memref<1x8192xf32, #tpu.memory_space<hbm>> -> memref<8192xf32, #tpu.memory_space<hbm>>
    tpu.enqueue_dma source(%dma_start3A_132 : memref<8192xf32, #tpu.memory_space<hbm>>) target(%arg9 : memref<8192xf32, #tpu.memory_space<vmem>>) target_semaphore(%arg17 : memref<!tpu.dma_semaphore, #tpu.memory_space<semaphore_mem>>)
    %dma_start3A_133 = tpu.memref_slice %arg4[%add3A_128, %mul3A_126] : memref<128x32768xf32, #tpu.memory_space<hbm>> -> memref<1x8192xf32, #tpu.memory_space<hbm>>
    %dma_start3A_134 = tpu.memref_squeeze %dma_start3A_133 : memref<1x8192xf32, #tpu.memory_space<hbm>> -> memref<8192xf32, #tpu.memory_space<hbm>>
    %dma_start3A_135 = tpu.memref_slice %arg4[%add3A_128, %mul3A_126] : memref<128x32768xf32, #tpu.memory_space<hbm>> -> memref<1x8192xf32, #tpu.memory_space<hbm>>
    %dma_start3A_136 = tpu.memref_squeeze %dma_start3A_135 : memref<1x8192xf32, #tpu.memory_space<hbm>> -> memref<8192xf32, #tpu.memory_space<hbm>>
    tpu.enqueue_dma source(%dma_start3A_136 : memref<8192xf32, #tpu.memory_space<hbm>>) target(%arg11 : memref<8192xf32, #tpu.memory_space<vmem>>) target_semaphore(%arg17 : memref<!tpu.dma_semaphore, #tpu.memory_space<semaphore_mem>>)
    %dma_start3A_137 = tpu.memref_slice %arg5[%add3A_128, %mul3A_126] : memref<128x32768xf32, #tpu.memory_space<hbm>> -> memref<1x8192xf32, #tpu.memory_space<hbm>>
    %dma_start3A_138 = tpu.memref_squeeze %dma_start3A_137 : memref<1x8192xf32, #tpu.memory_space<hbm>> -> memref<8192xf32, #tpu.memory_space<hbm>>
    %dma_start3A_139 = tpu.memref_slice %arg5[%add3A_128, %mul3A_126] : memref<128x32768xf32, #tpu.memory_space<hbm>> -> memref<1x8192xf32, #tpu.memory_space<hbm>>
    %dma_start3A_140 = tpu.memref_squeeze %dma_start3A_139 : memref<1x8192xf32, #tpu.memory_space<hbm>> -> memref<8192xf32, #tpu.memory_space<hbm>>
    tpu.enqueue_dma source(%dma_start3A_140 : memref<8192xf32, #tpu.memory_space<hbm>>) target(%arg13 : memref<8192xf32, #tpu.memory_space<vmem>>) target_semaphore(%arg17 : memref<!tpu.dma_semaphore, #tpu.memory_space<semaphore_mem>>)
    %dma_wait3A = tpu.memref_slice %arg3[%add3A_71, %mul3A_69] : memref<128x32768xf32, #tpu.memory_space<hbm>> -> memref<1x8192xf32, #tpu.memory_space<hbm>>
    %dma_wait3A_141 = tpu.memref_squeeze %dma_wait3A : memref<1x8192xf32, #tpu.memory_space<hbm>> -> memref<8192xf32, #tpu.memory_space<hbm>>
    %dma_wait3A_142 = tpu.memref_slice %arg3[%add3A_71, %mul3A_69] : memref<128x32768xf32, #tpu.memory_space<hbm>> -> memref<1x8192xf32, #tpu.memory_space<hbm>>
    %dma_wait3A_143 = tpu.memref_squeeze %dma_wait3A_142 : memref<1x8192xf32, #tpu.memory_space<hbm>> -> memref<8192xf32, #tpu.memory_space<hbm>>
    tpu.wait_dma2 semaphore(%arg16 : memref<!tpu.dma_semaphore, #tpu.memory_space<semaphore_mem>>) src(%dma_wait3A_143 : memref<8192xf32, #tpu.memory_space<hbm>>) dst(%arg8 : memref<8192xf32, #tpu.memory_space<vmem>>)
    %dma_wait3A_144 = tpu.memref_slice %arg4[%add3A_71, %mul3A_69] : memref<128x32768xf32, #tpu.memory_space<hbm>> -> memref<1x8192xf32, #tpu.memory_space<hbm>>
    %dma_wait3A_145 = tpu.memref_squeeze %dma_wait3A_144 : memref<1x8192xf32, #tpu.memory_space<hbm>> -> memref<8192xf32, #tpu.memory_space<hbm>>
    %dma_wait3A_146 = tpu.memref_slice %arg4[%add3A_71, %mul3A_69] : memref<128x32768xf32, #tpu.memory_space<hbm>> -> memref<1x8192xf32, #tpu.memory_space<hbm>>
    %dma_wait3A_147 = tpu.memref_squeeze %dma_wait3A_146 : memref<1x8192xf32, #tpu.memory_space<hbm>> -> memref<8192xf32, #tpu.memory_space<hbm>>
    tpu.wait_dma2 semaphore(%arg16 : memref<!tpu.dma_semaphore, #tpu.memory_space<semaphore_mem>>) src(%dma_wait3A_147 : memref<8192xf32, #tpu.memory_space<hbm>>) dst(%arg10 : memref<8192xf32, #tpu.memory_space<vmem>>)
    %dma_wait3A_148 = tpu.memref_slice %arg5[%add3A_71, %mul3A_69] : memref<128x32768xf32, #tpu.memory_space<hbm>> -> memref<1x8192xf32, #tpu.memory_space<hbm>>
    %dma_wait3A_149 = tpu.memref_squeeze %dma_wait3A_148 : memref<1x8192xf32, #tpu.memory_space<hbm>> -> memref<8192xf32, #tpu.memory_space<hbm>>
    %dma_wait3A_150 = tpu.memref_slice %arg5[%add3A_71, %mul3A_69] : memref<128x32768xf32, #tpu.memory_space<hbm>> -> memref<1x8192xf32, #tpu.memory_space<hbm>>
    %dma_wait3A_151 = tpu.memref_squeeze %dma_wait3A_150 : memref<1x8192xf32, #tpu.memory_space<hbm>> -> memref<8192xf32, #tpu.memory_space<hbm>>
    tpu.wait_dma2 semaphore(%arg16 : memref<!tpu.dma_semaphore, #tpu.memory_space<semaphore_mem>>) src(%dma_wait3A_151 : memref<8192xf32, #tpu.memory_space<hbm>>) dst(%arg12 : memref<8192xf32, #tpu.memory_space<vmem>>)
    %parallel_loop3A = arith.constant 0 : i32
    %parallel_loop3A_152 = arith.constant 512 : i32
    %parallel_loop3A_153 = arith.constant 1 : i32
    scf.for %parallel_loop3A_773 = %parallel_loop3A to %parallel_loop3A_152 step %parallel_loop3A_153  : i32 {
      %parallel_loop3A_774 = arith.constant 16 : i32
      %parallel_loop3A_775 = arith.muli %parallel_loop3A_773, %parallel_loop3A_774 : i32
      %parallel_loop3A_776 = arith.index_cast %parallel_loop3A_775 : i32 to index
      %parallel_loop3A_777 = tpu.vector_load %arg10[%parallel_loop3A_776] {strides = array<i32>} : memref<8192xf32, #tpu.memory_space<vmem>>, vector<16xf32>,
      %parallel_loop3A_778 = arith.constant 1.000000e+00 : f32
      %parallel_loop3A_779 = vector.broadcast %parallel_loop3A_778 : f32 to vector<16xf32>
      %parallel_loop3A_780 = arith.subf %parallel_loop3A_779, %parallel_loop3A_777 : vector<16xf32>
      %parallel_loop3A_781 = vector.bitcast %parallel_loop3A_780 : vector<16xf32> to vector<16xi32>
      %parallel_loop3A_782 = arith.sitofp %parallel_loop3A_781 : vector<16xi32> to vector<16xf32>
      %parallel_loop3A_783 = arith.constant 1.1920929E-7 : f32
      %parallel_loop3A_784 = vector.broadcast %parallel_loop3A_783 : f32 to vector<16xf32>
      %parallel_loop3A_785 = arith.mulf %parallel_loop3A_782, %parallel_loop3A_784 : vector<16xf32>
      %parallel_loop3A_786 = arith.constant 1.270000e+02 : f32
      %parallel_loop3A_787 = vector.broadcast %parallel_loop3A_786 : f32 to vector<16xf32>
      %parallel_loop3A_788 = arith.subf %parallel_loop3A_785, %parallel_loop3A_787 : vector<16xf32>
      %parallel_loop3A_789 = arith.constant 8388607 : i32
      %parallel_loop3A_790 = vector.broadcast %parallel_loop3A_789 : i32 to vector<16xi32>
      %parallel_loop3A_791 = arith.andi %parallel_loop3A_781, %parallel_loop3A_790 : vector<16xi32>
      %parallel_loop3A_792 = arith.constant 1065353216 : i32
      %parallel_loop3A_793 = vector.broadcast %parallel_loop3A_792 : i32 to vector<16xi32>
      %parallel_loop3A_794 = arith.ori %parallel_loop3A_791, %parallel_loop3A_793 : vector<16xi32>
      %parallel_loop3A_795 = vector.bitcast %parallel_loop3A_794 : vector<16xi32> to vector<16xf32>
      %parallel_loop3A_796 = arith.constant 1.000000e+00 : f32
      %parallel_loop3A_797 = vector.broadcast %parallel_loop3A_796 : f32 to vector<16xf32>
      %parallel_loop3A_798 = arith.subf %parallel_loop3A_795, %parallel_loop3A_797 : vector<16xf32>
      %parallel_loop3A_799 = arith.constant 1.554460e-01 : f32
      %parallel_loop3A_800 = vector.broadcast %parallel_loop3A_799 : f32 to vector<16xf32>
      %parallel_loop3A_801 = arith.mulf %parallel_loop3A_800, %parallel_loop3A_798 : vector<16xf32>
      %parallel_loop3A_802 = arith.constant -0.572921038 : f32
      %parallel_loop3A_803 = vector.broadcast %parallel_loop3A_802 : f32 to vector<16xf32>
      %parallel_loop3A_804 = arith.addf %parallel_loop3A_801, %parallel_loop3A_803 : vector<16xf32>
      %parallel_loop3A_805 = arith.mulf %parallel_loop3A_804, %parallel_loop3A_798 : vector<16xf32>
      %parallel_loop3A_806 = arith.constant 0.417299807 : f32
      %parallel_loop3A_807 = vector.broadcast %parallel_loop3A_806 : f32 to vector<16xf32>
      %parallel_loop3A_808 = arith.addf %parallel_loop3A_805, %parallel_loop3A_807 : vector<16xf32>
      %parallel_loop3A_809 = arith.mulf %parallel_loop3A_808, %parallel_loop3A_798 : vector<16xf32>
      %parallel_loop3A_810 = arith.constant 7.25217396E-4 : f32
      %parallel_loop3A_811 = vector.broadcast %parallel_loop3A_810 : f32 to vector<16xf32>
      %parallel_loop3A_812 = arith.addf %parallel_loop3A_809, %parallel_loop3A_811 : vector<16xf32>
      %parallel_loop3A_813 = arith.addf %parallel_loop3A_788, %parallel_loop3A_812 : vector<16xf32>
      %parallel_loop3A_814 = arith.constant -0.693147182 : f32
      %parallel_loop3A_815 = vector.broadcast %parallel_loop3A_814 : f32 to vector<16xf32>
      %parallel_loop3A_816 = arith.mulf %parallel_loop3A_815, %parallel_loop3A_813 : vector<16xf32>
      %parallel_loop3A_817 = arith.constant 1.000000e+00 : f32
      %parallel_loop3A_818 = vector.broadcast %parallel_loop3A_817 : f32 to vector<16xf32>
      %parallel_loop3A_819 = arith.divf %parallel_loop3A_816, %parallel_loop3A_818 : vector<16xf32>
      %parallel_loop3A_820 = arith.index_cast %parallel_loop3A_775 : i32 to index
      %parallel_loop3A_821 = tpu.vector_load %arg12[%parallel_loop3A_820] {strides = array<i32>} : memref<8192xf32, #tpu.memory_space<vmem>>, vector<16xf32>,
      %parallel_loop3A_822 = arith.constant 2.000000e-01 : f32
      %parallel_loop3A_823 = vector.broadcast %parallel_loop3A_822 : f32 to vector<16xf32>
      %parallel_loop3A_824 = arith.mulf %parallel_loop3A_823, %parallel_loop3A_821 : vector<16xf32>
      %parallel_loop3A_825 = arith.constant 5.000000e-01 : f32
      %parallel_loop3A_826 = vector.broadcast %parallel_loop3A_825 : f32 to vector<16xf32>
      %parallel_loop3A_827 = arith.addf %parallel_loop3A_826, %parallel_loop3A_824 : vector<16xf32>
      %parallel_loop3A_828 = arith.index_cast %parallel_loop3A_775 : i32 to index
      %parallel_loop3A_829 = tpu.vector_load %arg8[%parallel_loop3A_828] {strides = array<i32>} : memref<8192xf32, #tpu.memory_space<vmem>>, vector<16xf32>,
      %parallel_loop3A_830 = arith.cmpf oge, %parallel_loop3A_829, %div3A : vector<16xf32>
      %parallel_loop3A_831 = arith.select %parallel_loop3A_830, %parallel_loop3A_827, %parallel_loop3A_819 : vector<16xi1>, vector<16xf32>
      %parallel_loop3A_832 = arith.constant 0.000000e+00 : f32
      %parallel_loop3A_833 = arith.constant 1.000000e+01 : f32
      %parallel_loop3A_834 = vector.broadcast %parallel_loop3A_832 : f32 to vector<16xf32>
      %parallel_loop3A_835 = arith.maximumf %parallel_loop3A_834, %parallel_loop3A_831 : vector<16xf32>
      %parallel_loop3A_836 = vector.broadcast %parallel_loop3A_833 : f32 to vector<16xf32>
      %parallel_loop3A_837 = arith.minimumf %parallel_loop3A_836, %parallel_loop3A_835 : vector<16xf32>
      %parallel_loop3A_838 = arith.index_cast %parallel_loop3A_775 : i32 to index
      %parallel_loop3A_839 = tpu.vector_load %arg14[%parallel_loop3A_838] {strides = array<i32>} : memref<8192xf32, #tpu.memory_space<vmem>>, vector<16xf32>,
      tpu.vector_store %arg14[%parallel_loop3A_838], %parallel_loop3A_837 {strides = array<i32>} : memref<8192xf32, #tpu.memory_space<vmem>>, vector<16xf32>,
    } {sc.loop_unroll_factor = 8 : i64, sc.parallel_access}
    %add3A_154 = arith.constant 0 : i32
    %add3A_155 = arith.addi %mul3A_2, %add3A_154 : i32
    %jit3A_156 = arith.constant 4 : i32
    %div3A_157 = arith.divsi %add3A_155, %jit3A_156 : i32
    %sign3A_158 = arith.constant 0 : i32
    %sign3A_159 = arith.cmpi sgt, %add3A_155, %sign3A_158 : i32
    %sign3A_160 = arith.extui %sign3A_159 : i1 to i32
    %sign3A_161 = arith.constant 0 : i32
    %sign3A_162 = arith.cmpi slt, %add3A_155, %sign3A_161 : i32
    %sign3A_163 = arith.extui %sign3A_162 : i1 to i32
    %sign3A_164 = arith.subi %sign3A_160, %sign3A_163 : i32
    %sign3A_165 = arith.constant 0 : i32
    %sign3A_166 = arith.cmpi sgt, %jit3A_156, %sign3A_165 : i32
    %sign3A_167 = arith.extui %sign3A_166 : i1 to i32
    %sign3A_168 = arith.constant 0 : i32
    %sign3A_169 = arith.cmpi slt, %jit3A_156, %sign3A_168 : i32
    %sign3A_170 = arith.extui %sign3A_169 : i1 to i32
    %sign3A_171 = arith.subi %sign3A_167, %sign3A_170 : i32
    %ne3A_172 = arith.cmpi ne, %sign3A_164, %sign3A_171 : i32
    %rem3A_173 = arith.remsi %add3A_155, %jit3A_156 : i32
    %ne3A_174 = arith.constant 0 : i32
    %ne3A_175 = arith.cmpi ne, %rem3A_173, %ne3A_174 : i32
    %and3A_176 = arith.andi %ne3A_172, %ne3A_175 : i1
    %sub3A_177 = arith.constant 1 : i32
    %sub3A_178 = arith.subi %div3A_157, %sub3A_177 : i32
    %select_n3A_179 = arith.select %and3A_176, %sub3A_178, %div3A_157 : i32
    %jit3A_180 = arith.constant 4 : i32
    %eq3A_181 = arith.constant 0 : i32
    %eq3A_182 = arith.cmpi eq, %jit3A_180, %eq3A_181 : i32
    %jit3A_183 = arith.constant 1 : i32
    %select_n3A_184 = arith.select %eq3A_182, %jit3A_183, %jit3A_180 : i32
    %rem3A_185 = arith.remsi %add3A_155, %select_n3A_184 : i32
    %ne3A_186 = arith.constant 0 : i32
    %ne3A_187 = arith.cmpi ne, %rem3A_185, %ne3A_186 : i32
    %lt3A_188 = arith.constant 0 : i32
    %lt3A_189 = arith.cmpi slt, %rem3A_185, %lt3A_188 : i32
    %lt3A_190 = arith.constant 0 : i32
    %lt3A_191 = arith.cmpi slt, %select_n3A_184, %lt3A_190 : i32
    %ne3A_192 = arith.xori %lt3A_189, %lt3A_191 : i1
    %and3A_193 = arith.andi %ne3A_192, %ne3A_187 : i1
    %add3A_194 = arith.addi %rem3A_185, %select_n3A_184 : i32
    %select_n3A_195 = arith.select %and3A_193, %add3A_194, %rem3A_185 : i32
    %mul3A_196 = arith.constant 8192 : i32
    %mul3A_197 = arith.muli %select_n3A_195, %mul3A_196 : i32
    %dma_start3A_198 = tpu.memref_slice %arg6[%select_n3A_179, %mul3A_197] : memref<48x32768xf32, #tpu.memory_space<hbm>> -> memref<1x8192xf32, #tpu.memory_space<hbm>>
    %dma_start3A_199 = tpu.memref_squeeze %dma_start3A_198 : memref<1x8192xf32, #tpu.memory_space<hbm>> -> memref<8192xf32, #tpu.memory_space<hbm>>
    %dma_start3A_200 = tpu.memref_slice %arg6[%select_n3A_179, %mul3A_197] : memref<48x32768xf32, #tpu.memory_space<hbm>> -> memref<1x8192xf32, #tpu.memory_space<hbm>>
    %dma_start3A_201 = tpu.memref_squeeze %dma_start3A_200 : memref<1x8192xf32, #tpu.memory_space<hbm>> -> memref<8192xf32, #tpu.memory_space<hbm>>
    tpu.enqueue_dma source(%arg14 : memref<8192xf32, #tpu.memory_space<vmem>>) target(%dma_start3A_201 : memref<8192xf32, #tpu.memory_space<hbm>>) target_semaphore(%arg18 : memref<!tpu.dma_semaphore, #tpu.memory_space<semaphore_mem>>)
    %add3A_202 = arith.constant 2 : i32
    %add3A_203 = arith.addi %mul3A_2, %add3A_202 : i32
    %jit3A_204 = arith.constant 4 : i32
    %div3A_205 = arith.divsi %add3A_203, %jit3A_204 : i32
    %sign3A_206 = arith.constant 0 : i32
    %sign3A_207 = arith.cmpi sgt, %add3A_203, %sign3A_206 : i32
    %sign3A_208 = arith.extui %sign3A_207 : i1 to i32
    %sign3A_209 = arith.constant 0 : i32
    %sign3A_210 = arith.cmpi slt, %add3A_203, %sign3A_209 : i32
    %sign3A_211 = arith.extui %sign3A_210 : i1 to i32
    %sign3A_212 = arith.subi %sign3A_208, %sign3A_211 : i32
    %sign3A_213 = arith.constant 0 : i32
    %sign3A_214 = arith.cmpi sgt, %jit3A_204, %sign3A_213 : i32
    %sign3A_215 = arith.extui %sign3A_214 : i1 to i32
    %sign3A_216 = arith.constant 0 : i32
    %sign3A_217 = arith.cmpi slt, %jit3A_204, %sign3A_216 : i32
    %sign3A_218 = arith.extui %sign3A_217 : i1 to i32
    %sign3A_219 = arith.subi %sign3A_215, %sign3A_218 : i32
    %ne3A_220 = arith.cmpi ne, %sign3A_212, %sign3A_219 : i32
    %rem3A_221 = arith.remsi %add3A_203, %jit3A_204 : i32
    %ne3A_222 = arith.constant 0 : i32
    %ne3A_223 = arith.cmpi ne, %rem3A_221, %ne3A_222 : i32
    %and3A_224 = arith.andi %ne3A_220, %ne3A_223 : i1
    %sub3A_225 = arith.constant 1 : i32
    %sub3A_226 = arith.subi %div3A_205, %sub3A_225 : i32
    %select_n3A_227 = arith.select %and3A_224, %sub3A_226, %div3A_205 : i32
    %jit3A_228 = arith.constant 4 : i32
    %eq3A_229 = arith.constant 0 : i32
    %eq3A_230 = arith.cmpi eq, %jit3A_228, %eq3A_229 : i32
    %jit3A_231 = arith.constant 1 : i32
    %select_n3A_232 = arith.select %eq3A_230, %jit3A_231, %jit3A_228 : i32
    %rem3A_233 = arith.remsi %add3A_203, %select_n3A_232 : i32
    %ne3A_234 = arith.constant 0 : i32
    %ne3A_235 = arith.cmpi ne, %rem3A_233, %ne3A_234 : i32
    %lt3A_236 = arith.constant 0 : i32
    %lt3A_237 = arith.cmpi slt, %rem3A_233, %lt3A_236 : i32
    %lt3A_238 = arith.constant 0 : i32
    %lt3A_239 = arith.cmpi slt, %select_n3A_232, %lt3A_238 : i32
    %ne3A_240 = arith.xori %lt3A_237, %lt3A_239 : i1
    %and3A_241 = arith.andi %ne3A_240, %ne3A_235 : i1
    %add3A_242 = arith.addi %rem3A_233, %select_n3A_232 : i32
    %select_n3A_243 = arith.select %and3A_241, %add3A_242, %rem3A_233 : i32
    %mul3A_244 = arith.constant 8192 : i32
    %mul3A_245 = arith.muli %select_n3A_243, %mul3A_244 : i32
    %add3A_246 = arith.constant 80 : i32
    %add3A_247 = arith.addi %select_n3A_227, %add3A_246 : i32
    %dma_start3A_248 = tpu.memref_slice %arg3[%add3A_247, %mul3A_245] : memref<128x32768xf32, #tpu.memory_space<hbm>> -> memref<1x8192xf32, #tpu.memory_space<hbm>>
    %dma_start3A_249 = tpu.memref_squeeze %dma_start3A_248 : memref<1x8192xf32, #tpu.memory_space<hbm>> -> memref<8192xf32, #tpu.memory_space<hbm>>
    %dma_start3A_250 = tpu.memref_slice %arg3[%add3A_247, %mul3A_245] : memref<128x32768xf32, #tpu.memory_space<hbm>> -> memref<1x8192xf32, #tpu.memory_space<hbm>>
    %dma_start3A_251 = tpu.memref_squeeze %dma_start3A_250 : memref<1x8192xf32, #tpu.memory_space<hbm>> -> memref<8192xf32, #tpu.memory_space<hbm>>
    tpu.enqueue_dma source(%dma_start3A_251 : memref<8192xf32, #tpu.memory_space<hbm>>) target(%arg8 : memref<8192xf32, #tpu.memory_space<vmem>>) target_semaphore(%arg16 : memref<!tpu.dma_semaphore, #tpu.memory_space<semaphore_mem>>)
    %dma_start3A_252 = tpu.memref_slice %arg4[%add3A_247, %mul3A_245] : memref<128x32768xf32, #tpu.memory_space<hbm>> -> memref<1x8192xf32, #tpu.memory_space<hbm>>
    %dma_start3A_253 = tpu.memref_squeeze %dma_start3A_252 : memref<1x8192xf32, #tpu.memory_space<hbm>> -> memref<8192xf32, #tpu.memory_space<hbm>>
    %dma_start3A_254 = tpu.memref_slice %arg4[%add3A_247, %mul3A_245] : memref<128x32768xf32, #tpu.memory_space<hbm>> -> memref<1x8192xf32, #tpu.memory_space<hbm>>
    %dma_start3A_255 = tpu.memref_squeeze %dma_start3A_254 : memref<1x8192xf32, #tpu.memory_space<hbm>> -> memref<8192xf32, #tpu.memory_space<hbm>>
    tpu.enqueue_dma source(%dma_start3A_255 : memref<8192xf32, #tpu.memory_space<hbm>>) target(%arg10 : memref<8192xf32, #tpu.memory_space<vmem>>) target_semaphore(%arg16 : memref<!tpu.dma_semaphore, #tpu.memory_space<semaphore_mem>>)
    %dma_start3A_256 = tpu.memref_slice %arg5[%add3A_247, %mul3A_245] : memref<128x32768xf32, #tpu.memory_space<hbm>> -> memref<1x8192xf32, #tpu.memory_space<hbm>>
    %dma_start3A_257 = tpu.memref_squeeze %dma_start3A_256 : memref<1x8192xf32, #tpu.memory_space<hbm>> -> memref<8192xf32, #tpu.memory_space<hbm>>
    %dma_start3A_258 = tpu.memref_slice %arg5[%add3A_247, %mul3A_245] : memref<128x32768xf32, #tpu.memory_space<hbm>> -> memref<1x8192xf32, #tpu.memory_space<hbm>>
    %dma_start3A_259 = tpu.memref_squeeze %dma_start3A_258 : memref<1x8192xf32, #tpu.memory_space<hbm>> -> memref<8192xf32, #tpu.memory_space<hbm>>
    tpu.enqueue_dma source(%dma_start3A_259 : memref<8192xf32, #tpu.memory_space<hbm>>) target(%arg12 : memref<8192xf32, #tpu.memory_space<vmem>>) target_semaphore(%arg16 : memref<!tpu.dma_semaphore, #tpu.memory_space<semaphore_mem>>)
    %dma_wait3A_260 = tpu.memref_slice %arg3[%add3A_128, %mul3A_126] : memref<128x32768xf32, #tpu.memory_space<hbm>> -> memref<1x8192xf32, #tpu.memory_space<hbm>>
    %dma_wait3A_261 = tpu.memref_squeeze %dma_wait3A_260 : memref<1x8192xf32, #tpu.memory_space<hbm>> -> memref<8192xf32, #tpu.memory_space<hbm>>
    %dma_wait3A_262 = tpu.memref_slice %arg3[%add3A_128, %mul3A_126] : memref<128x32768xf32, #tpu.memory_space<hbm>> -> memref<1x8192xf32, #tpu.memory_space<hbm>>
    %dma_wait3A_263 = tpu.memref_squeeze %dma_wait3A_262 : memref<1x8192xf32, #tpu.memory_space<hbm>> -> memref<8192xf32, #tpu.memory_space<hbm>>
    tpu.wait_dma2 semaphore(%arg17 : memref<!tpu.dma_semaphore, #tpu.memory_space<semaphore_mem>>) src(%dma_wait3A_263 : memref<8192xf32, #tpu.memory_space<hbm>>) dst(%arg9 : memref<8192xf32, #tpu.memory_space<vmem>>)
    %dma_wait3A_264 = tpu.memref_slice %arg4[%add3A_128, %mul3A_126] : memref<128x32768xf32, #tpu.memory_space<hbm>> -> memref<1x8192xf32, #tpu.memory_space<hbm>>
    %dma_wait3A_265 = tpu.memref_squeeze %dma_wait3A_264 : memref<1x8192xf32, #tpu.memory_space<hbm>> -> memref<8192xf32, #tpu.memory_space<hbm>>
    %dma_wait3A_266 = tpu.memref_slice %arg4[%add3A_128, %mul3A_126] : memref<128x32768xf32, #tpu.memory_space<hbm>> -> memref<1x8192xf32, #tpu.memory_space<hbm>>
    %dma_wait3A_267 = tpu.memref_squeeze %dma_wait3A_266 : memref<1x8192xf32, #tpu.memory_space<hbm>> -> memref<8192xf32, #tpu.memory_space<hbm>>
    tpu.wait_dma2 semaphore(%arg17 : memref<!tpu.dma_semaphore, #tpu.memory_space<semaphore_mem>>) src(%dma_wait3A_267 : memref<8192xf32, #tpu.memory_space<hbm>>) dst(%arg11 : memref<8192xf32, #tpu.memory_space<vmem>>)
    %dma_wait3A_268 = tpu.memref_slice %arg5[%add3A_128, %mul3A_126] : memref<128x32768xf32, #tpu.memory_space<hbm>> -> memref<1x8192xf32, #tpu.memory_space<hbm>>
    %dma_wait3A_269 = tpu.memref_squeeze %dma_wait3A_268 : memref<1x8192xf32, #tpu.memory_space<hbm>> -> memref<8192xf32, #tpu.memory_space<hbm>>
    %dma_wait3A_270 = tpu.memref_slice %arg5[%add3A_128, %mul3A_126] : memref<128x32768xf32, #tpu.memory_space<hbm>> -> memref<1x8192xf32, #tpu.memory_space<hbm>>
    %dma_wait3A_271 = tpu.memref_squeeze %dma_wait3A_270 : memref<1x8192xf32, #tpu.memory_space<hbm>> -> memref<8192xf32, #tpu.memory_space<hbm>>
    tpu.wait_dma2 semaphore(%arg17 : memref<!tpu.dma_semaphore, #tpu.memory_space<semaphore_mem>>) src(%dma_wait3A_271 : memref<8192xf32, #tpu.memory_space<hbm>>) dst(%arg13 : memref<8192xf32, #tpu.memory_space<vmem>>)
    %parallel_loop3A_272 = arith.constant 0 : i32
    %parallel_loop3A_273 = arith.constant 512 : i32
    %parallel_loop3A_274 = arith.constant 1 : i32
    scf.for %parallel_loop3A_773 = %parallel_loop3A_272 to %parallel_loop3A_273 step %parallel_loop3A_274  : i32 {
      %parallel_loop3A_774 = arith.constant 16 : i32
      %parallel_loop3A_775 = arith.muli %parallel_loop3A_773, %parallel_loop3A_774 : i32
      %parallel_loop3A_776 = arith.index_cast %parallel_loop3A_775 : i32 to index
      %parallel_loop3A_777 = tpu.vector_load %arg11[%parallel_loop3A_776] {strides = array<i32>} : memref<8192xf32, #tpu.memory_space<vmem>>, vector<16xf32>,
      %parallel_loop3A_778 = arith.constant 1.000000e+00 : f32
      %parallel_loop3A_779 = vector.broadcast %parallel_loop3A_778 : f32 to vector<16xf32>
      %parallel_loop3A_780 = arith.subf %parallel_loop3A_779, %parallel_loop3A_777 : vector<16xf32>
      %parallel_loop3A_781 = vector.bitcast %parallel_loop3A_780 : vector<16xf32> to vector<16xi32>
      %parallel_loop3A_782 = arith.sitofp %parallel_loop3A_781 : vector<16xi32> to vector<16xf32>
      %parallel_loop3A_783 = arith.constant 1.1920929E-7 : f32
      %parallel_loop3A_784 = vector.broadcast %parallel_loop3A_783 : f32 to vector<16xf32>
      %parallel_loop3A_785 = arith.mulf %parallel_loop3A_782, %parallel_loop3A_784 : vector<16xf32>
      %parallel_loop3A_786 = arith.constant 1.270000e+02 : f32
      %parallel_loop3A_787 = vector.broadcast %parallel_loop3A_786 : f32 to vector<16xf32>
      %parallel_loop3A_788 = arith.subf %parallel_loop3A_785, %parallel_loop3A_787 : vector<16xf32>
      %parallel_loop3A_789 = arith.constant 8388607 : i32
      %parallel_loop3A_790 = vector.broadcast %parallel_loop3A_789 : i32 to vector<16xi32>
      %parallel_loop3A_791 = arith.andi %parallel_loop3A_781, %parallel_loop3A_790 : vector<16xi32>
      %parallel_loop3A_792 = arith.constant 1065353216 : i32
      %parallel_loop3A_793 = vector.broadcast %parallel_loop3A_792 : i32 to vector<16xi32>
      %parallel_loop3A_794 = arith.ori %parallel_loop3A_791, %parallel_loop3A_793 : vector<16xi32>
      %parallel_loop3A_795 = vector.bitcast %parallel_loop3A_794 : vector<16xi32> to vector<16xf32>
      %parallel_loop3A_796 = arith.constant 1.000000e+00 : f32
      %parallel_loop3A_797 = vector.broadcast %parallel_loop3A_796 : f32 to vector<16xf32>
      %parallel_loop3A_798 = arith.subf %parallel_loop3A_795, %parallel_loop3A_797 : vector<16xf32>
      %parallel_loop3A_799 = arith.constant 1.554460e-01 : f32
      %parallel_loop3A_800 = vector.broadcast %parallel_loop3A_799 : f32 to vector<16xf32>
      %parallel_loop3A_801 = arith.mulf %parallel_loop3A_800, %parallel_loop3A_798 : vector<16xf32>
      %parallel_loop3A_802 = arith.constant -0.572921038 : f32
      %parallel_loop3A_803 = vector.broadcast %parallel_loop3A_802 : f32 to vector<16xf32>
      %parallel_loop3A_804 = arith.addf %parallel_loop3A_801, %parallel_loop3A_803 : vector<16xf32>
      %parallel_loop3A_805 = arith.mulf %parallel_loop3A_804, %parallel_loop3A_798 : vector<16xf32>
      %parallel_loop3A_806 = arith.constant 0.417299807 : f32
      %parallel_loop3A_807 = vector.broadcast %parallel_loop3A_806 : f32 to vector<16xf32>
      %parallel_loop3A_808 = arith.addf %parallel_loop3A_805, %parallel_loop3A_807 : vector<16xf32>
      %parallel_loop3A_809 = arith.mulf %parallel_loop3A_808, %parallel_loop3A_798 : vector<16xf32>
      %parallel_loop3A_810 = arith.constant 7.25217396E-4 : f32
      %parallel_loop3A_811 = vector.broadcast %parallel_loop3A_810 : f32 to vector<16xf32>
      %parallel_loop3A_812 = arith.addf %parallel_loop3A_809, %parallel_loop3A_811 : vector<16xf32>
      %parallel_loop3A_813 = arith.addf %parallel_loop3A_788, %parallel_loop3A_812 : vector<16xf32>
      %parallel_loop3A_814 = arith.constant -0.693147182 : f32
      %parallel_loop3A_815 = vector.broadcast %parallel_loop3A_814 : f32 to vector<16xf32>
      %parallel_loop3A_816 = arith.mulf %parallel_loop3A_815, %parallel_loop3A_813 : vector<16xf32>
      %parallel_loop3A_817 = arith.constant 1.000000e+00 : f32
      %parallel_loop3A_818 = vector.broadcast %parallel_loop3A_817 : f32 to vector<16xf32>
      %parallel_loop3A_819 = arith.divf %parallel_loop3A_816, %parallel_loop3A_818 : vector<16xf32>
      %parallel_loop3A_820 = arith.index_cast %parallel_loop3A_775 : i32 to index
      %parallel_loop3A_821 = tpu.vector_load %arg13[%parallel_loop3A_820] {strides = array<i32>} : memref<8192xf32, #tpu.memory_space<vmem>>, vector<16xf32>,
      %parallel_loop3A_822 = arith.constant 2.000000e-01 : f32
      %parallel_loop3A_823 = vector.broadcast %parallel_loop3A_822 : f32 to vector<16xf32>
      %parallel_loop3A_824 = arith.mulf %parallel_loop3A_823, %parallel_loop3A_821 : vector<16xf32>
      %parallel_loop3A_825 = arith.constant 5.000000e-01 : f32
      %parallel_loop3A_826 = vector.broadcast %parallel_loop3A_825 : f32 to vector<16xf32>
      %parallel_loop3A_827 = arith.addf %parallel_loop3A_826, %parallel_loop3A_824 : vector<16xf32>
      %parallel_loop3A_828 = arith.index_cast %parallel_loop3A_775 : i32 to index
      %parallel_loop3A_829 = tpu.vector_load %arg9[%parallel_loop3A_828] {strides = array<i32>} : memref<8192xf32, #tpu.memory_space<vmem>>, vector<16xf32>,
      %parallel_loop3A_830 = arith.cmpf oge, %parallel_loop3A_829, %div3A : vector<16xf32>
      %parallel_loop3A_831 = arith.select %parallel_loop3A_830, %parallel_loop3A_827, %parallel_loop3A_819 : vector<16xi1>, vector<16xf32>
      %parallel_loop3A_832 = arith.constant 0.000000e+00 : f32
      %parallel_loop3A_833 = arith.constant 1.000000e+01 : f32
      %parallel_loop3A_834 = vector.broadcast %parallel_loop3A_832 : f32 to vector<16xf32>
      %parallel_loop3A_835 = arith.maximumf %parallel_loop3A_834, %parallel_loop3A_831 : vector<16xf32>
      %parallel_loop3A_836 = vector.broadcast %parallel_loop3A_833 : f32 to vector<16xf32>
      %parallel_loop3A_837 = arith.minimumf %parallel_loop3A_836, %parallel_loop3A_835 : vector<16xf32>
      %parallel_loop3A_838 = arith.index_cast %parallel_loop3A_775 : i32 to index
      %parallel_loop3A_839 = tpu.vector_load %arg15[%parallel_loop3A_838] {strides = array<i32>} : memref<8192xf32, #tpu.memory_space<vmem>>, vector<16xf32>,
      tpu.vector_store %arg15[%parallel_loop3A_838], %parallel_loop3A_837 {strides = array<i32>} : memref<8192xf32, #tpu.memory_space<vmem>>, vector<16xf32>,
    } {sc.loop_unroll_factor = 8 : i64, sc.parallel_access}
    %add3A_275 = arith.constant 1 : i32
    %add3A_276 = arith.addi %mul3A_2, %add3A_275 : i32
    %jit3A_277 = arith.constant 4 : i32
    %div3A_278 = arith.divsi %add3A_276, %jit3A_277 : i32
    %sign3A_279 = arith.constant 0 : i32
    %sign3A_280 = arith.cmpi sgt, %add3A_276, %sign3A_279 : i32
    %sign3A_281 = arith.extui %sign3A_280 : i1 to i32
    %sign3A_282 = arith.constant 0 : i32
    %sign3A_283 = arith.cmpi slt, %add3A_276, %sign3A_282 : i32
    %sign3A_284 = arith.extui %sign3A_283 : i1 to i32
    %sign3A_285 = arith.subi %sign3A_281, %sign3A_284 : i32
    %sign3A_286 = arith.constant 0 : i32
    %sign3A_287 = arith.cmpi sgt, %jit3A_277, %sign3A_286 : i32
    %sign3A_288 = arith.extui %sign3A_287 : i1 to i32
    %sign3A_289 = arith.constant 0 : i32
    %sign3A_290 = arith.cmpi slt, %jit3A_277, %sign3A_289 : i32
    %sign3A_291 = arith.extui %sign3A_290 : i1 to i32
    %sign3A_292 = arith.subi %sign3A_288, %sign3A_291 : i32
    %ne3A_293 = arith.cmpi ne, %sign3A_285, %sign3A_292 : i32
    %rem3A_294 = arith.remsi %add3A_276, %jit3A_277 : i32
    %ne3A_295 = arith.constant 0 : i32
    %ne3A_296 = arith.cmpi ne, %rem3A_294, %ne3A_295 : i32
    %and3A_297 = arith.andi %ne3A_293, %ne3A_296 : i1
    %sub3A_298 = arith.constant 1 : i32
    %sub3A_299 = arith.subi %div3A_278, %sub3A_298 : i32
    %select_n3A_300 = arith.select %and3A_297, %sub3A_299, %div3A_278 : i32
    %jit3A_301 = arith.constant 4 : i32
    %eq3A_302 = arith.constant 0 : i32
    %eq3A_303 = arith.cmpi eq, %jit3A_301, %eq3A_302 : i32
    %jit3A_304 = arith.constant 1 : i32
    %select_n3A_305 = arith.select %eq3A_303, %jit3A_304, %jit3A_301 : i32
    %rem3A_306 = arith.remsi %add3A_276, %select_n3A_305 : i32
    %ne3A_307 = arith.constant 0 : i32
    %ne3A_308 = arith.cmpi ne, %rem3A_306, %ne3A_307 : i32
    %lt3A_309 = arith.constant 0 : i32
    %lt3A_310 = arith.cmpi slt, %rem3A_306, %lt3A_309 : i32
    %lt3A_311 = arith.constant 0 : i32
    %lt3A_312 = arith.cmpi slt, %select_n3A_305, %lt3A_311 : i32
    %ne3A_313 = arith.xori %lt3A_310, %lt3A_312 : i1
    %and3A_314 = arith.andi %ne3A_313, %ne3A_308 : i1
    %add3A_315 = arith.addi %rem3A_306, %select_n3A_305 : i32
    %select_n3A_316 = arith.select %and3A_314, %add3A_315, %rem3A_306 : i32
    %mul3A_317 = arith.constant 8192 : i32
    %mul3A_318 = arith.muli %select_n3A_316, %mul3A_317 : i32
    %dma_start3A_319 = tpu.memref_slice %arg6[%select_n3A_300, %mul3A_318] : memref<48x32768xf32, #tpu.memory_space<hbm>> -> memref<1x8192xf32, #tpu.memory_space<hbm>>
    %dma_start3A_320 = tpu.memref_squeeze %dma_start3A_319 : memref<1x8192xf32, #tpu.memory_space<hbm>> -> memref<8192xf32, #tpu.memory_space<hbm>>
    %dma_start3A_321 = tpu.memref_slice %arg6[%select_n3A_300, %mul3A_318] : memref<48x32768xf32, #tpu.memory_space<hbm>> -> memref<1x8192xf32, #tpu.memory_space<hbm>>
    %dma_start3A_322 = tpu.memref_squeeze %dma_start3A_321 : memref<1x8192xf32, #tpu.memory_space<hbm>> -> memref<8192xf32, #tpu.memory_space<hbm>>
    tpu.enqueue_dma source(%arg15 : memref<8192xf32, #tpu.memory_space<vmem>>) target(%dma_start3A_322 : memref<8192xf32, #tpu.memory_space<hbm>>) target_semaphore(%arg19 : memref<!tpu.dma_semaphore, #tpu.memory_space<semaphore_mem>>)
    %add3A_323 = arith.constant 3 : i32
    %add3A_324 = arith.addi %mul3A_2, %add3A_323 : i32
    %jit3A_325 = arith.constant 4 : i32
    %div3A_326 = arith.divsi %add3A_324, %jit3A_325 : i32
    %sign3A_327 = arith.constant 0 : i32
    %sign3A_328 = arith.cmpi sgt, %add3A_324, %sign3A_327 : i32
    %sign3A_329 = arith.extui %sign3A_328 : i1 to i32
    %sign3A_330 = arith.constant 0 : i32
    %sign3A_331 = arith.cmpi slt, %add3A_324, %sign3A_330 : i32
    %sign3A_332 = arith.extui %sign3A_331 : i1 to i32
    %sign3A_333 = arith.subi %sign3A_329, %sign3A_332 : i32
    %sign3A_334 = arith.constant 0 : i32
    %sign3A_335 = arith.cmpi sgt, %jit3A_325, %sign3A_334 : i32
    %sign3A_336 = arith.extui %sign3A_335 : i1 to i32
    %sign3A_337 = arith.constant 0 : i32
    %sign3A_338 = arith.cmpi slt, %jit3A_325, %sign3A_337 : i32
    %sign3A_339 = arith.extui %sign3A_338 : i1 to i32
    %sign3A_340 = arith.subi %sign3A_336, %sign3A_339 : i32
    %ne3A_341 = arith.cmpi ne, %sign3A_333, %sign3A_340 : i32
    %rem3A_342 = arith.remsi %add3A_324, %jit3A_325 : i32
    %ne3A_343 = arith.constant 0 : i32
    %ne3A_344 = arith.cmpi ne, %rem3A_342, %ne3A_343 : i32
    %and3A_345 = arith.andi %ne3A_341, %ne3A_344 : i1
    %sub3A_346 = arith.constant 1 : i32
    %sub3A_347 = arith.subi %div3A_326, %sub3A_346 : i32
    %select_n3A_348 = arith.select %and3A_345, %sub3A_347, %div3A_326 : i32
    %jit3A_349 = arith.constant 4 : i32
    %eq3A_350 = arith.constant 0 : i32
    %eq3A_351 = arith.cmpi eq, %jit3A_349, %eq3A_350 : i32
    %jit3A_352 = arith.constant 1 : i32
    %select_n3A_353 = arith.select %eq3A_351, %jit3A_352, %jit3A_349 : i32
    %rem3A_354 = arith.remsi %add3A_324, %select_n3A_353 : i32
    %ne3A_355 = arith.constant 0 : i32
    %ne3A_356 = arith.cmpi ne, %rem3A_354, %ne3A_355 : i32
    %lt3A_357 = arith.constant 0 : i32
    %lt3A_358 = arith.cmpi slt, %rem3A_354, %lt3A_357 : i32
    %lt3A_359 = arith.constant 0 : i32
    %lt3A_360 = arith.cmpi slt, %select_n3A_353, %lt3A_359 : i32
    %ne3A_361 = arith.xori %lt3A_358, %lt3A_360 : i1
    %and3A_362 = arith.andi %ne3A_361, %ne3A_356 : i1
    %add3A_363 = arith.addi %rem3A_354, %select_n3A_353 : i32
    %select_n3A_364 = arith.select %and3A_362, %add3A_363, %rem3A_354 : i32
    %mul3A_365 = arith.constant 8192 : i32
    %mul3A_366 = arith.muli %select_n3A_364, %mul3A_365 : i32
    %add3A_367 = arith.constant 80 : i32
    %add3A_368 = arith.addi %select_n3A_348, %add3A_367 : i32
    %dma_start3A_369 = tpu.memref_slice %arg3[%add3A_368, %mul3A_366] : memref<128x32768xf32, #tpu.memory_space<hbm>> -> memref<1x8192xf32, #tpu.memory_space<hbm>>
    %dma_start3A_370 = tpu.memref_squeeze %dma_start3A_369 : memref<1x8192xf32, #tpu.memory_space<hbm>> -> memref<8192xf32, #tpu.memory_space<hbm>>
    %dma_start3A_371 = tpu.memref_slice %arg3[%add3A_368, %mul3A_366] : memref<128x32768xf32, #tpu.memory_space<hbm>> -> memref<1x8192xf32, #tpu.memory_space<hbm>>
    %dma_start3A_372 = tpu.memref_squeeze %dma_start3A_371 : memref<1x8192xf32, #tpu.memory_space<hbm>> -> memref<8192xf32, #tpu.memory_space<hbm>>
    tpu.enqueue_dma source(%dma_start3A_372 : memref<8192xf32, #tpu.memory_space<hbm>>) target(%arg9 : memref<8192xf32, #tpu.memory_space<vmem>>) target_semaphore(%arg17 : memref<!tpu.dma_semaphore, #tpu.memory_space<semaphore_mem>>)
    %dma_start3A_373 = tpu.memref_slice %arg4[%add3A_368, %mul3A_366] : memref<128x32768xf32, #tpu.memory_space<hbm>> -> memref<1x8192xf32, #tpu.memory_space<hbm>>
    %dma_start3A_374 = tpu.memref_squeeze %dma_start3A_373 : memref<1x8192xf32, #tpu.memory_space<hbm>> -> memref<8192xf32, #tpu.memory_space<hbm>>
    %dma_start3A_375 = tpu.memref_slice %arg4[%add3A_368, %mul3A_366] : memref<128x32768xf32, #tpu.memory_space<hbm>> -> memref<1x8192xf32, #tpu.memory_space<hbm>>
    %dma_start3A_376 = tpu.memref_squeeze %dma_start3A_375 : memref<1x8192xf32, #tpu.memory_space<hbm>> -> memref<8192xf32, #tpu.memory_space<hbm>>
    tpu.enqueue_dma source(%dma_start3A_376 : memref<8192xf32, #tpu.memory_space<hbm>>) target(%arg11 : memref<8192xf32, #tpu.memory_space<vmem>>) target_semaphore(%arg17 : memref<!tpu.dma_semaphore, #tpu.memory_space<semaphore_mem>>)
    %dma_start3A_377 = tpu.memref_slice %arg5[%add3A_368, %mul3A_366] : memref<128x32768xf32, #tpu.memory_space<hbm>> -> memref<1x8192xf32, #tpu.memory_space<hbm>>
    %dma_start3A_378 = tpu.memref_squeeze %dma_start3A_377 : memref<1x8192xf32, #tpu.memory_space<hbm>> -> memref<8192xf32, #tpu.memory_space<hbm>>
    %dma_start3A_379 = tpu.memref_slice %arg5[%add3A_368, %mul3A_366] : memref<128x32768xf32, #tpu.memory_space<hbm>> -> memref<1x8192xf32, #tpu.memory_space<hbm>>
    %dma_start3A_380 = tpu.memref_squeeze %dma_start3A_379 : memref<1x8192xf32, #tpu.memory_space<hbm>> -> memref<8192xf32, #tpu.memory_space<hbm>>
    tpu.enqueue_dma source(%dma_start3A_380 : memref<8192xf32, #tpu.memory_space<hbm>>) target(%arg13 : memref<8192xf32, #tpu.memory_space<vmem>>) target_semaphore(%arg17 : memref<!tpu.dma_semaphore, #tpu.memory_space<semaphore_mem>>)
    %dma_wait3A_381 = tpu.memref_slice %arg3[%add3A_247, %mul3A_245] : memref<128x32768xf32, #tpu.memory_space<hbm>> -> memref<1x8192xf32, #tpu.memory_space<hbm>>
    %dma_wait3A_382 = tpu.memref_squeeze %dma_wait3A_381 : memref<1x8192xf32, #tpu.memory_space<hbm>> -> memref<8192xf32, #tpu.memory_space<hbm>>
    %dma_wait3A_383 = tpu.memref_slice %arg3[%add3A_247, %mul3A_245] : memref<128x32768xf32, #tpu.memory_space<hbm>> -> memref<1x8192xf32, #tpu.memory_space<hbm>>
    %dma_wait3A_384 = tpu.memref_squeeze %dma_wait3A_383 : memref<1x8192xf32, #tpu.memory_space<hbm>> -> memref<8192xf32, #tpu.memory_space<hbm>>
    tpu.wait_dma2 semaphore(%arg16 : memref<!tpu.dma_semaphore, #tpu.memory_space<semaphore_mem>>) src(%dma_wait3A_384 : memref<8192xf32, #tpu.memory_space<hbm>>) dst(%arg8 : memref<8192xf32, #tpu.memory_space<vmem>>)
    %dma_wait3A_385 = tpu.memref_slice %arg4[%add3A_247, %mul3A_245] : memref<128x32768xf32, #tpu.memory_space<hbm>> -> memref<1x8192xf32, #tpu.memory_space<hbm>>
    %dma_wait3A_386 = tpu.memref_squeeze %dma_wait3A_385 : memref<1x8192xf32, #tpu.memory_space<hbm>> -> memref<8192xf32, #tpu.memory_space<hbm>>
    %dma_wait3A_387 = tpu.memref_slice %arg4[%add3A_247, %mul3A_245] : memref<128x32768xf32, #tpu.memory_space<hbm>> -> memref<1x8192xf32, #tpu.memory_space<hbm>>
    %dma_wait3A_388 = tpu.memref_squeeze %dma_wait3A_387 : memref<1x8192xf32, #tpu.memory_space<hbm>> -> memref<8192xf32, #tpu.memory_space<hbm>>
    tpu.wait_dma2 semaphore(%arg16 : memref<!tpu.dma_semaphore, #tpu.memory_space<semaphore_mem>>) src(%dma_wait3A_388 : memref<8192xf32, #tpu.memory_space<hbm>>) dst(%arg10 : memref<8192xf32, #tpu.memory_space<vmem>>)
    %dma_wait3A_389 = tpu.memref_slice %arg5[%add3A_247, %mul3A_245] : memref<128x32768xf32, #tpu.memory_space<hbm>> -> memref<1x8192xf32, #tpu.memory_space<hbm>>
    %dma_wait3A_390 = tpu.memref_squeeze %dma_wait3A_389 : memref<1x8192xf32, #tpu.memory_space<hbm>> -> memref<8192xf32, #tpu.memory_space<hbm>>
    %dma_wait3A_391 = tpu.memref_slice %arg5[%add3A_247, %mul3A_245] : memref<128x32768xf32, #tpu.memory_space<hbm>> -> memref<1x8192xf32, #tpu.memory_space<hbm>>
    %dma_wait3A_392 = tpu.memref_squeeze %dma_wait3A_391 : memref<1x8192xf32, #tpu.memory_space<hbm>> -> memref<8192xf32, #tpu.memory_space<hbm>>
    tpu.wait_dma2 semaphore(%arg16 : memref<!tpu.dma_semaphore, #tpu.memory_space<semaphore_mem>>) src(%dma_wait3A_392 : memref<8192xf32, #tpu.memory_space<hbm>>) dst(%arg12 : memref<8192xf32, #tpu.memory_space<vmem>>)
    %dma_wait3A_393 = tpu.memref_slice %arg6[%select_n3A_179, %mul3A_197] : memref<48x32768xf32, #tpu.memory_space<hbm>> -> memref<1x8192xf32, #tpu.memory_space<hbm>>
    %dma_wait3A_394 = tpu.memref_squeeze %dma_wait3A_393 : memref<1x8192xf32, #tpu.memory_space<hbm>> -> memref<8192xf32, #tpu.memory_space<hbm>>
    %dma_wait3A_395 = tpu.memref_slice %arg6[%select_n3A_179, %mul3A_197] : memref<48x32768xf32, #tpu.memory_space<hbm>> -> memref<1x8192xf32, #tpu.memory_space<hbm>>
    %dma_wait3A_396 = tpu.memref_squeeze %dma_wait3A_395 : memref<1x8192xf32, #tpu.memory_space<hbm>> -> memref<8192xf32, #tpu.memory_space<hbm>>
    tpu.wait_dma2 semaphore(%arg18 : memref<!tpu.dma_semaphore, #tpu.memory_space<semaphore_mem>>) src(%arg14 : memref<8192xf32, #tpu.memory_space<vmem>>) dst(%dma_wait3A_396 : memref<8192xf32, #tpu.memory_space<hbm>>)
    %parallel_loop3A_397 = arith.constant 0 : i32
    %parallel_loop3A_398 = arith.constant 512 : i32
    %parallel_loop3A_399 = arith.constant 1 : i32
    scf.for %parallel_loop3A_773 = %parallel_loop3A_397 to %parallel_loop3A_398 step %parallel_loop3A_399  : i32 {
      %parallel_loop3A_774 = arith.constant 16 : i32
      %parallel_loop3A_775 = arith.muli %parallel_loop3A_773, %parallel_loop3A_774 : i32
      %parallel_loop3A_776 = arith.index_cast %parallel_loop3A_775 : i32 to index
      %parallel_loop3A_777 = tpu.vector_load %arg10[%parallel_loop3A_776] {strides = array<i32>} : memref<8192xf32, #tpu.memory_space<vmem>>, vector<16xf32>,
      %parallel_loop3A_778 = arith.constant 1.000000e+00 : f32
      %parallel_loop3A_779 = vector.broadcast %parallel_loop3A_778 : f32 to vector<16xf32>
      %parallel_loop3A_780 = arith.subf %parallel_loop3A_779, %parallel_loop3A_777 : vector<16xf32>
      %parallel_loop3A_781 = vector.bitcast %parallel_loop3A_780 : vector<16xf32> to vector<16xi32>
      %parallel_loop3A_782 = arith.sitofp %parallel_loop3A_781 : vector<16xi32> to vector<16xf32>
      %parallel_loop3A_783 = arith.constant 1.1920929E-7 : f32
      %parallel_loop3A_784 = vector.broadcast %parallel_loop3A_783 : f32 to vector<16xf32>
      %parallel_loop3A_785 = arith.mulf %parallel_loop3A_782, %parallel_loop3A_784 : vector<16xf32>
      %parallel_loop3A_786 = arith.constant 1.270000e+02 : f32
      %parallel_loop3A_787 = vector.broadcast %parallel_loop3A_786 : f32 to vector<16xf32>
      %parallel_loop3A_788 = arith.subf %parallel_loop3A_785, %parallel_loop3A_787 : vector<16xf32>
      %parallel_loop3A_789 = arith.constant 8388607 : i32
      %parallel_loop3A_790 = vector.broadcast %parallel_loop3A_789 : i32 to vector<16xi32>
      %parallel_loop3A_791 = arith.andi %parallel_loop3A_781, %parallel_loop3A_790 : vector<16xi32>
      %parallel_loop3A_792 = arith.constant 1065353216 : i32
      %parallel_loop3A_793 = vector.broadcast %parallel_loop3A_792 : i32 to vector<16xi32>
      %parallel_loop3A_794 = arith.ori %parallel_loop3A_791, %parallel_loop3A_793 : vector<16xi32>
      %parallel_loop3A_795 = vector.bitcast %parallel_loop3A_794 : vector<16xi32> to vector<16xf32>
      %parallel_loop3A_796 = arith.constant 1.000000e+00 : f32
      %parallel_loop3A_797 = vector.broadcast %parallel_loop3A_796 : f32 to vector<16xf32>
      %parallel_loop3A_798 = arith.subf %parallel_loop3A_795, %parallel_loop3A_797 : vector<16xf32>
      %parallel_loop3A_799 = arith.constant 1.554460e-01 : f32
      %parallel_loop3A_800 = vector.broadcast %parallel_loop3A_799 : f32 to vector<16xf32>
      %parallel_loop3A_801 = arith.mulf %parallel_loop3A_800, %parallel_loop3A_798 : vector<16xf32>
      %parallel_loop3A_802 = arith.constant -0.572921038 : f32
      %parallel_loop3A_803 = vector.broadcast %parallel_loop3A_802 : f32 to vector<16xf32>
      %parallel_loop3A_804 = arith.addf %parallel_loop3A_801, %parallel_loop3A_803 : vector<16xf32>
      %parallel_loop3A_805 = arith.mulf %parallel_loop3A_804, %parallel_loop3A_798 : vector<16xf32>
      %parallel_loop3A_806 = arith.constant 0.417299807 : f32
      %parallel_loop3A_807 = vector.broadcast %parallel_loop3A_806 : f32 to vector<16xf32>
      %parallel_loop3A_808 = arith.addf %parallel_loop3A_805, %parallel_loop3A_807 : vector<16xf32>
      %parallel_loop3A_809 = arith.mulf %parallel_loop3A_808, %parallel_loop3A_798 : vector<16xf32>
      %parallel_loop3A_810 = arith.constant 7.25217396E-4 : f32
      %parallel_loop3A_811 = vector.broadcast %parallel_loop3A_810 : f32 to vector<16xf32>
      %parallel_loop3A_812 = arith.addf %parallel_loop3A_809, %parallel_loop3A_811 : vector<16xf32>
      %parallel_loop3A_813 = arith.addf %parallel_loop3A_788, %parallel_loop3A_812 : vector<16xf32>
      %parallel_loop3A_814 = arith.constant -0.693147182 : f32
      %parallel_loop3A_815 = vector.broadcast %parallel_loop3A_814 : f32 to vector<16xf32>
      %parallel_loop3A_816 = arith.mulf %parallel_loop3A_815, %parallel_loop3A_813 : vector<16xf32>
      %parallel_loop3A_817 = arith.constant 1.000000e+00 : f32
      %parallel_loop3A_818 = vector.broadcast %parallel_loop3A_817 : f32 to vector<16xf32>
      %parallel_loop3A_819 = arith.divf %parallel_loop3A_816, %parallel_loop3A_818 : vector<16xf32>
      %parallel_loop3A_820 = arith.index_cast %parallel_loop3A_775 : i32 to index
      %parallel_loop3A_821 = tpu.vector_load %arg12[%parallel_loop3A_820] {strides = array<i32>} : memref<8192xf32, #tpu.memory_space<vmem>>, vector<16xf32>,
      %parallel_loop3A_822 = arith.constant 2.000000e-01 : f32
      %parallel_loop3A_823 = vector.broadcast %parallel_loop3A_822 : f32 to vector<16xf32>
      %parallel_loop3A_824 = arith.mulf %parallel_loop3A_823, %parallel_loop3A_821 : vector<16xf32>
      %parallel_loop3A_825 = arith.constant 5.000000e-01 : f32
      %parallel_loop3A_826 = vector.broadcast %parallel_loop3A_825 : f32 to vector<16xf32>
      %parallel_loop3A_827 = arith.addf %parallel_loop3A_826, %parallel_loop3A_824 : vector<16xf32>
      %parallel_loop3A_828 = arith.index_cast %parallel_loop3A_775 : i32 to index
      %parallel_loop3A_829 = tpu.vector_load %arg8[%parallel_loop3A_828] {strides = array<i32>} : memref<8192xf32, #tpu.memory_space<vmem>>, vector<16xf32>,
      %parallel_loop3A_830 = arith.cmpf oge, %parallel_loop3A_829, %div3A : vector<16xf32>
      %parallel_loop3A_831 = arith.select %parallel_loop3A_830, %parallel_loop3A_827, %parallel_loop3A_819 : vector<16xi1>, vector<16xf32>
      %parallel_loop3A_832 = arith.constant 0.000000e+00 : f32
      %parallel_loop3A_833 = arith.constant 1.000000e+01 : f32
      %parallel_loop3A_834 = vector.broadcast %parallel_loop3A_832 : f32 to vector<16xf32>
      %parallel_loop3A_835 = arith.maximumf %parallel_loop3A_834, %parallel_loop3A_831 : vector<16xf32>
      %parallel_loop3A_836 = vector.broadcast %parallel_loop3A_833 : f32 to vector<16xf32>
      %parallel_loop3A_837 = arith.minimumf %parallel_loop3A_836, %parallel_loop3A_835 : vector<16xf32>
      %parallel_loop3A_838 = arith.index_cast %parallel_loop3A_775 : i32 to index
      %parallel_loop3A_839 = tpu.vector_load %arg14[%parallel_loop3A_838] {strides = array<i32>} : memref<8192xf32, #tpu.memory_space<vmem>>, vector<16xf32>,
      tpu.vector_store %arg14[%parallel_loop3A_838], %parallel_loop3A_837 {strides = array<i32>} : memref<8192xf32, #tpu.memory_space<vmem>>, vector<16xf32>,
    } {sc.loop_unroll_factor = 8 : i64, sc.parallel_access}
    %add3A_400 = arith.constant 2 : i32
    %add3A_401 = arith.addi %mul3A_2, %add3A_400 : i32
    %jit3A_402 = arith.constant 4 : i32
    %div3A_403 = arith.divsi %add3A_401, %jit3A_402 : i32
    %sign3A_404 = arith.constant 0 : i32
    %sign3A_405 = arith.cmpi sgt, %add3A_401, %sign3A_404 : i32
    %sign3A_406 = arith.extui %sign3A_405 : i1 to i32
    %sign3A_407 = arith.constant 0 : i32
    %sign3A_408 = arith.cmpi slt, %add3A_401, %sign3A_407 : i32
    %sign3A_409 = arith.extui %sign3A_408 : i1 to i32
    %sign3A_410 = arith.subi %sign3A_406, %sign3A_409 : i32
    %sign3A_411 = arith.constant 0 : i32
    %sign3A_412 = arith.cmpi sgt, %jit3A_402, %sign3A_411 : i32
    %sign3A_413 = arith.extui %sign3A_412 : i1 to i32
    %sign3A_414 = arith.constant 0 : i32
    %sign3A_415 = arith.cmpi slt, %jit3A_402, %sign3A_414 : i32
    %sign3A_416 = arith.extui %sign3A_415 : i1 to i32
    %sign3A_417 = arith.subi %sign3A_413, %sign3A_416 : i32
    %ne3A_418 = arith.cmpi ne, %sign3A_410, %sign3A_417 : i32
    %rem3A_419 = arith.remsi %add3A_401, %jit3A_402 : i32
    %ne3A_420 = arith.constant 0 : i32
    %ne3A_421 = arith.cmpi ne, %rem3A_419, %ne3A_420 : i32
    %and3A_422 = arith.andi %ne3A_418, %ne3A_421 : i1
    %sub3A_423 = arith.constant 1 : i32
    %sub3A_424 = arith.subi %div3A_403, %sub3A_423 : i32
    %select_n3A_425 = arith.select %and3A_422, %sub3A_424, %div3A_403 : i32
    %jit3A_426 = arith.constant 4 : i32
    %eq3A_427 = arith.constant 0 : i32
    %eq3A_428 = arith.cmpi eq, %jit3A_426, %eq3A_427 : i32
    %jit3A_429 = arith.constant 1 : i32
    %select_n3A_430 = arith.select %eq3A_428, %jit3A_429, %jit3A_426 : i32
    %rem3A_431 = arith.remsi %add3A_401, %select_n3A_430 : i32
    %ne3A_432 = arith.constant 0 : i32
    %ne3A_433 = arith.cmpi ne, %rem3A_431, %ne3A_432 : i32
    %lt3A_434 = arith.constant 0 : i32
    %lt3A_435 = arith.cmpi slt, %rem3A_431, %lt3A_434 : i32
    %lt3A_436 = arith.constant 0 : i32
    %lt3A_437 = arith.cmpi slt, %select_n3A_430, %lt3A_436 : i32
    %ne3A_438 = arith.xori %lt3A_435, %lt3A_437 : i1
    %and3A_439 = arith.andi %ne3A_438, %ne3A_433 : i1
    %add3A_440 = arith.addi %rem3A_431, %select_n3A_430 : i32
    %select_n3A_441 = arith.select %and3A_439, %add3A_440, %rem3A_431 : i32
    %mul3A_442 = arith.constant 8192 : i32
    %mul3A_443 = arith.muli %select_n3A_441, %mul3A_442 : i32
    %dma_start3A_444 = tpu.memref_slice %arg6[%select_n3A_425, %mul3A_443] : memref<48x32768xf32, #tpu.memory_space<hbm>> -> memref<1x8192xf32, #tpu.memory_space<hbm>>
    %dma_start3A_445 = tpu.memref_squeeze %dma_start3A_444 : memref<1x8192xf32, #tpu.memory_space<hbm>> -> memref<8192xf32, #tpu.memory_space<hbm>>
    %dma_start3A_446 = tpu.memref_slice %arg6[%select_n3A_425, %mul3A_443] : memref<48x32768xf32, #tpu.memory_space<hbm>> -> memref<1x8192xf32, #tpu.memory_space<hbm>>
    %dma_start3A_447 = tpu.memref_squeeze %dma_start3A_446 : memref<1x8192xf32, #tpu.memory_space<hbm>> -> memref<8192xf32, #tpu.memory_space<hbm>>
    tpu.enqueue_dma source(%arg14 : memref<8192xf32, #tpu.memory_space<vmem>>) target(%dma_start3A_447 : memref<8192xf32, #tpu.memory_space<hbm>>) target_semaphore(%arg18 : memref<!tpu.dma_semaphore, #tpu.memory_space<semaphore_mem>>)
    %add3A_448 = arith.constant 4 : i32
    %add3A_449 = arith.addi %mul3A_2, %add3A_448 : i32
    %jit3A_450 = arith.constant 4 : i32
    %div3A_451 = arith.divsi %add3A_449, %jit3A_450 : i32
    %sign3A_452 = arith.constant 0 : i32
    %sign3A_453 = arith.cmpi sgt, %add3A_449, %sign3A_452 : i32
    %sign3A_454 = arith.extui %sign3A_453 : i1 to i32
    %sign3A_455 = arith.constant 0 : i32
    %sign3A_456 = arith.cmpi slt, %add3A_449, %sign3A_455 : i32
    %sign3A_457 = arith.extui %sign3A_456 : i1 to i32
    %sign3A_458 = arith.subi %sign3A_454, %sign3A_457 : i32
    %sign3A_459 = arith.constant 0 : i32
    %sign3A_460 = arith.cmpi sgt, %jit3A_450, %sign3A_459 : i32
    %sign3A_461 = arith.extui %sign3A_460 : i1 to i32
    %sign3A_462 = arith.constant 0 : i32
    %sign3A_463 = arith.cmpi slt, %jit3A_450, %sign3A_462 : i32
    %sign3A_464 = arith.extui %sign3A_463 : i1 to i32
    %sign3A_465 = arith.subi %sign3A_461, %sign3A_464 : i32
    %ne3A_466 = arith.cmpi ne, %sign3A_458, %sign3A_465 : i32
    %rem3A_467 = arith.remsi %add3A_449, %jit3A_450 : i32
    %ne3A_468 = arith.constant 0 : i32
    %ne3A_469 = arith.cmpi ne, %rem3A_467, %ne3A_468 : i32
    %and3A_470 = arith.andi %ne3A_466, %ne3A_469 : i1
    %sub3A_471 = arith.constant 1 : i32
    %sub3A_472 = arith.subi %div3A_451, %sub3A_471 : i32
    %select_n3A_473 = arith.select %and3A_470, %sub3A_472, %div3A_451 : i32
    %jit3A_474 = arith.constant 4 : i32
    %eq3A_475 = arith.constant 0 : i32
    %eq3A_476 = arith.cmpi eq, %jit3A_474, %eq3A_475 : i32
    %jit3A_477 = arith.constant 1 : i32
    %select_n3A_478 = arith.select %eq3A_476, %jit3A_477, %jit3A_474 : i32
    %rem3A_479 = arith.remsi %add3A_449, %select_n3A_478 : i32
    %ne3A_480 = arith.constant 0 : i32
    %ne3A_481 = arith.cmpi ne, %rem3A_479, %ne3A_480 : i32
    %lt3A_482 = arith.constant 0 : i32
    %lt3A_483 = arith.cmpi slt, %rem3A_479, %lt3A_482 : i32
    %lt3A_484 = arith.constant 0 : i32
    %lt3A_485 = arith.cmpi slt, %select_n3A_478, %lt3A_484 : i32
    %ne3A_486 = arith.xori %lt3A_483, %lt3A_485 : i1
    %and3A_487 = arith.andi %ne3A_486, %ne3A_481 : i1
    %add3A_488 = arith.addi %rem3A_479, %select_n3A_478 : i32
    %select_n3A_489 = arith.select %and3A_487, %add3A_488, %rem3A_479 : i32
    %mul3A_490 = arith.constant 8192 : i32
    %mul3A_491 = arith.muli %select_n3A_489, %mul3A_490 : i32
    %add3A_492 = arith.constant 80 : i32
    %add3A_493 = arith.addi %select_n3A_473, %add3A_492 : i32
    %dma_start3A_494 = tpu.memref_slice %arg3[%add3A_493, %mul3A_491] : memref<128x32768xf32, #tpu.memory_space<hbm>> -> memref<1x8192xf32, #tpu.memory_space<hbm>>
    %dma_start3A_495 = tpu.memref_squeeze %dma_start3A_494 : memref<1x8192xf32, #tpu.memory_space<hbm>> -> memref<8192xf32, #tpu.memory_space<hbm>>
    %dma_start3A_496 = tpu.memref_slice %arg3[%add3A_493, %mul3A_491] : memref<128x32768xf32, #tpu.memory_space<hbm>> -> memref<1x8192xf32, #tpu.memory_space<hbm>>
    %dma_start3A_497 = tpu.memref_squeeze %dma_start3A_496 : memref<1x8192xf32, #tpu.memory_space<hbm>> -> memref<8192xf32, #tpu.memory_space<hbm>>
    tpu.enqueue_dma source(%dma_start3A_497 : memref<8192xf32, #tpu.memory_space<hbm>>) target(%arg8 : memref<8192xf32, #tpu.memory_space<vmem>>) target_semaphore(%arg16 : memref<!tpu.dma_semaphore, #tpu.memory_space<semaphore_mem>>)
    %dma_start3A_498 = tpu.memref_slice %arg4[%add3A_493, %mul3A_491] : memref<128x32768xf32, #tpu.memory_space<hbm>> -> memref<1x8192xf32, #tpu.memory_space<hbm>>
    %dma_start3A_499 = tpu.memref_squeeze %dma_start3A_498 : memref<1x8192xf32, #tpu.memory_space<hbm>> -> memref<8192xf32, #tpu.memory_space<hbm>>
    %dma_start3A_500 = tpu.memref_slice %arg4[%add3A_493, %mul3A_491] : memref<128x32768xf32, #tpu.memory_space<hbm>> -> memref<1x8192xf32, #tpu.memory_space<hbm>>
    %dma_start3A_501 = tpu.memref_squeeze %dma_start3A_500 : memref<1x8192xf32, #tpu.memory_space<hbm>> -> memref<8192xf32, #tpu.memory_space<hbm>>
    tpu.enqueue_dma source(%dma_start3A_501 : memref<8192xf32, #tpu.memory_space<hbm>>) target(%arg10 : memref<8192xf32, #tpu.memory_space<vmem>>) target_semaphore(%arg16 : memref<!tpu.dma_semaphore, #tpu.memory_space<semaphore_mem>>)
    %dma_start3A_502 = tpu.memref_slice %arg5[%add3A_493, %mul3A_491] : memref<128x32768xf32, #tpu.memory_space<hbm>> -> memref<1x8192xf32, #tpu.memory_space<hbm>>
    %dma_start3A_503 = tpu.memref_squeeze %dma_start3A_502 : memref<1x8192xf32, #tpu.memory_space<hbm>> -> memref<8192xf32, #tpu.memory_space<hbm>>
    %dma_start3A_504 = tpu.memref_slice %arg5[%add3A_493, %mul3A_491] : memref<128x32768xf32, #tpu.memory_space<hbm>> -> memref<1x8192xf32, #tpu.memory_space<hbm>>
    %dma_start3A_505 = tpu.memref_squeeze %dma_start3A_504 : memref<1x8192xf32, #tpu.memory_space<hbm>> -> memref<8192xf32, #tpu.memory_space<hbm>>
    tpu.enqueue_dma source(%dma_start3A_505 : memref<8192xf32, #tpu.memory_space<hbm>>) target(%arg12 : memref<8192xf32, #tpu.memory_space<vmem>>) target_semaphore(%arg16 : memref<!tpu.dma_semaphore, #tpu.memory_space<semaphore_mem>>)
    %dma_wait3A_506 = tpu.memref_slice %arg3[%add3A_368, %mul3A_366] : memref<128x32768xf32, #tpu.memory_space<hbm>> -> memref<1x8192xf32, #tpu.memory_space<hbm>>
    %dma_wait3A_507 = tpu.memref_squeeze %dma_wait3A_506 : memref<1x8192xf32, #tpu.memory_space<hbm>> -> memref<8192xf32, #tpu.memory_space<hbm>>
    %dma_wait3A_508 = tpu.memref_slice %arg3[%add3A_368, %mul3A_366] : memref<128x32768xf32, #tpu.memory_space<hbm>> -> memref<1x8192xf32, #tpu.memory_space<hbm>>
    %dma_wait3A_509 = tpu.memref_squeeze %dma_wait3A_508 : memref<1x8192xf32, #tpu.memory_space<hbm>> -> memref<8192xf32, #tpu.memory_space<hbm>>
    tpu.wait_dma2 semaphore(%arg17 : memref<!tpu.dma_semaphore, #tpu.memory_space<semaphore_mem>>) src(%dma_wait3A_509 : memref<8192xf32, #tpu.memory_space<hbm>>) dst(%arg9 : memref<8192xf32, #tpu.memory_space<vmem>>)
    %dma_wait3A_510 = tpu.memref_slice %arg4[%add3A_368, %mul3A_366] : memref<128x32768xf32, #tpu.memory_space<hbm>> -> memref<1x8192xf32, #tpu.memory_space<hbm>>
    %dma_wait3A_511 = tpu.memref_squeeze %dma_wait3A_510 : memref<1x8192xf32, #tpu.memory_space<hbm>> -> memref<8192xf32, #tpu.memory_space<hbm>>
    %dma_wait3A_512 = tpu.memref_slice %arg4[%add3A_368, %mul3A_366] : memref<128x32768xf32, #tpu.memory_space<hbm>> -> memref<1x8192xf32, #tpu.memory_space<hbm>>
    %dma_wait3A_513 = tpu.memref_squeeze %dma_wait3A_512 : memref<1x8192xf32, #tpu.memory_space<hbm>> -> memref<8192xf32, #tpu.memory_space<hbm>>
    tpu.wait_dma2 semaphore(%arg17 : memref<!tpu.dma_semaphore, #tpu.memory_space<semaphore_mem>>) src(%dma_wait3A_513 : memref<8192xf32, #tpu.memory_space<hbm>>) dst(%arg11 : memref<8192xf32, #tpu.memory_space<vmem>>)
    %dma_wait3A_514 = tpu.memref_slice %arg5[%add3A_368, %mul3A_366] : memref<128x32768xf32, #tpu.memory_space<hbm>> -> memref<1x8192xf32, #tpu.memory_space<hbm>>
    %dma_wait3A_515 = tpu.memref_squeeze %dma_wait3A_514 : memref<1x8192xf32, #tpu.memory_space<hbm>> -> memref<8192xf32, #tpu.memory_space<hbm>>
    %dma_wait3A_516 = tpu.memref_slice %arg5[%add3A_368, %mul3A_366] : memref<128x32768xf32, #tpu.memory_space<hbm>> -> memref<1x8192xf32, #tpu.memory_space<hbm>>
    %dma_wait3A_517 = tpu.memref_squeeze %dma_wait3A_516 : memref<1x8192xf32, #tpu.memory_space<hbm>> -> memref<8192xf32, #tpu.memory_space<hbm>>
    tpu.wait_dma2 semaphore(%arg17 : memref<!tpu.dma_semaphore, #tpu.memory_space<semaphore_mem>>) src(%dma_wait3A_517 : memref<8192xf32, #tpu.memory_space<hbm>>) dst(%arg13 : memref<8192xf32, #tpu.memory_space<vmem>>)
    %dma_wait3A_518 = tpu.memref_slice %arg6[%select_n3A_300, %mul3A_318] : memref<48x32768xf32, #tpu.memory_space<hbm>> -> memref<1x8192xf32, #tpu.memory_space<hbm>>
    %dma_wait3A_519 = tpu.memref_squeeze %dma_wait3A_518 : memref<1x8192xf32, #tpu.memory_space<hbm>> -> memref<8192xf32, #tpu.memory_space<hbm>>
    %dma_wait3A_520 = tpu.memref_slice %arg6[%select_n3A_300, %mul3A_318] : memref<48x32768xf32, #tpu.memory_space<hbm>> -> memref<1x8192xf32, #tpu.memory_space<hbm>>
    %dma_wait3A_521 = tpu.memref_squeeze %dma_wait3A_520 : memref<1x8192xf32, #tpu.memory_space<hbm>> -> memref<8192xf32, #tpu.memory_space<hbm>>
    tpu.wait_dma2 semaphore(%arg19 : memref<!tpu.dma_semaphore, #tpu.memory_space<semaphore_mem>>) src(%arg15 : memref<8192xf32, #tpu.memory_space<vmem>>) dst(%dma_wait3A_521 : memref<8192xf32, #tpu.memory_space<hbm>>)
    %parallel_loop3A_522 = arith.constant 0 : i32
    %parallel_loop3A_523 = arith.constant 512 : i32
    %parallel_loop3A_524 = arith.constant 1 : i32
    scf.for %parallel_loop3A_773 = %parallel_loop3A_522 to %parallel_loop3A_523 step %parallel_loop3A_524  : i32 {
      %parallel_loop3A_774 = arith.constant 16 : i32
      %parallel_loop3A_775 = arith.muli %parallel_loop3A_773, %parallel_loop3A_774 : i32
      %parallel_loop3A_776 = arith.index_cast %parallel_loop3A_775 : i32 to index
      %parallel_loop3A_777 = tpu.vector_load %arg11[%parallel_loop3A_776] {strides = array<i32>} : memref<8192xf32, #tpu.memory_space<vmem>>, vector<16xf32>,
      %parallel_loop3A_778 = arith.constant 1.000000e+00 : f32
      %parallel_loop3A_779 = vector.broadcast %parallel_loop3A_778 : f32 to vector<16xf32>
      %parallel_loop3A_780 = arith.subf %parallel_loop3A_779, %parallel_loop3A_777 : vector<16xf32>
      %parallel_loop3A_781 = vector.bitcast %parallel_loop3A_780 : vector<16xf32> to vector<16xi32>
      %parallel_loop3A_782 = arith.sitofp %parallel_loop3A_781 : vector<16xi32> to vector<16xf32>
      %parallel_loop3A_783 = arith.constant 1.1920929E-7 : f32
      %parallel_loop3A_784 = vector.broadcast %parallel_loop3A_783 : f32 to vector<16xf32>
      %parallel_loop3A_785 = arith.mulf %parallel_loop3A_782, %parallel_loop3A_784 : vector<16xf32>
      %parallel_loop3A_786 = arith.constant 1.270000e+02 : f32
      %parallel_loop3A_787 = vector.broadcast %parallel_loop3A_786 : f32 to vector<16xf32>
      %parallel_loop3A_788 = arith.subf %parallel_loop3A_785, %parallel_loop3A_787 : vector<16xf32>
      %parallel_loop3A_789 = arith.constant 8388607 : i32
      %parallel_loop3A_790 = vector.broadcast %parallel_loop3A_789 : i32 to vector<16xi32>
      %parallel_loop3A_791 = arith.andi %parallel_loop3A_781, %parallel_loop3A_790 : vector<16xi32>
      %parallel_loop3A_792 = arith.constant 1065353216 : i32
      %parallel_loop3A_793 = vector.broadcast %parallel_loop3A_792 : i32 to vector<16xi32>
      %parallel_loop3A_794 = arith.ori %parallel_loop3A_791, %parallel_loop3A_793 : vector<16xi32>
      %parallel_loop3A_795 = vector.bitcast %parallel_loop3A_794 : vector<16xi32> to vector<16xf32>
      %parallel_loop3A_796 = arith.constant 1.000000e+00 : f32
      %parallel_loop3A_797 = vector.broadcast %parallel_loop3A_796 : f32 to vector<16xf32>
      %parallel_loop3A_798 = arith.subf %parallel_loop3A_795, %parallel_loop3A_797 : vector<16xf32>
      %parallel_loop3A_799 = arith.constant 1.554460e-01 : f32
      %parallel_loop3A_800 = vector.broadcast %parallel_loop3A_799 : f32 to vector<16xf32>
      %parallel_loop3A_801 = arith.mulf %parallel_loop3A_800, %parallel_loop3A_798 : vector<16xf32>
      %parallel_loop3A_802 = arith.constant -0.572921038 : f32
      %parallel_loop3A_803 = vector.broadcast %parallel_loop3A_802 : f32 to vector<16xf32>
      %parallel_loop3A_804 = arith.addf %parallel_loop3A_801, %parallel_loop3A_803 : vector<16xf32>
      %parallel_loop3A_805 = arith.mulf %parallel_loop3A_804, %parallel_loop3A_798 : vector<16xf32>
      %parallel_loop3A_806 = arith.constant 0.417299807 : f32
      %parallel_loop3A_807 = vector.broadcast %parallel_loop3A_806 : f32 to vector<16xf32>
      %parallel_loop3A_808 = arith.addf %parallel_loop3A_805, %parallel_loop3A_807 : vector<16xf32>
      %parallel_loop3A_809 = arith.mulf %parallel_loop3A_808, %parallel_loop3A_798 : vector<16xf32>
      %parallel_loop3A_810 = arith.constant 7.25217396E-4 : f32
      %parallel_loop3A_811 = vector.broadcast %parallel_loop3A_810 : f32 to vector<16xf32>
      %parallel_loop3A_812 = arith.addf %parallel_loop3A_809, %parallel_loop3A_811 : vector<16xf32>
      %parallel_loop3A_813 = arith.addf %parallel_loop3A_788, %parallel_loop3A_812 : vector<16xf32>
      %parallel_loop3A_814 = arith.constant -0.693147182 : f32
      %parallel_loop3A_815 = vector.broadcast %parallel_loop3A_814 : f32 to vector<16xf32>
      %parallel_loop3A_816 = arith.mulf %parallel_loop3A_815, %parallel_loop3A_813 : vector<16xf32>
      %parallel_loop3A_817 = arith.constant 1.000000e+00 : f32
      %parallel_loop3A_818 = vector.broadcast %parallel_loop3A_817 : f32 to vector<16xf32>
      %parallel_loop3A_819 = arith.divf %parallel_loop3A_816, %parallel_loop3A_818 : vector<16xf32>
      %parallel_loop3A_820 = arith.index_cast %parallel_loop3A_775 : i32 to index
      %parallel_loop3A_821 = tpu.vector_load %arg13[%parallel_loop3A_820] {strides = array<i32>} : memref<8192xf32, #tpu.memory_space<vmem>>, vector<16xf32>,
      %parallel_loop3A_822 = arith.constant 2.000000e-01 : f32
      %parallel_loop3A_823 = vector.broadcast %parallel_loop3A_822 : f32 to vector<16xf32>
      %parallel_loop3A_824 = arith.mulf %parallel_loop3A_823, %parallel_loop3A_821 : vector<16xf32>
      %parallel_loop3A_825 = arith.constant 5.000000e-01 : f32
      %parallel_loop3A_826 = vector.broadcast %parallel_loop3A_825 : f32 to vector<16xf32>
      %parallel_loop3A_827 = arith.addf %parallel_loop3A_826, %parallel_loop3A_824 : vector<16xf32>
      %parallel_loop3A_828 = arith.index_cast %parallel_loop3A_775 : i32 to index
      %parallel_loop3A_829 = tpu.vector_load %arg9[%parallel_loop3A_828] {strides = array<i32>} : memref<8192xf32, #tpu.memory_space<vmem>>, vector<16xf32>,
      %parallel_loop3A_830 = arith.cmpf oge, %parallel_loop3A_829, %div3A : vector<16xf32>
      %parallel_loop3A_831 = arith.select %parallel_loop3A_830, %parallel_loop3A_827, %parallel_loop3A_819 : vector<16xi1>, vector<16xf32>
      %parallel_loop3A_832 = arith.constant 0.000000e+00 : f32
      %parallel_loop3A_833 = arith.constant 1.000000e+01 : f32
      %parallel_loop3A_834 = vector.broadcast %parallel_loop3A_832 : f32 to vector<16xf32>
      %parallel_loop3A_835 = arith.maximumf %parallel_loop3A_834, %parallel_loop3A_831 : vector<16xf32>
      %parallel_loop3A_836 = vector.broadcast %parallel_loop3A_833 : f32 to vector<16xf32>
      %parallel_loop3A_837 = arith.minimumf %parallel_loop3A_836, %parallel_loop3A_835 : vector<16xf32>
      %parallel_loop3A_838 = arith.index_cast %parallel_loop3A_775 : i32 to index
      %parallel_loop3A_839 = tpu.vector_load %arg15[%parallel_loop3A_838] {strides = array<i32>} : memref<8192xf32, #tpu.memory_space<vmem>>, vector<16xf32>,
      tpu.vector_store %arg15[%parallel_loop3A_838], %parallel_loop3A_837 {strides = array<i32>} : memref<8192xf32, #tpu.memory_space<vmem>>, vector<16xf32>,
    } {sc.loop_unroll_factor = 8 : i64, sc.parallel_access}
    %add3A_525 = arith.constant 3 : i32
    %add3A_526 = arith.addi %mul3A_2, %add3A_525 : i32
    %jit3A_527 = arith.constant 4 : i32
    %div3A_528 = arith.divsi %add3A_526, %jit3A_527 : i32
    %sign3A_529 = arith.constant 0 : i32
    %sign3A_530 = arith.cmpi sgt, %add3A_526, %sign3A_529 : i32
    %sign3A_531 = arith.extui %sign3A_530 : i1 to i32
    %sign3A_532 = arith.constant 0 : i32
    %sign3A_533 = arith.cmpi slt, %add3A_526, %sign3A_532 : i32
    %sign3A_534 = arith.extui %sign3A_533 : i1 to i32
    %sign3A_535 = arith.subi %sign3A_531, %sign3A_534 : i32
    %sign3A_536 = arith.constant 0 : i32
    %sign3A_537 = arith.cmpi sgt, %jit3A_527, %sign3A_536 : i32
    %sign3A_538 = arith.extui %sign3A_537 : i1 to i32
    %sign3A_539 = arith.constant 0 : i32
    %sign3A_540 = arith.cmpi slt, %jit3A_527, %sign3A_539 : i32
    %sign3A_541 = arith.extui %sign3A_540 : i1 to i32
    %sign3A_542 = arith.subi %sign3A_538, %sign3A_541 : i32
    %ne3A_543 = arith.cmpi ne, %sign3A_535, %sign3A_542 : i32
    %rem3A_544 = arith.remsi %add3A_526, %jit3A_527 : i32
    %ne3A_545 = arith.constant 0 : i32
    %ne3A_546 = arith.cmpi ne, %rem3A_544, %ne3A_545 : i32
    %and3A_547 = arith.andi %ne3A_543, %ne3A_546 : i1
    %sub3A_548 = arith.constant 1 : i32
    %sub3A_549 = arith.subi %div3A_528, %sub3A_548 : i32
    %select_n3A_550 = arith.select %and3A_547, %sub3A_549, %div3A_528 : i32
    %jit3A_551 = arith.constant 4 : i32
    %eq3A_552 = arith.constant 0 : i32
    %eq3A_553 = arith.cmpi eq, %jit3A_551, %eq3A_552 : i32
    %jit3A_554 = arith.constant 1 : i32
    %select_n3A_555 = arith.select %eq3A_553, %jit3A_554, %jit3A_551 : i32
    %rem3A_556 = arith.remsi %add3A_526, %select_n3A_555 : i32
    %ne3A_557 = arith.constant 0 : i32
    %ne3A_558 = arith.cmpi ne, %rem3A_556, %ne3A_557 : i32
    %lt3A_559 = arith.constant 0 : i32
    %lt3A_560 = arith.cmpi slt, %rem3A_556, %lt3A_559 : i32
    %lt3A_561 = arith.constant 0 : i32
    %lt3A_562 = arith.cmpi slt, %select_n3A_555, %lt3A_561 : i32
    %ne3A_563 = arith.xori %lt3A_560, %lt3A_562 : i1
    %and3A_564 = arith.andi %ne3A_563, %ne3A_558 : i1
    %add3A_565 = arith.addi %rem3A_556, %select_n3A_555 : i32
    %select_n3A_566 = arith.select %and3A_564, %add3A_565, %rem3A_556 : i32
    %mul3A_567 = arith.constant 8192 : i32
    %mul3A_568 = arith.muli %select_n3A_566, %mul3A_567 : i32
    %dma_start3A_569 = tpu.memref_slice %arg6[%select_n3A_550, %mul3A_568] : memref<48x32768xf32, #tpu.memory_space<hbm>> -> memref<1x8192xf32, #tpu.memory_space<hbm>>
    %dma_start3A_570 = tpu.memref_squeeze %dma_start3A_569 : memref<1x8192xf32, #tpu.memory_space<hbm>> -> memref<8192xf32, #tpu.memory_space<hbm>>
    %dma_start3A_571 = tpu.memref_slice %arg6[%select_n3A_550, %mul3A_568] : memref<48x32768xf32, #tpu.memory_space<hbm>> -> memref<1x8192xf32, #tpu.memory_space<hbm>>
    %dma_start3A_572 = tpu.memref_squeeze %dma_start3A_571 : memref<1x8192xf32, #tpu.memory_space<hbm>> -> memref<8192xf32, #tpu.memory_space<hbm>>
    tpu.enqueue_dma source(%arg15 : memref<8192xf32, #tpu.memory_space<vmem>>) target(%dma_start3A_572 : memref<8192xf32, #tpu.memory_space<hbm>>) target_semaphore(%arg19 : memref<!tpu.dma_semaphore, #tpu.memory_space<semaphore_mem>>)
    %add3A_573 = arith.constant 5 : i32
    %add3A_574 = arith.addi %mul3A_2, %add3A_573 : i32
    %jit3A_575 = arith.constant 4 : i32
    %div3A_576 = arith.divsi %add3A_574, %jit3A_575 : i32
    %sign3A_577 = arith.constant 0 : i32
    %sign3A_578 = arith.cmpi sgt, %add3A_574, %sign3A_577 : i32
    %sign3A_579 = arith.extui %sign3A_578 : i1 to i32
    %sign3A_580 = arith.constant 0 : i32
    %sign3A_581 = arith.cmpi slt, %add3A_574, %sign3A_580 : i32
    %sign3A_582 = arith.extui %sign3A_581 : i1 to i32
    %sign3A_583 = arith.subi %sign3A_579, %sign3A_582 : i32
    %sign3A_584 = arith.constant 0 : i32
    %sign3A_585 = arith.cmpi sgt, %jit3A_575, %sign3A_584 : i32
    %sign3A_586 = arith.extui %sign3A_585 : i1 to i32
    %sign3A_587 = arith.constant 0 : i32
    %sign3A_588 = arith.cmpi slt, %jit3A_575, %sign3A_587 : i32
    %sign3A_589 = arith.extui %sign3A_588 : i1 to i32
    %sign3A_590 = arith.subi %sign3A_586, %sign3A_589 : i32
    %ne3A_591 = arith.cmpi ne, %sign3A_583, %sign3A_590 : i32
    %rem3A_592 = arith.remsi %add3A_574, %jit3A_575 : i32
    %ne3A_593 = arith.constant 0 : i32
    %ne3A_594 = arith.cmpi ne, %rem3A_592, %ne3A_593 : i32
    %and3A_595 = arith.andi %ne3A_591, %ne3A_594 : i1
    %sub3A_596 = arith.constant 1 : i32
    %sub3A_597 = arith.subi %div3A_576, %sub3A_596 : i32
    %select_n3A_598 = arith.select %and3A_595, %sub3A_597, %div3A_576 : i32
    %jit3A_599 = arith.constant 4 : i32
    %eq3A_600 = arith.constant 0 : i32
    %eq3A_601 = arith.cmpi eq, %jit3A_599, %eq3A_600 : i32
    %jit3A_602 = arith.constant 1 : i32
    %select_n3A_603 = arith.select %eq3A_601, %jit3A_602, %jit3A_599 : i32
    %rem3A_604 = arith.remsi %add3A_574, %select_n3A_603 : i32
    %ne3A_605 = arith.constant 0 : i32
    %ne3A_606 = arith.cmpi ne, %rem3A_604, %ne3A_605 : i32
    %lt3A_607 = arith.constant 0 : i32
    %lt3A_608 = arith.cmpi slt, %rem3A_604, %lt3A_607 : i32
    %lt3A_609 = arith.constant 0 : i32
    %lt3A_610 = arith.cmpi slt, %select_n3A_603, %lt3A_609 : i32
    %ne3A_611 = arith.xori %lt3A_608, %lt3A_610 : i1
    %and3A_612 = arith.andi %ne3A_611, %ne3A_606 : i1
    %add3A_613 = arith.addi %rem3A_604, %select_n3A_603 : i32
    %select_n3A_614 = arith.select %and3A_612, %add3A_613, %rem3A_604 : i32
    %mul3A_615 = arith.constant 8192 : i32
    %mul3A_616 = arith.muli %select_n3A_614, %mul3A_615 : i32
    %add3A_617 = arith.constant 80 : i32
    %add3A_618 = arith.addi %select_n3A_598, %add3A_617 : i32
    %dma_start3A_619 = tpu.memref_slice %arg3[%add3A_618, %mul3A_616] : memref<128x32768xf32, #tpu.memory_space<hbm>> -> memref<1x8192xf32, #tpu.memory_space<hbm>>
    %dma_start3A_620 = tpu.memref_squeeze %dma_start3A_619 : memref<1x8192xf32, #tpu.memory_space<hbm>> -> memref<8192xf32, #tpu.memory_space<hbm>>
    %dma_start3A_621 = tpu.memref_slice %arg3[%add3A_618, %mul3A_616] : memref<128x32768xf32, #tpu.memory_space<hbm>> -> memref<1x8192xf32, #tpu.memory_space<hbm>>
    %dma_start3A_622 = tpu.memref_squeeze %dma_start3A_621 : memref<1x8192xf32, #tpu.memory_space<hbm>> -> memref<8192xf32, #tpu.memory_space<hbm>>
    tpu.enqueue_dma source(%dma_start3A_622 : memref<8192xf32, #tpu.memory_space<hbm>>) target(%arg9 : memref<8192xf32, #tpu.memory_space<vmem>>) target_semaphore(%arg17 : memref<!tpu.dma_semaphore, #tpu.memory_space<semaphore_mem>>)
    %dma_start3A_623 = tpu.memref_slice %arg4[%add3A_618, %mul3A_616] : memref<128x32768xf32, #tpu.memory_space<hbm>> -> memref<1x8192xf32, #tpu.memory_space<hbm>>
    %dma_start3A_624 = tpu.memref_squeeze %dma_start3A_623 : memref<1x8192xf32, #tpu.memory_space<hbm>> -> memref<8192xf32, #tpu.memory_space<hbm>>
    %dma_start3A_625 = tpu.memref_slice %arg4[%add3A_618, %mul3A_616] : memref<128x32768xf32, #tpu.memory_space<hbm>> -> memref<1x8192xf32, #tpu.memory_space<hbm>>
    %dma_start3A_626 = tpu.memref_squeeze %dma_start3A_625 : memref<1x8192xf32, #tpu.memory_space<hbm>> -> memref<8192xf32, #tpu.memory_space<hbm>>
    tpu.enqueue_dma source(%dma_start3A_626 : memref<8192xf32, #tpu.memory_space<hbm>>) target(%arg11 : memref<8192xf32, #tpu.memory_space<vmem>>) target_semaphore(%arg17 : memref<!tpu.dma_semaphore, #tpu.memory_space<semaphore_mem>>)
    %dma_start3A_627 = tpu.memref_slice %arg5[%add3A_618, %mul3A_616] : memref<128x32768xf32, #tpu.memory_space<hbm>> -> memref<1x8192xf32, #tpu.memory_space<hbm>>
    %dma_start3A_628 = tpu.memref_squeeze %dma_start3A_627 : memref<1x8192xf32, #tpu.memory_space<hbm>> -> memref<8192xf32, #tpu.memory_space<hbm>>
    %dma_start3A_629 = tpu.memref_slice %arg5[%add3A_618, %mul3A_616] : memref<128x32768xf32, #tpu.memory_space<hbm>> -> memref<1x8192xf32, #tpu.memory_space<hbm>>
    %dma_start3A_630 = tpu.memref_squeeze %dma_start3A_629 : memref<1x8192xf32, #tpu.memory_space<hbm>> -> memref<8192xf32, #tpu.memory_space<hbm>>
    tpu.enqueue_dma source(%dma_start3A_630 : memref<8192xf32, #tpu.memory_space<hbm>>) target(%arg13 : memref<8192xf32, #tpu.memory_space<vmem>>) target_semaphore(%arg17 : memref<!tpu.dma_semaphore, #tpu.memory_space<semaphore_mem>>)
    %dma_wait3A_631 = tpu.memref_slice %arg3[%add3A_493, %mul3A_491] : memref<128x32768xf32, #tpu.memory_space<hbm>> -> memref<1x8192xf32, #tpu.memory_space<hbm>>
    %dma_wait3A_632 = tpu.memref_squeeze %dma_wait3A_631 : memref<1x8192xf32, #tpu.memory_space<hbm>> -> memref<8192xf32, #tpu.memory_space<hbm>>
    %dma_wait3A_633 = tpu.memref_slice %arg3[%add3A_493, %mul3A_491] : memref<128x32768xf32, #tpu.memory_space<hbm>> -> memref<1x8192xf32, #tpu.memory_space<hbm>>
    %dma_wait3A_634 = tpu.memref_squeeze %dma_wait3A_633 : memref<1x8192xf32, #tpu.memory_space<hbm>> -> memref<8192xf32, #tpu.memory_space<hbm>>
    tpu.wait_dma2 semaphore(%arg16 : memref<!tpu.dma_semaphore, #tpu.memory_space<semaphore_mem>>) src(%dma_wait3A_634 : memref<8192xf32, #tpu.memory_space<hbm>>) dst(%arg8 : memref<8192xf32, #tpu.memory_space<vmem>>)
    %dma_wait3A_635 = tpu.memref_slice %arg4[%add3A_493, %mul3A_491] : memref<128x32768xf32, #tpu.memory_space<hbm>> -> memref<1x8192xf32, #tpu.memory_space<hbm>>
    %dma_wait3A_636 = tpu.memref_squeeze %dma_wait3A_635 : memref<1x8192xf32, #tpu.memory_space<hbm>> -> memref<8192xf32, #tpu.memory_space<hbm>>
    %dma_wait3A_637 = tpu.memref_slice %arg4[%add3A_493, %mul3A_491] : memref<128x32768xf32, #tpu.memory_space<hbm>> -> memref<1x8192xf32, #tpu.memory_space<hbm>>
    %dma_wait3A_638 = tpu.memref_squeeze %dma_wait3A_637 : memref<1x8192xf32, #tpu.memory_space<hbm>> -> memref<8192xf32, #tpu.memory_space<hbm>>
    tpu.wait_dma2 semaphore(%arg16 : memref<!tpu.dma_semaphore, #tpu.memory_space<semaphore_mem>>) src(%dma_wait3A_638 : memref<8192xf32, #tpu.memory_space<hbm>>) dst(%arg10 : memref<8192xf32, #tpu.memory_space<vmem>>)
    %dma_wait3A_639 = tpu.memref_slice %arg5[%add3A_493, %mul3A_491] : memref<128x32768xf32, #tpu.memory_space<hbm>> -> memref<1x8192xf32, #tpu.memory_space<hbm>>
    %dma_wait3A_640 = tpu.memref_squeeze %dma_wait3A_639 : memref<1x8192xf32, #tpu.memory_space<hbm>> -> memref<8192xf32, #tpu.memory_space<hbm>>
    %dma_wait3A_641 = tpu.memref_slice %arg5[%add3A_493, %mul3A_491] : memref<128x32768xf32, #tpu.memory_space<hbm>> -> memref<1x8192xf32, #tpu.memory_space<hbm>>
    %dma_wait3A_642 = tpu.memref_squeeze %dma_wait3A_641 : memref<1x8192xf32, #tpu.memory_space<hbm>> -> memref<8192xf32, #tpu.memory_space<hbm>>
    tpu.wait_dma2 semaphore(%arg16 : memref<!tpu.dma_semaphore, #tpu.memory_space<semaphore_mem>>) src(%dma_wait3A_642 : memref<8192xf32, #tpu.memory_space<hbm>>) dst(%arg12 : memref<8192xf32, #tpu.memory_space<vmem>>)
    %dma_wait3A_643 = tpu.memref_slice %arg6[%select_n3A_425, %mul3A_443] : memref<48x32768xf32, #tpu.memory_space<hbm>> -> memref<1x8192xf32, #tpu.memory_space<hbm>>
    %dma_wait3A_644 = tpu.memref_squeeze %dma_wait3A_643 : memref<1x8192xf32, #tpu.memory_space<hbm>> -> memref<8192xf32, #tpu.memory_space<hbm>>
    %dma_wait3A_645 = tpu.memref_slice %arg6[%select_n3A_425, %mul3A_443] : memref<48x32768xf32, #tpu.memory_space<hbm>> -> memref<1x8192xf32, #tpu.memory_space<hbm>>
    %dma_wait3A_646 = tpu.memref_squeeze %dma_wait3A_645 : memref<1x8192xf32, #tpu.memory_space<hbm>> -> memref<8192xf32, #tpu.memory_space<hbm>>
    tpu.wait_dma2 semaphore(%arg18 : memref<!tpu.dma_semaphore, #tpu.memory_space<semaphore_mem>>) src(%arg14 : memref<8192xf32, #tpu.memory_space<vmem>>) dst(%dma_wait3A_646 : memref<8192xf32, #tpu.memory_space<hbm>>)
    %parallel_loop3A_647 = arith.constant 0 : i32
    %parallel_loop3A_648 = arith.constant 512 : i32
    %parallel_loop3A_649 = arith.constant 1 : i32
    scf.for %parallel_loop3A_773 = %parallel_loop3A_647 to %parallel_loop3A_648 step %parallel_loop3A_649  : i32 {
      %parallel_loop3A_774 = arith.constant 16 : i32
      %parallel_loop3A_775 = arith.muli %parallel_loop3A_773, %parallel_loop3A_774 : i32
      %parallel_loop3A_776 = arith.index_cast %parallel_loop3A_775 : i32 to index
      %parallel_loop3A_777 = tpu.vector_load %arg10[%parallel_loop3A_776] {strides = array<i32>} : memref<8192xf32, #tpu.memory_space<vmem>>, vector<16xf32>,
      %parallel_loop3A_778 = arith.constant 1.000000e+00 : f32
      %parallel_loop3A_779 = vector.broadcast %parallel_loop3A_778 : f32 to vector<16xf32>
      %parallel_loop3A_780 = arith.subf %parallel_loop3A_779, %parallel_loop3A_777 : vector<16xf32>
      %parallel_loop3A_781 = vector.bitcast %parallel_loop3A_780 : vector<16xf32> to vector<16xi32>
      %parallel_loop3A_782 = arith.sitofp %parallel_loop3A_781 : vector<16xi32> to vector<16xf32>
      %parallel_loop3A_783 = arith.constant 1.1920929E-7 : f32
      %parallel_loop3A_784 = vector.broadcast %parallel_loop3A_783 : f32 to vector<16xf32>
      %parallel_loop3A_785 = arith.mulf %parallel_loop3A_782, %parallel_loop3A_784 : vector<16xf32>
      %parallel_loop3A_786 = arith.constant 1.270000e+02 : f32
      %parallel_loop3A_787 = vector.broadcast %parallel_loop3A_786 : f32 to vector<16xf32>
      %parallel_loop3A_788 = arith.subf %parallel_loop3A_785, %parallel_loop3A_787 : vector<16xf32>
      %parallel_loop3A_789 = arith.constant 8388607 : i32
      %parallel_loop3A_790 = vector.broadcast %parallel_loop3A_789 : i32 to vector<16xi32>
      %parallel_loop3A_791 = arith.andi %parallel_loop3A_781, %parallel_loop3A_790 : vector<16xi32>
      %parallel_loop3A_792 = arith.constant 1065353216 : i32
      %parallel_loop3A_793 = vector.broadcast %parallel_loop3A_792 : i32 to vector<16xi32>
      %parallel_loop3A_794 = arith.ori %parallel_loop3A_791, %parallel_loop3A_793 : vector<16xi32>
      %parallel_loop3A_795 = vector.bitcast %parallel_loop3A_794 : vector<16xi32> to vector<16xf32>
      %parallel_loop3A_796 = arith.constant 1.000000e+00 : f32
      %parallel_loop3A_797 = vector.broadcast %parallel_loop3A_796 : f32 to vector<16xf32>
      %parallel_loop3A_798 = arith.subf %parallel_loop3A_795, %parallel_loop3A_797 : vector<16xf32>
      %parallel_loop3A_799 = arith.constant 1.554460e-01 : f32
      %parallel_loop3A_800 = vector.broadcast %parallel_loop3A_799 : f32 to vector<16xf32>
      %parallel_loop3A_801 = arith.mulf %parallel_loop3A_800, %parallel_loop3A_798 : vector<16xf32>
      %parallel_loop3A_802 = arith.constant -0.572921038 : f32
      %parallel_loop3A_803 = vector.broadcast %parallel_loop3A_802 : f32 to vector<16xf32>
      %parallel_loop3A_804 = arith.addf %parallel_loop3A_801, %parallel_loop3A_803 : vector<16xf32>
      %parallel_loop3A_805 = arith.mulf %parallel_loop3A_804, %parallel_loop3A_798 : vector<16xf32>
      %parallel_loop3A_806 = arith.constant 0.417299807 : f32
      %parallel_loop3A_807 = vector.broadcast %parallel_loop3A_806 : f32 to vector<16xf32>
      %parallel_loop3A_808 = arith.addf %parallel_loop3A_805, %parallel_loop3A_807 : vector<16xf32>
      %parallel_loop3A_809 = arith.mulf %parallel_loop3A_808, %parallel_loop3A_798 : vector<16xf32>
      %parallel_loop3A_810 = arith.constant 7.25217396E-4 : f32
      %parallel_loop3A_811 = vector.broadcast %parallel_loop3A_810 : f32 to vector<16xf32>
      %parallel_loop3A_812 = arith.addf %parallel_loop3A_809, %parallel_loop3A_811 : vector<16xf32>
      %parallel_loop3A_813 = arith.addf %parallel_loop3A_788, %parallel_loop3A_812 : vector<16xf32>
      %parallel_loop3A_814 = arith.constant -0.693147182 : f32
      %parallel_loop3A_815 = vector.broadcast %parallel_loop3A_814 : f32 to vector<16xf32>
      %parallel_loop3A_816 = arith.mulf %parallel_loop3A_815, %parallel_loop3A_813 : vector<16xf32>
      %parallel_loop3A_817 = arith.constant 1.000000e+00 : f32
      %parallel_loop3A_818 = vector.broadcast %parallel_loop3A_817 : f32 to vector<16xf32>
      %parallel_loop3A_819 = arith.divf %parallel_loop3A_816, %parallel_loop3A_818 : vector<16xf32>
      %parallel_loop3A_820 = arith.index_cast %parallel_loop3A_775 : i32 to index
      %parallel_loop3A_821 = tpu.vector_load %arg12[%parallel_loop3A_820] {strides = array<i32>} : memref<8192xf32, #tpu.memory_space<vmem>>, vector<16xf32>,
      %parallel_loop3A_822 = arith.constant 2.000000e-01 : f32
      %parallel_loop3A_823 = vector.broadcast %parallel_loop3A_822 : f32 to vector<16xf32>
      %parallel_loop3A_824 = arith.mulf %parallel_loop3A_823, %parallel_loop3A_821 : vector<16xf32>
      %parallel_loop3A_825 = arith.constant 5.000000e-01 : f32
      %parallel_loop3A_826 = vector.broadcast %parallel_loop3A_825 : f32 to vector<16xf32>
      %parallel_loop3A_827 = arith.addf %parallel_loop3A_826, %parallel_loop3A_824 : vector<16xf32>
      %parallel_loop3A_828 = arith.index_cast %parallel_loop3A_775 : i32 to index
      %parallel_loop3A_829 = tpu.vector_load %arg8[%parallel_loop3A_828] {strides = array<i32>} : memref<8192xf32, #tpu.memory_space<vmem>>, vector<16xf32>,
      %parallel_loop3A_830 = arith.cmpf oge, %parallel_loop3A_829, %div3A : vector<16xf32>
      %parallel_loop3A_831 = arith.select %parallel_loop3A_830, %parallel_loop3A_827, %parallel_loop3A_819 : vector<16xi1>, vector<16xf32>
      %parallel_loop3A_832 = arith.constant 0.000000e+00 : f32
      %parallel_loop3A_833 = arith.constant 1.000000e+01 : f32
      %parallel_loop3A_834 = vector.broadcast %parallel_loop3A_832 : f32 to vector<16xf32>
      %parallel_loop3A_835 = arith.maximumf %parallel_loop3A_834, %parallel_loop3A_831 : vector<16xf32>
      %parallel_loop3A_836 = vector.broadcast %parallel_loop3A_833 : f32 to vector<16xf32>
      %parallel_loop3A_837 = arith.minimumf %parallel_loop3A_836, %parallel_loop3A_835 : vector<16xf32>
      %parallel_loop3A_838 = arith.index_cast %parallel_loop3A_775 : i32 to index
      %parallel_loop3A_839 = tpu.vector_load %arg14[%parallel_loop3A_838] {strides = array<i32>} : memref<8192xf32, #tpu.memory_space<vmem>>, vector<16xf32>,
      tpu.vector_store %arg14[%parallel_loop3A_838], %parallel_loop3A_837 {strides = array<i32>} : memref<8192xf32, #tpu.memory_space<vmem>>, vector<16xf32>,
    } {sc.loop_unroll_factor = 8 : i64, sc.parallel_access}
    %add3A_650 = arith.constant 4 : i32
    %add3A_651 = arith.addi %mul3A_2, %add3A_650 : i32
    %jit3A_652 = arith.constant 4 : i32
    %div3A_653 = arith.divsi %add3A_651, %jit3A_652 : i32
    %sign3A_654 = arith.constant 0 : i32
    %sign3A_655 = arith.cmpi sgt, %add3A_651, %sign3A_654 : i32
    %sign3A_656 = arith.extui %sign3A_655 : i1 to i32
    %sign3A_657 = arith.constant 0 : i32
    %sign3A_658 = arith.cmpi slt, %add3A_651, %sign3A_657 : i32
    %sign3A_659 = arith.extui %sign3A_658 : i1 to i32
    %sign3A_660 = arith.subi %sign3A_656, %sign3A_659 : i32
    %sign3A_661 = arith.constant 0 : i32
    %sign3A_662 = arith.cmpi sgt, %jit3A_652, %sign3A_661 : i32
    %sign3A_663 = arith.extui %sign3A_662 : i1 to i32
    %sign3A_664 = arith.constant 0 : i32
    %sign3A_665 = arith.cmpi slt, %jit3A_652, %sign3A_664 : i32
    %sign3A_666 = arith.extui %sign3A_665 : i1 to i32
    %sign3A_667 = arith.subi %sign3A_663, %sign3A_666 : i32
    %ne3A_668 = arith.cmpi ne, %sign3A_660, %sign3A_667 : i32
    %rem3A_669 = arith.remsi %add3A_651, %jit3A_652 : i32
    %ne3A_670 = arith.constant 0 : i32
    %ne3A_671 = arith.cmpi ne, %rem3A_669, %ne3A_670 : i32
    %and3A_672 = arith.andi %ne3A_668, %ne3A_671 : i1
    %sub3A_673 = arith.constant 1 : i32
    %sub3A_674 = arith.subi %div3A_653, %sub3A_673 : i32
    %select_n3A_675 = arith.select %and3A_672, %sub3A_674, %div3A_653 : i32
    %jit3A_676 = arith.constant 4 : i32
    %eq3A_677 = arith.constant 0 : i32
    %eq3A_678 = arith.cmpi eq, %jit3A_676, %eq3A_677 : i32
    %jit3A_679 = arith.constant 1 : i32
    %select_n3A_680 = arith.select %eq3A_678, %jit3A_679, %jit3A_676 : i32
    %rem3A_681 = arith.remsi %add3A_651, %select_n3A_680 : i32
    %ne3A_682 = arith.constant 0 : i32
    %ne3A_683 = arith.cmpi ne, %rem3A_681, %ne3A_682 : i32
    %lt3A_684 = arith.constant 0 : i32
    %lt3A_685 = arith.cmpi slt, %rem3A_681, %lt3A_684 : i32
    %lt3A_686 = arith.constant 0 : i32
    %lt3A_687 = arith.cmpi slt, %select_n3A_680, %lt3A_686 : i32
    %ne3A_688 = arith.xori %lt3A_685, %lt3A_687 : i1
    %and3A_689 = arith.andi %ne3A_688, %ne3A_683 : i1
    %add3A_690 = arith.addi %rem3A_681, %select_n3A_680 : i32
    %select_n3A_691 = arith.select %and3A_689, %add3A_690, %rem3A_681 : i32
    %mul3A_692 = arith.constant 8192 : i32
    %mul3A_693 = arith.muli %select_n3A_691, %mul3A_692 : i32
    %dma_start3A_694 = tpu.memref_slice %arg6[%select_n3A_675, %mul3A_693] : memref<48x32768xf32, #tpu.memory_space<hbm>> -> memref<1x8192xf32, #tpu.memory_space<hbm>>
    %dma_start3A_695 = tpu.memref_squeeze %dma_start3A_694 : memref<1x8192xf32, #tpu.memory_space<hbm>> -> memref<8192xf32, #tpu.memory_space<hbm>>
    %dma_start3A_696 = tpu.memref_slice %arg6[%select_n3A_675, %mul3A_693] : memref<48x32768xf32, #tpu.memory_space<hbm>> -> memref<1x8192xf32, #tpu.memory_space<hbm>>
    %dma_start3A_697 = tpu.memref_squeeze %dma_start3A_696 : memref<1x8192xf32, #tpu.memory_space<hbm>> -> memref<8192xf32, #tpu.memory_space<hbm>>
    tpu.enqueue_dma source(%arg14 : memref<8192xf32, #tpu.memory_space<vmem>>) target(%dma_start3A_697 : memref<8192xf32, #tpu.memory_space<hbm>>) target_semaphore(%arg18 : memref<!tpu.dma_semaphore, #tpu.memory_space<semaphore_mem>>)
    %dma_wait3A_698 = tpu.memref_slice %arg3[%add3A_618, %mul3A_616] : memref<128x32768xf32, #tpu.memory_space<hbm>> -> memref<1x8192xf32, #tpu.memory_space<hbm>>
    %dma_wait3A_699 = tpu.memref_squeeze %dma_wait3A_698 : memref<1x8192xf32, #tpu.memory_space<hbm>> -> memref<8192xf32, #tpu.memory_space<hbm>>
    %dma_wait3A_700 = tpu.memref_slice %arg3[%add3A_618, %mul3A_616] : memref<128x32768xf32, #tpu.memory_space<hbm>> -> memref<1x8192xf32, #tpu.memory_space<hbm>>
    %dma_wait3A_701 = tpu.memref_squeeze %dma_wait3A_700 : memref<1x8192xf32, #tpu.memory_space<hbm>> -> memref<8192xf32, #tpu.memory_space<hbm>>
    tpu.wait_dma2 semaphore(%arg17 : memref<!tpu.dma_semaphore, #tpu.memory_space<semaphore_mem>>) src(%dma_wait3A_701 : memref<8192xf32, #tpu.memory_space<hbm>>) dst(%arg9 : memref<8192xf32, #tpu.memory_space<vmem>>)
    %dma_wait3A_702 = tpu.memref_slice %arg4[%add3A_618, %mul3A_616] : memref<128x32768xf32, #tpu.memory_space<hbm>> -> memref<1x8192xf32, #tpu.memory_space<hbm>>
    %dma_wait3A_703 = tpu.memref_squeeze %dma_wait3A_702 : memref<1x8192xf32, #tpu.memory_space<hbm>> -> memref<8192xf32, #tpu.memory_space<hbm>>
    %dma_wait3A_704 = tpu.memref_slice %arg4[%add3A_618, %mul3A_616] : memref<128x32768xf32, #tpu.memory_space<hbm>> -> memref<1x8192xf32, #tpu.memory_space<hbm>>
    %dma_wait3A_705 = tpu.memref_squeeze %dma_wait3A_704 : memref<1x8192xf32, #tpu.memory_space<hbm>> -> memref<8192xf32, #tpu.memory_space<hbm>>
    tpu.wait_dma2 semaphore(%arg17 : memref<!tpu.dma_semaphore, #tpu.memory_space<semaphore_mem>>) src(%dma_wait3A_705 : memref<8192xf32, #tpu.memory_space<hbm>>) dst(%arg11 : memref<8192xf32, #tpu.memory_space<vmem>>)
    %dma_wait3A_706 = tpu.memref_slice %arg5[%add3A_618, %mul3A_616] : memref<128x32768xf32, #tpu.memory_space<hbm>> -> memref<1x8192xf32, #tpu.memory_space<hbm>>
    %dma_wait3A_707 = tpu.memref_squeeze %dma_wait3A_706 : memref<1x8192xf32, #tpu.memory_space<hbm>> -> memref<8192xf32, #tpu.memory_space<hbm>>
    %dma_wait3A_708 = tpu.memref_slice %arg5[%add3A_618, %mul3A_616] : memref<128x32768xf32, #tpu.memory_space<hbm>> -> memref<1x8192xf32, #tpu.memory_space<hbm>>
    %dma_wait3A_709 = tpu.memref_squeeze %dma_wait3A_708 : memref<1x8192xf32, #tpu.memory_space<hbm>> -> memref<8192xf32, #tpu.memory_space<hbm>>
    tpu.wait_dma2 semaphore(%arg17 : memref<!tpu.dma_semaphore, #tpu.memory_space<semaphore_mem>>) src(%dma_wait3A_709 : memref<8192xf32, #tpu.memory_space<hbm>>) dst(%arg13 : memref<8192xf32, #tpu.memory_space<vmem>>)
    %dma_wait3A_710 = tpu.memref_slice %arg6[%select_n3A_550, %mul3A_568] : memref<48x32768xf32, #tpu.memory_space<hbm>> -> memref<1x8192xf32, #tpu.memory_space<hbm>>
    %dma_wait3A_711 = tpu.memref_squeeze %dma_wait3A_710 : memref<1x8192xf32, #tpu.memory_space<hbm>> -> memref<8192xf32, #tpu.memory_space<hbm>>
    %dma_wait3A_712 = tpu.memref_slice %arg6[%select_n3A_550, %mul3A_568] : memref<48x32768xf32, #tpu.memory_space<hbm>> -> memref<1x8192xf32, #tpu.memory_space<hbm>>
    %dma_wait3A_713 = tpu.memref_squeeze %dma_wait3A_712 : memref<1x8192xf32, #tpu.memory_space<hbm>> -> memref<8192xf32, #tpu.memory_space<hbm>>
    tpu.wait_dma2 semaphore(%arg19 : memref<!tpu.dma_semaphore, #tpu.memory_space<semaphore_mem>>) src(%arg15 : memref<8192xf32, #tpu.memory_space<vmem>>) dst(%dma_wait3A_713 : memref<8192xf32, #tpu.memory_space<hbm>>)
    %parallel_loop3A_714 = arith.constant 0 : i32
    %parallel_loop3A_715 = arith.constant 512 : i32
    %parallel_loop3A_716 = arith.constant 1 : i32
    scf.for %parallel_loop3A_773 = %parallel_loop3A_714 to %parallel_loop3A_715 step %parallel_loop3A_716  : i32 {
      %parallel_loop3A_774 = arith.constant 16 : i32
      %parallel_loop3A_775 = arith.muli %parallel_loop3A_773, %parallel_loop3A_774 : i32
      %parallel_loop3A_776 = arith.index_cast %parallel_loop3A_775 : i32 to index
      %parallel_loop3A_777 = tpu.vector_load %arg11[%parallel_loop3A_776] {strides = array<i32>} : memref<8192xf32, #tpu.memory_space<vmem>>, vector<16xf32>,
      %parallel_loop3A_778 = arith.constant 1.000000e+00 : f32
      %parallel_loop3A_779 = vector.broadcast %parallel_loop3A_778 : f32 to vector<16xf32>
      %parallel_loop3A_780 = arith.subf %parallel_loop3A_779, %parallel_loop3A_777 : vector<16xf32>
      %parallel_loop3A_781 = vector.bitcast %parallel_loop3A_780 : vector<16xf32> to vector<16xi32>
      %parallel_loop3A_782 = arith.sitofp %parallel_loop3A_781 : vector<16xi32> to vector<16xf32>
      %parallel_loop3A_783 = arith.constant 1.1920929E-7 : f32
      %parallel_loop3A_784 = vector.broadcast %parallel_loop3A_783 : f32 to vector<16xf32>
      %parallel_loop3A_785 = arith.mulf %parallel_loop3A_782, %parallel_loop3A_784 : vector<16xf32>
      %parallel_loop3A_786 = arith.constant 1.270000e+02 : f32
      %parallel_loop3A_787 = vector.broadcast %parallel_loop3A_786 : f32 to vector<16xf32>
      %parallel_loop3A_788 = arith.subf %parallel_loop3A_785, %parallel_loop3A_787 : vector<16xf32>
      %parallel_loop3A_789 = arith.constant 8388607 : i32
      %parallel_loop3A_790 = vector.broadcast %parallel_loop3A_789 : i32 to vector<16xi32>
      %parallel_loop3A_791 = arith.andi %parallel_loop3A_781, %parallel_loop3A_790 : vector<16xi32>
      %parallel_loop3A_792 = arith.constant 1065353216 : i32
      %parallel_loop3A_793 = vector.broadcast %parallel_loop3A_792 : i32 to vector<16xi32>
      %parallel_loop3A_794 = arith.ori %parallel_loop3A_791, %parallel_loop3A_793 : vector<16xi32>
      %parallel_loop3A_795 = vector.bitcast %parallel_loop3A_794 : vector<16xi32> to vector<16xf32>
      %parallel_loop3A_796 = arith.constant 1.000000e+00 : f32
      %parallel_loop3A_797 = vector.broadcast %parallel_loop3A_796 : f32 to vector<16xf32>
      %parallel_loop3A_798 = arith.subf %parallel_loop3A_795, %parallel_loop3A_797 : vector<16xf32>
      %parallel_loop3A_799 = arith.constant 1.554460e-01 : f32
      %parallel_loop3A_800 = vector.broadcast %parallel_loop3A_799 : f32 to vector<16xf32>
      %parallel_loop3A_801 = arith.mulf %parallel_loop3A_800, %parallel_loop3A_798 : vector<16xf32>
      %parallel_loop3A_802 = arith.constant -0.572921038 : f32
      %parallel_loop3A_803 = vector.broadcast %parallel_loop3A_802 : f32 to vector<16xf32>
      %parallel_loop3A_804 = arith.addf %parallel_loop3A_801, %parallel_loop3A_803 : vector<16xf32>
      %parallel_loop3A_805 = arith.mulf %parallel_loop3A_804, %parallel_loop3A_798 : vector<16xf32>
      %parallel_loop3A_806 = arith.constant 0.417299807 : f32
      %parallel_loop3A_807 = vector.broadcast %parallel_loop3A_806 : f32 to vector<16xf32>
      %parallel_loop3A_808 = arith.addf %parallel_loop3A_805, %parallel_loop3A_807 : vector<16xf32>
      %parallel_loop3A_809 = arith.mulf %parallel_loop3A_808, %parallel_loop3A_798 : vector<16xf32>
      %parallel_loop3A_810 = arith.constant 7.25217396E-4 : f32
      %parallel_loop3A_811 = vector.broadcast %parallel_loop3A_810 : f32 to vector<16xf32>
      %parallel_loop3A_812 = arith.addf %parallel_loop3A_809, %parallel_loop3A_811 : vector<16xf32>
      %parallel_loop3A_813 = arith.addf %parallel_loop3A_788, %parallel_loop3A_812 : vector<16xf32>
      %parallel_loop3A_814 = arith.constant -0.693147182 : f32
      %parallel_loop3A_815 = vector.broadcast %parallel_loop3A_814 : f32 to vector<16xf32>
      %parallel_loop3A_816 = arith.mulf %parallel_loop3A_815, %parallel_loop3A_813 : vector<16xf32>
      %parallel_loop3A_817 = arith.constant 1.000000e+00 : f32
      %parallel_loop3A_818 = vector.broadcast %parallel_loop3A_817 : f32 to vector<16xf32>
      %parallel_loop3A_819 = arith.divf %parallel_loop3A_816, %parallel_loop3A_818 : vector<16xf32>
      %parallel_loop3A_820 = arith.index_cast %parallel_loop3A_775 : i32 to index
      %parallel_loop3A_821 = tpu.vector_load %arg13[%parallel_loop3A_820] {strides = array<i32>} : memref<8192xf32, #tpu.memory_space<vmem>>, vector<16xf32>,
      %parallel_loop3A_822 = arith.constant 2.000000e-01 : f32
      %parallel_loop3A_823 = vector.broadcast %parallel_loop3A_822 : f32 to vector<16xf32>
      %parallel_loop3A_824 = arith.mulf %parallel_loop3A_823, %parallel_loop3A_821 : vector<16xf32>
      %parallel_loop3A_825 = arith.constant 5.000000e-01 : f32
      %parallel_loop3A_826 = vector.broadcast %parallel_loop3A_825 : f32 to vector<16xf32>
      %parallel_loop3A_827 = arith.addf %parallel_loop3A_826, %parallel_loop3A_824 : vector<16xf32>
      %parallel_loop3A_828 = arith.index_cast %parallel_loop3A_775 : i32 to index
      %parallel_loop3A_829 = tpu.vector_load %arg9[%parallel_loop3A_828] {strides = array<i32>} : memref<8192xf32, #tpu.memory_space<vmem>>, vector<16xf32>,
      %parallel_loop3A_830 = arith.cmpf oge, %parallel_loop3A_829, %div3A : vector<16xf32>
      %parallel_loop3A_831 = arith.select %parallel_loop3A_830, %parallel_loop3A_827, %parallel_loop3A_819 : vector<16xi1>, vector<16xf32>
      %parallel_loop3A_832 = arith.constant 0.000000e+00 : f32
      %parallel_loop3A_833 = arith.constant 1.000000e+01 : f32
      %parallel_loop3A_834 = vector.broadcast %parallel_loop3A_832 : f32 to vector<16xf32>
      %parallel_loop3A_835 = arith.maximumf %parallel_loop3A_834, %parallel_loop3A_831 : vector<16xf32>
      %parallel_loop3A_836 = vector.broadcast %parallel_loop3A_833 : f32 to vector<16xf32>
      %parallel_loop3A_837 = arith.minimumf %parallel_loop3A_836, %parallel_loop3A_835 : vector<16xf32>
      %parallel_loop3A_838 = arith.index_cast %parallel_loop3A_775 : i32 to index
      %parallel_loop3A_839 = tpu.vector_load %arg15[%parallel_loop3A_838] {strides = array<i32>} : memref<8192xf32, #tpu.memory_space<vmem>>, vector<16xf32>,
      tpu.vector_store %arg15[%parallel_loop3A_838], %parallel_loop3A_837 {strides = array<i32>} : memref<8192xf32, #tpu.memory_space<vmem>>, vector<16xf32>,
    } {sc.loop_unroll_factor = 8 : i64, sc.parallel_access}
    %add3A_717 = arith.constant 5 : i32
    %add3A_718 = arith.addi %mul3A_2, %add3A_717 : i32
    %jit3A_719 = arith.constant 4 : i32
    %div3A_720 = arith.divsi %add3A_718, %jit3A_719 : i32
    %sign3A_721 = arith.constant 0 : i32
    %sign3A_722 = arith.cmpi sgt, %add3A_718, %sign3A_721 : i32
    %sign3A_723 = arith.extui %sign3A_722 : i1 to i32
    %sign3A_724 = arith.constant 0 : i32
    %sign3A_725 = arith.cmpi slt, %add3A_718, %sign3A_724 : i32
    %sign3A_726 = arith.extui %sign3A_725 : i1 to i32
    %sign3A_727 = arith.subi %sign3A_723, %sign3A_726 : i32
    %sign3A_728 = arith.constant 0 : i32
    %sign3A_729 = arith.cmpi sgt, %jit3A_719, %sign3A_728 : i32
    %sign3A_730 = arith.extui %sign3A_729 : i1 to i32
    %sign3A_731 = arith.constant 0 : i32
    %sign3A_732 = arith.cmpi slt, %jit3A_719, %sign3A_731 : i32
    %sign3A_733 = arith.extui %sign3A_732 : i1 to i32
    %sign3A_734 = arith.subi %sign3A_730, %sign3A_733 : i32
    %ne3A_735 = arith.cmpi ne, %sign3A_727, %sign3A_734 : i32
    %rem3A_736 = arith.remsi %add3A_718, %jit3A_719 : i32
    %ne3A_737 = arith.constant 0 : i32
    %ne3A_738 = arith.cmpi ne, %rem3A_736, %ne3A_737 : i32
    %and3A_739 = arith.andi %ne3A_735, %ne3A_738 : i1
    %sub3A_740 = arith.constant 1 : i32
    %sub3A_741 = arith.subi %div3A_720, %sub3A_740 : i32
    %select_n3A_742 = arith.select %and3A_739, %sub3A_741, %div3A_720 : i32
    %jit3A_743 = arith.constant 4 : i32
    %eq3A_744 = arith.constant 0 : i32
    %eq3A_745 = arith.cmpi eq, %jit3A_743, %eq3A_744 : i32
    %jit3A_746 = arith.constant 1 : i32
    %select_n3A_747 = arith.select %eq3A_745, %jit3A_746, %jit3A_743 : i32
    %rem3A_748 = arith.remsi %add3A_718, %select_n3A_747 : i32
    %ne3A_749 = arith.constant 0 : i32
    %ne3A_750 = arith.cmpi ne, %rem3A_748, %ne3A_749 : i32
    %lt3A_751 = arith.constant 0 : i32
    %lt3A_752 = arith.cmpi slt, %rem3A_748, %lt3A_751 : i32
    %lt3A_753 = arith.constant 0 : i32
    %lt3A_754 = arith.cmpi slt, %select_n3A_747, %lt3A_753 : i32
    %ne3A_755 = arith.xori %lt3A_752, %lt3A_754 : i1
    %and3A_756 = arith.andi %ne3A_755, %ne3A_750 : i1
    %add3A_757 = arith.addi %rem3A_748, %select_n3A_747 : i32
    %select_n3A_758 = arith.select %and3A_756, %add3A_757, %rem3A_748 : i32
    %mul3A_759 = arith.constant 8192 : i32
    %mul3A_760 = arith.muli %select_n3A_758, %mul3A_759 : i32
    %dma_start3A_761 = tpu.memref_slice %arg6[%select_n3A_742, %mul3A_760] : memref<48x32768xf32, #tpu.memory_space<hbm>> -> memref<1x8192xf32, #tpu.memory_space<hbm>>
    %dma_start3A_762 = tpu.memref_squeeze %dma_start3A_761 : memref<1x8192xf32, #tpu.memory_space<hbm>> -> memref<8192xf32, #tpu.memory_space<hbm>>
    %dma_start3A_763 = tpu.memref_slice %arg6[%select_n3A_742, %mul3A_760] : memref<48x32768xf32, #tpu.memory_space<hbm>> -> memref<1x8192xf32, #tpu.memory_space<hbm>>
    %dma_start3A_764 = tpu.memref_squeeze %dma_start3A_763 : memref<1x8192xf32, #tpu.memory_space<hbm>> -> memref<8192xf32, #tpu.memory_space<hbm>>
    tpu.enqueue_dma source(%arg15 : memref<8192xf32, #tpu.memory_space<vmem>>) target(%dma_start3A_764 : memref<8192xf32, #tpu.memory_space<hbm>>) target_semaphore(%arg19 : memref<!tpu.dma_semaphore, #tpu.memory_space<semaphore_mem>>)
    %dma_wait3A_765 = tpu.memref_slice %arg6[%select_n3A_675, %mul3A_693] : memref<48x32768xf32, #tpu.memory_space<hbm>> -> memref<1x8192xf32, #tpu.memory_space<hbm>>
    %dma_wait3A_766 = tpu.memref_squeeze %dma_wait3A_765 : memref<1x8192xf32, #tpu.memory_space<hbm>> -> memref<8192xf32, #tpu.memory_space<hbm>>
    %dma_wait3A_767 = tpu.memref_slice %arg6[%select_n3A_675, %mul3A_693] : memref<48x32768xf32, #tpu.memory_space<hbm>> -> memref<1x8192xf32, #tpu.memory_space<hbm>>
    %dma_wait3A_768 = tpu.memref_squeeze %dma_wait3A_767 : memref<1x8192xf32, #tpu.memory_space<hbm>> -> memref<8192xf32, #tpu.memory_space<hbm>>
    tpu.wait_dma2 semaphore(%arg18 : memref<!tpu.dma_semaphore, #tpu.memory_space<semaphore_mem>>) src(%arg14 : memref<8192xf32, #tpu.memory_space<vmem>>) dst(%dma_wait3A_768 : memref<8192xf32, #tpu.memory_space<hbm>>)
    %dma_wait3A_769 = tpu.memref_slice %arg6[%select_n3A_742, %mul3A_760] : memref<48x32768xf32, #tpu.memory_space<hbm>> -> memref<1x8192xf32, #tpu.memory_space<hbm>>
    %dma_wait3A_770 = tpu.memref_squeeze %dma_wait3A_769 : memref<1x8192xf32, #tpu.memory_space<hbm>> -> memref<8192xf32, #tpu.memory_space<hbm>>
    %dma_wait3A_771 = tpu.memref_slice %arg6[%select_n3A_742, %mul3A_760] : memref<48x32768xf32, #tpu.memory_space<hbm>> -> memref<1x8192xf32, #tpu.memory_space<hbm>>
    %dma_wait3A_772 = tpu.memref_squeeze %dma_wait3A_771 : memref<1x8192xf32, #tpu.memory_space<hbm>> -> memref<8192xf32, #tpu.memory_space<hbm>>
    tpu.wait_dma2 semaphore(%arg19 : memref<!tpu.dma_semaphore, #tpu.memory_space<semaphore_mem>>) src(%arg15 : memref<8192xf32, #tpu.memory_space<vmem>>) dst(%dma_wait3A_772 : memref<8192xf32, #tpu.memory_space<hbm>>)
    return
  }
}

module attributes {stable_mosaic.version = 14 : i64} {
  func.func @_mix_body(%arg0: i32, %arg1: memref<2xf32, #tpu.memory_space<smem>>, %arg2: memref<80x4096xf32, #tpu.memory_space<vmem>>, %arg3: memref<80x4096xf32, #tpu.memory_space<vmem>>, %arg4: memref<80x4096xf32, #tpu.memory_space<vmem>>, %arg5: memref<80x4096xf32, #tpu.memory_space<vmem>>) attributes {dimension_semantics = [#tpu.dimension_semantics<arbitrary>], iteration_bounds = array<i64: 8>, scalar_prefetch = 0 : i64, scratch_operands = 0 : i64, tpu.core_type = #tpu.core_type<tc>, window_params = [{transform_indices = @transform_0, window_bounds = array<i64: 2>}, {transform_indices = @transform_1, window_bounds = array<i64: 80, 4096>}, {transform_indices = @transform_2, window_bounds = array<i64: 80, 4096>}, {transform_indices = @transform_3, window_bounds = array<i64: 80, 4096>}, {transform_indices = @transform_4, window_bounds = array<i64: 80, 4096>}]} {
    %get3A = arith.constant 0 : index
    %get3A_0 = memref.load %arg1[%get3A] : memref<2xf32, #tpu.memory_space<smem>>
    %get3A_1 = arith.constant 0 : index
    %get3A_2 = memref.load %arg1[%get3A_1] : memref<2xf32, #tpu.memory_space<smem>>
    %get3A_3 = arith.constant 1 : index
    %get3A_4 = memref.load %arg1[%get3A_3] : memref<2xf32, #tpu.memory_space<smem>>
    %add3A = arith.addf %get3A_2, %get3A_4 : f32
    %div3A = arith.divf %get3A_0, %add3A : f32
    %get3A_5 = arith.constant 0 : index
    %get3A_6 = arith.constant 0 : index
    %get3A_7 = vector.load %arg4[%get3A_5, %get3A_6] : memref<80x4096xf32, #tpu.memory_space<vmem>>, vector<80x4096xf32>
    %mul3A = arith.constant 2.000000e-01 : f32
    %mul3A_8 = vector.broadcast %mul3A : f32 to vector<80x4096xf32>
    %mul3A_9 = arith.mulf %mul3A_8, %get3A_7 : vector<80x4096xf32>
    %add3A_10 = arith.constant 5.000000e-01 : f32
    %add3A_11 = vector.broadcast %add3A_10 : f32 to vector<80x4096xf32>
    %add3A_12 = arith.addf %add3A_11, %mul3A_9 : vector<80x4096xf32>
    %get3A_13 = arith.constant 0 : index
    %get3A_14 = arith.constant 0 : index
    %get3A_15 = vector.load %arg3[%get3A_13, %get3A_14] : memref<80x4096xf32, #tpu.memory_space<vmem>>, vector<80x4096xf32>
    %neg3A = arith.constant 0.000000e+00 : f32
    %neg3A_16 = vector.broadcast %neg3A : f32 to vector<80x4096xf32>
    %neg3A_17 = arith.subf %neg3A_16, %get3A_15 : vector<80x4096xf32>
    %log1p3A = math.log1p %neg3A_17 : vector<80x4096xf32>
    %neg3A_18 = arith.constant 0.000000e+00 : f32
    %neg3A_19 = vector.broadcast %neg3A_18 : f32 to vector<80x4096xf32>
    %neg3A_20 = arith.subf %neg3A_19, %log1p3A : vector<80x4096xf32>
    %div3A_21 = arith.constant 1.000000e+00 : f32
    %div3A_22 = vector.broadcast %div3A_21 : f32 to vector<80x4096xf32>
    %div3A_23 = arith.divf %neg3A_20, %div3A_22 : vector<80x4096xf32>
    %get3A_24 = arith.constant 0 : index
    %get3A_25 = arith.constant 0 : index
    %get3A_26 = vector.load %arg2[%get3A_24, %get3A_25] : memref<80x4096xf32, #tpu.memory_space<vmem>>, vector<80x4096xf32>
    %ge3A = vector.broadcast %div3A : f32 to vector<80x4096xf32>
    %ge3A_27 = arith.cmpf oge, %get3A_26, %ge3A : vector<80x4096xf32>
    %select_n3A = arith.select %ge3A_27, %add3A_12, %div3A_23 : vector<80x4096xi1>, vector<80x4096xf32>
    %jit3A = arith.constant 0.000000e+00 : f32
    %jit3A_28 = arith.constant 1.000000e+01 : f32
    %max3A = vector.broadcast %jit3A : f32 to vector<80x4096xf32>
    %max3A_29 = arith.maximumf %max3A, %select_n3A : vector<80x4096xf32>
    %min3A = vector.broadcast %jit3A_28 : f32 to vector<80x4096xf32>
    %min3A_30 = arith.minimumf %min3A, %max3A_29 : vector<80x4096xf32>
    %swap3A = arith.constant 0 : index
    %swap3A_31 = arith.constant 0 : index
    %swap3A_32 = vector.load %arg5[%swap3A, %swap3A_31] : memref<80x4096xf32, #tpu.memory_space<vmem>>, vector<80x4096xf32>
    tpu.vector_store %arg5[%swap3A, %swap3A_31], %min3A_30 {strides = array<i32>} : memref<80x4096xf32, #tpu.memory_space<vmem>>, vector<80x4096xf32>,
    return
  }
  func.func @transform_0(%arg0: i32) -> i32 {
    %c0_i32 = arith.constant 0 : i32
    %c0_i32_0 = arith.constant 0 : i32
    return %c0_i32 : i32
  }
  func.func @transform_1(%arg0: i32) -> (i32, i32) {
    %c0_i32 = arith.constant 0 : i32
    %c0_i32_0 = arith.constant 0 : i32
    return %c0_i32, %arg0 : i32, i32
  }
  func.func @transform_2(%arg0: i32) -> (i32, i32) {
    %c0_i32 = arith.constant 0 : i32
    %c0_i32_0 = arith.constant 0 : i32
    return %c0_i32, %arg0 : i32, i32
  }
  func.func @transform_3(%arg0: i32) -> (i32, i32) {
    %c0_i32 = arith.constant 0 : i32
    %c0_i32_0 = arith.constant 0 : i32
    return %c0_i32, %arg0 : i32, i32
  }
  func.func @transform_4(%arg0: i32) -> (i32, i32) {
    %c0_i32 = arith.constant 0 : i32
    %c0_i32_0 = arith.constant 0 : i32
    return %c0_i32, %arg0 : i32, i32
  }
}

</mosaic_0001>

<sc_bundles>
// kernel: kernel.4.cloned.1.call-start
scs
__scs_entry_jumppad:
0x0: {  	(pc) =	sbr.rel $0x88, $3  }
0x1: {  	(tag) =	ssettag $0x0;
	lr =	simm.s32 $0x1  }
0x2: {  	[smem:$0x3F9D] =	sst lr;
	_ =	strace $0xD0000000  }
0x3: {  	_ = 	snop  }
0x4: {  	_ = 	snop  }
0x5: {  	_ = 	snop  }
0x6: {  	_ = 	snop  }
0x7: {  	_ = 	snop  }
__scs_overlays_trampoline_lowered:
0x8: {  	[smem:$0x3FAC] =	sst s0  }
0x9: {  	[smem:$0x3FAD] =	sst s1  }
0xa: {  	[smem:$0x3FAE] =	sst s2  }
0xb: {  	[smem:$0x3FAF] =	sst s3  }
0xc: {  	[smem:$0x3FB0] =	sst s4  }
0xd: {  	[smem:$0x3FB1] =	sst s5  }
0xe: {  	[smem:$0x3FB2] =	sst s6  }
0xf: {  	[smem:$0x3FB3] =	sst s7  }
0x10: {  	[smem:$0x3FB4] =	sst s8  }
0x11: {  	[smem:$0x3FB5] =	sst s9;
	s0 =	simm.s32 @!p0 $0x0  }
0x12: {  	s1 =	sld [smem:$0x3F9B];
	s0 =	simm.s32 @p0 $0x1  }
0x13: {  	[smem:$0x3FB6] =	sst s0;
	s0 =	simm.s32 @!p1 $0x0  }
0x14: {  	s2 =	sld [smem:$0x3F9A];
	s0 =	simm.s32 @p1 $0x1  }
0x15: {  	[smem:$0x3FB7] =	sst s0;
	s0 =	simm.s32 @!p2 $0x0  }
0x16: {  	s3 =	sld [smem:$0x3FDB];
	s0 =	simm.s32 @p2 $0x1  }
0x17: {  	s4 =	simm.s32 $0x1BF5;
	[smem:$0x3FB9] =	sst s0  }
0x18: {  	s0 =	sld [smem:$0x3F9C];
	_ =	swait.ge [sflag:s4], $0x0  }
0x19: {  	s7 =	sld [smem:$0x3F9D]  }
0x1a: {  	s8 =	sadd.s32 $0xFFFFE003, lr  }
0x1b: {  	s9 =	sadd.s32 $0xFFFFFEF7, lr;
	s5 =	simm.s32 $0xFFFFFFFF;
	p2 =	slt.u32 s8, $0xFFFFF086  }
0x1c: {  	p1 =	slt.u32 s9, $0xF7A;
	s5 =	simm.s32 @!p2 $0x0  }
0x1d: {  	s5 =	simm.s32 @p1 $0x1;
	p0 =	seq.s32 s7, s2  }
0x1e: {  	s7 =	smul.u32 @!p0 $0xF7A, s2;
	p2 =	seq.s32 @!p0 s5, $0x0  }
0x1f: {  	s9 =	smul.u32 $0xF7A, s1;
	s8 =	simm.s32 @!p0 $0x1BF5;
	p2 =	por !p2, p0  }
0x20: {  	[sflag:s8] =	ssyncset.s32 @!p0 $0xFFFFF086;
	s6 =	sadd.s32 @!p0 s3, s7;
	s7 =	simm.s32 @!p0 $0x108  }
0x21: {  	s3 =	sadd.s32 s3, s9;
	s6 =	sadd.s32 @!p0 $0x88, s6;
	s7 =	simm.s32 @p2 $0x1082  }
0x22: {  	[simem:s7], [sflag:s8] =	dma.local @!p0 [hbm:s6], $0xF7A  }
0x23: {  	s9 =	sor.u32 $0xD0000000, s2;
	s6 =	simm.s32 $0x108;
	_ =	swait.ge @!p0 [sflag:s8], $0x0  }
0x24: {  	s3 =	sadd.s32 $0x88, s3;
	s6 =	simm.s32 @!p1 $0x1082;
	[sflag:s4] =	ssyncset.s32 $0xFFFFF086  }
0x25: {  	[simem:s6], [sflag:s4] =	dma.local [hbm:s3], $0xF7A  }
0x26: {  	[smem:$0x3F9D] =	sst s1;
	(tag) =	ssettag s2;
	_ =	strace s9  }
0x27: {  	s1 =	sld [smem:$0x3FAD]  }
0x28: {  	s2 =	sld [smem:$0x3FAE]  }
0x29: {  	s4 =	sld [smem:$0x3FB0]  }
0x2a: {  	p0 =	seq.s32 s5, $0x0;
	s5 =	sld [smem:$0x3FB1]  }
0x2b: {  	s6 =	sld [smem:$0x3FB2]  }
0x2c: {  	s7 =	sld [smem:$0x3FB3]  }
0x2d: {  	s3 =	simm.s32 $0x108;
	s8 =	sld [smem:$0x3FB4]  }
0x2e: {  	s3 =	simm.s32 @!p0 $0x1082;
	s9 =	sld [smem:$0x3FB5]  }
0x2f: {  	lr =	sadd.s32 s0, s3;
	s0 =	sld [smem:$0x3FAC]  }
0x30: {  	s3 =	sld [smem:$0x3FAF]  }
0x31: {  	[smem:$0x3FB8] =	sst s10  }
0x32: {  	s10 =	sld [smem:$0x3FB6];
	_ =	sdelay $0x3  }
0x33: {  	p0 =	seq.s32 s10, $0x1;
	s10 =	sld [smem:$0x3FB8];
	_ =	sdelay $0x3  }
0x34: {  	[smem:$0x3FB8] =	sst s10  }
0x35: {  	s10 =	sld [smem:$0x3FB7];
	_ =	sdelay $0x3  }
0x36: {  	p1 =	seq.s32 s10, $0x1;
	s10 =	sld [smem:$0x3FB8];
	_ =	sdelay $0x3  }
0x37: {  	[smem:$0x3FB8] =	sst s10  }
0x38: {  	s10 =	sld [smem:$0x3FB9]  }
0x39: {  	_ = 	snop;
	(pc) =	sbr.ind lr, $3  }
0x3a: {  	_ = 	snop  }
0x3b: {  	_ = 	snop  }
0x3c: {  	p2 =	seq.s32 s10, $0x1;
	s10 =	sld [smem:$0x3FB8]  }
0x3d: {  	_ =	shalt  }
0x3e: {  	_ =	shalt  }
0x3f: {  	_ =	shalt  }
0x40: {  	_ =	shalt  }
0x41: {  	_ =	shalt  }
0x42: {  	_ =	shalt  }
0x43: {  	_ =	shalt  }
0x44: {  	_ =	shalt  }
0x45: {  	_ =	shalt  }
0x46: {  	_ =	shalt  }
0x47: {  	_ =	shalt  }
0x48: {  	_ =	shalt  }
0x49: {  	_ =	shalt  }
0x4a: {  	_ =	shalt  }
0x4b: {  	_ =	shalt  }
0x4c: {  	_ =	shalt  }
0x4d: {  	_ =	shalt  }
0x4e: {  	_ =	shalt  }
0x4f: {  	_ =	shalt  }
0x50: {  	_ =	shalt  }
0x51: {  	_ =	shalt  }
0x52: {  	_ =	shalt  }
0x53: {  	_ =	shalt  }
0x54: {  	_ =	shalt  }
0x55: {  	_ =	shalt  }
0x56: {  	_ =	shalt  }
0x57: {  	_ =	shalt  }
0x58: {  	_ =	shalt  }
0x59: {  	_ =	shalt  }
0x5a: {  	_ =	shalt  }
0x5b: {  	_ =	shalt  }
0x5c: {  	_ =	shalt  }
0x5d: {  	_ =	shalt  }
0x5e: {  	_ =	shalt  }
0x5f: {  	_ =	shalt  }
0x60: {  	_ =	shalt  }
0x61: {  	_ =	shalt  }
0x62: {  	_ =	shalt  }
0x63: {  	_ =	shalt  }
0x64: {  	_ =	shalt  }
0x65: {  	_ =	shalt  }
0x66: {  	_ =	shalt  }
0x67: {  	_ =	shalt  }
0x68: {  	_ =	shalt  }
0x69: {  	_ =	shalt  }
0x6a: {  	_ =	shalt  }
0x6b: {  	_ =	shalt  }
0x6c: {  	_ =	shalt  }
0x6d: {  	_ =	shalt  }
0x6e: {  	_ =	shalt  }
0x6f: {  	_ =	shalt  }
0x70: {  	_ =	shalt  }
0x71: {  	_ =	shalt  }
0x72: {  	_ =	shalt  }
0x73: {  	_ =	shalt  }
0x74: {  	_ =	shalt  }
0x75: {  	_ =	shalt  }
0x76: {  	_ =	shalt  }
0x77: {  	_ =	shalt  }
0x78: {  	_ =	shalt  }
0x79: {  	_ =	shalt  }
0x7a: {  	_ =	shalt  }
0x7b: {  	_ =	shalt  }
0x7c: {  	_ =	shalt  }
0x7d: {  	_ =	shalt  }
0x7e: {  	_ =	shalt  }
0x7f: {  	_ =	shalt  }
0x80: {  	_ =	shalt  }
0x81: {  	_ =	shalt  }
0x82: {  	_ =	shalt  }
0x83: {  	_ =	shalt  }
0x84: {  	_ =	shalt  }
0x85: {  	_ =	shalt  }
0x86: {  	_ =	shalt  }
0x87: {  	_ =	shalt  }
.Lfunc_end0:
.L_simem_size_0:
called_computation_lowered:
.L_overlay_start_0:
0x88: {  	s2 =	sld [smem:$0x3FD9]  }
0x89: {  	s3 =	sld [smem:$0x3FFE];
	_ =	sdelay $0x1  }
0x8a: {  	s1 =	srdreg.scid  }
0x8b: {  	s0 =	sand.u32 $0x1, s1  }
0x8c: {  	s17 =	sshll.u32 s0, $0xA;
	s2 =	sadd.s32 s3, s2  }
0x8d: {  	s2 =	sadd.s32 s2, s17  }
0x8e: {  	[smem:$0x3FC4] =	sst s2  }
0x8f: {  	_ = 	snop  }
0x90: {  	s2 =	sld [smem:$0x3FC9]  }
0x91: {  	s18 =	sld [smem:$0x3FC8]  }
0x92: {  	s4 =	sld [smem:$0x3FC7];
	(tm) =	ssettm $0x1  }
0x93: {  	s5 =	sld [smem:$0x3FFB];
	_ =	sdelay $0x3  }
0x94: {  	_ =	strace s5  }
0x95: {  	s5 =	sld [smem:$0x3FFC];
	_ =	sdelay $0x3  }
0x96: {  	_ =	strace s5  }
0x97: {  	s5 =	sld [smem:$0x3FFD];
	_ =	sdelay $0x3  }
0x98: {  	_ =	strace s5  }
0x99: {  	_ =	strace $0x8FFFFFFF  }
0x9a: {  	s19 =	sld [smem:$0x3FDB];
	_ =	sdelay $0x1  }
0x9b: {  	s6 =	simm.s32 $_scs_section_size  }
0x9c: {  	s7 =	simm.s32 $_size__tile_overlayer_lowered;
	s8 =	simm.s32 $_tile_overlayer_lowered  }
0x9d: {  	s22 =	simm.s32 $0x1BFF;
	s21 =	sshll.u32 s8, $0x1;
	s5 =	sadd.s32 s6, s19  }
0x9e: {  	s9 =	simm.s32 $0x0;
	s20 =	sshll.u32 s7, $0x1;
	s7 =	sadd.s32 s21, s5  }
0x9f: {  	[timem:s9], [sflag:s22] =	dma.local [hbm:s7], s20  }
0xa0: {  	_ =	swait.ge [sflag:s22], s20  }
0xa1: {  	s6 =	ssub.s32 $0x0, s20;
	[sflag:s22] =	ssyncset.done $0x0  }
0xa2: {  	[sflag:s22] =	ssyncadd.s32 s6;
	_ =	sdelay $0x1  }
0xa3: {  	s23 =	simm.s32 $0x1B8B  }
0xa4: {  	_ =	swait.ge [sflag:s23], $0x1  }
0xa5: {  	[sflag:s23] =	ssyncset.done $0x0  }
0xa6: {  	s25 =	simm.s32 $0x1B8E;
	s24 =	sld [smem:$0x3FFE];
	[sflag:s23] =	ssyncadd.s32 $0xFFFFFFFF  }
0xa7: {  	s26 =	simm.s32 $execute0_lowered;
	[smem:$0x3FD2] =	sst s25  }
0xa8: {  	s7 =	sshll.u32 s26, $0x1;
	_ =	strace $0x80000046;
	[dreg:$0x1] =	wrdreg $0xFFFFFFFF  }
0xa9: {  	s28 =	simm.s32 $_size_execute0_lowered;
	s5 =	sadd.s32 s5, s7;
	[dreg:$0x0] =	wrdreg $0x0  }
0xaa: {  	s7 =	sshll.u32 s28, $0x1;
	[dreg:$0x2] =	wrdreg s5  }
0xab: {  	[dreg:$0x3] =	wrdreg s7  }
0xac: {  	[dreg:$0x4] =	wrdreg $0xC0  }
0xad: {  	_ =	task [dreg:s9], $0x5FFFF  }
0xae: {  	[dreg:$0x1] =	wrdreg $0xFFFFFFFF  }
0xaf: {  	[dreg:$0x0] =	wrdreg $0x60  }
0xb0: {  	[dreg:$0x2] =	wrdreg s24  }
0xb1: {  	[dreg:$0x3] =	wrdreg s2  }
0xb2: {  	[dreg:$0x4] =	wrdreg s18  }
0xb3: {  	[dreg:$0x5] =	wrdreg s4  }
0xb4: {  	[dreg:$0x6] =	wrdreg $0x9  }
0xb5: {  	_ =	task.clear_ibuf [dreg:s9], $0x7FFFF;
	_ =	strace $0x90000046  }
0xb6: {  	s29 =	simm.s32 $0x9;
	_ =	strace $0x80000048  }
0xb7: {  	_ =	swait.ge [sflag:s29], $0x1  }
0xb8: {  	[sflag:s29] =	ssyncadd.s32 $0xFFFFFFFF  }
0xb9: {  	_ =	strace $0x90000048  }
0xba: {  	_ =	sfence  }
0xbb: {  	s30 =	sld [smem:$0x0];
	_ =	sdelay $0x2  }
0xbc: {  	s31 =	sshll.u32 s1, $0xD;
	s1 =	sshrl.u32 s1, $0x2  }
0xbd: {  	s3 =	sand.u32 $0x4000, s31;
	s1 =	sadd.s32 s1, s30  }
0xbe: {  	s0 =	sor.u32 s3, s0;
	s1 =	sshll.u32 s1, $0x11  }
0xbf: {  	s0 =	sor.u32 s1, s0  }
0xc0: {  	s0 =	sadd.s32 $0x8F2B, s0  }
0xc1: {  	[sflag:s0] =	ssyncadd.remote.s32 $0x1  }
0xc2: {  	_ =	sfence.sel $0xFFFF  }
0xc3: {  	[dreg:$0x0] =	wrdreg $0xFFFFFFFF;
	(pc) =	sbr.abs _section_cstart, $3  }
0xc4: {  	[dreg:$0x1] =	wrdreg $0xFFFFFFFF  }
0xc5: {  	_ =	task.clear_ibuf [dreg:s9], $0x2FFFF;
	_ =	strace $0x9FFFFFFF  }
0xc6: {  	(tm) =	ssettm $0x7FFFFFFF  }
0xc7: {  	_ =	shalt  }
tec
execute0_lowered:
.L_overlay_start_1:
0x0: {  	(tag) =	ssettag $0x1  }
0x1: {  	s0 =	srdreg.scid;
	s1 =	stileid.u32  }
0x2: {  	s30 =	simm.s32 $0x5;
	s0 =	sand.u32 $0x1, s0;
	s1 =	sshll.u32 s1, $0x1  }
0x3: {  	s1 =	sor.u32 s0, s1;
	s6 =	sshll.u32 s0, $0x11;
	s0 =	ssub.s32 $0x2, s0  }
0x4: {  	s31 =	simm.s32 $0x400;
	s4 =	smul.u32 $0x6, s1;
	s10 =	sshrl.u32 s0, $0x1  }
0x5: {  	s1 =	rddreg [dreg:$0x1];
	s9 =	sor.u32 $0x10000, s6;
	s0 =	ssub.s32 s0, s10  }
0x6: {  	s2 =	sshll.u32 s4, $0xD;
	s3 =	sshll.u32 s4, $0x5;
	s21 =	sadd.s32 $0x2, s4  }
0x7: {  	s24 =	sadd.s32 $0x3, s4;
	s16 =	sadd.s32 $0x4, s4;
	s4 =	sadd.s32 $0x5, s4  }
0x8: {  	s29 =	smax.u32 s0, $0x1;
	s0 =	simm.s32 $0x4080;
	s3 =	sor.u32 s3, s2  }
0x9: {  	s2 =	rddreg [dreg:$0x2];
	s22 =	sshll.u32 s21, $0x10;
	s5 =	sand.u32 $0x1C0380, s3  }
0xa: {  	s23 =	sshll.u32 s21, $0xD;
	s11 =	sshll.u32 s24, $0x10;
	s7 =	sadd.s32 $0x280000, s5  }
0xb: {  	s12 =	sshll.u32 s24, $0x5;
	s3 =	rddreg [dreg:$0x3];
	s8 =	sor.u32 s6, s7  }
0xc: {  	s10 =	sand.u32 $0x3C0000, s23;
	s7 =	sor.u32 s9, s7;
	s8 =	sshrl.u32 s8, $0x3  }
0xd: {  	s25 =	sor.u32 s11, s12;
	s7 =	sshrl.u32 s7, $0x3;
	s17 =	sadd.s32 s1, s8  }
0xe: {  	s18 =	sadd.s32 s2, s8;
	s19 =	sadd.s32 s1, s7;
	[dreg:$0x5] =	wrdreg s17  }
0xf: {  	s20 =	sadd.s32 s2, s7;
	s7 =	sadd.s32 s3, s7;
	[dreg:$0x6] =	wrdreg s18  }
0x10: {  	s8 =	sadd.s32 s3, s8;
	[dreg:$0xa] =	wrdreg s7;
	s7 =	sshll.u32 s21, $0x5  }
0x11: {  	s12 =	sor.u32 s6, s5;
	[dreg:$0x7] =	wrdreg s8;
	s7 =	sor.u32 s22, s7  }
0x12: {  	s5 =	sor.u32 s9, s5;
	[dreg:$0x8] =	wrdreg s19;
	s7 =	sand.u32 $0x20380, s7  }
0x13: {  	[dreg:$0x9] =	wrdreg s20;
	s8 =	sshll.u32 s24, $0xD;
	s7 =	sor.u32 s10, s7  }
0x14: {  	s8 =	sand.u32 $0x3C0000, s8;
	s10 =	sand.u32 $0x30380, s25;
	s26 =	sadd.s32 $0x280000, s7  }
0x15: {  	s18 =	sshll.u32 s16, $0xD;
	s8 =	sor.u32 s8, s10;
	s11 =	sshrl.u32 s26, $0x3  }
0x16: {  	s9 =	sand.u32 $0x3C0000, s18;
	s15 =	sadd.s32 $0x280000, s8;
	s13 =	sadd.s32 s1, s11  }
0x17: {  	s14 =	sadd.s32 s2, s11;
	s11 =	sadd.s32 s3, s11;
	[dreg:$0xb] =	wrdreg s13  }
0x18: {  	s10 =	sshrl.u32 s15, $0x3;
	s15 =	sshrl.u32 s12, $0x3;
	[dreg:$0xc] =	wrdreg s14  }
0x19: {  	[dreg:$0xd] =	wrdreg s11;
	s17 =	sadd.s32 s1, s10;
	s11 =	sshll.u32 s16, $0x5  }
0x1a: {  	s13 =	sshll.u32 s4, $0x10;
	s21 =	sadd.s32 s2, s10;
	[dreg:$0xe] =	wrdreg s17  }
0x1b: {  	s14 =	sshll.u32 s4, $0x5;
	s23 =	sadd.s32 s3, s10;
	[dreg:$0xf] =	wrdreg s21  }
0x1c: {  	s4 =	sshll.u32 s4, $0xD;
	s11 =	sand.u32 $0x380, s11;
	[dreg:$0x10] =	wrdreg s23  }
0x1d: {  	s19 =	sor.u32 s13, s14;
	s4 =	sand.u32 $0x3C0000, s4;
	s13 =	rddreg [dreg:$0x0]  }
0x1e: {  	s14 =	simm.s32 $0x0;
	s23 =	sshrl.u32 s5, $0x3;
	s5 =	simm.s32 $0xC080  }
0x1f: {  	s6 =	sor.u32 s6, s11;
	s20 =	sand.u32 $0x30380, s19;
	[smem:$0x7FF] =	sst s14  }
0x20: {  	s19 =	sadd.s32 $0xA00, s13;
	s28 =	sadd.s32 $0x800, s13;
	s6 =	sor.u32 s9, s6  }
0x21: {  	s4 =	sor.u32 s4, s20;
	s20 =	sadd.s32 s19, s15;
	s21 =	sadd.s32 s19, s23  }
0x22: {  	s22 =	sadd.s32 $0x280000, s6;
	s25 =	sadd.s32 $0x280000, s4;
	s4 =	sshrl.u32 s4, $0x3  }
0x23: {  	s24 =	sshrl.u32 s22, $0x3;
	s10 =	sshrl.u32 s25, $0x3;
	s25 =	sshrl.u32 s8, $0x3  }
0x24: {  	s8 =	simm.s32 $0x3;
	s11 =	sadd.s32 s1, s24;
	s26 =	sadd.s32 s2, s24  }
0x25: {  	vm0 =	vcmask $0xB08;
	vm1 =	vcmask $0x300;
	s9 =	sadd.s32 s3, s24;
	s16 =	sadd.s32 s1, s10;
	s17 =	sadd.s32 s2, s10  }
0x26: {  	vm0 =	vmor vm1, vm0;
	vm1 =	vcmask $0x1310;
	s18 =	sadd.s32 s3, s10;
	s24 =	sshrl.u32 s7, $0x3;
	s23 =	sadd.s32 s19, s25  }
0x27: {  	vm0 =	vmor vm0, vm1;
	vm1 =	vcmask $0x1B18;
	s1 =	simm.s32 $0x2080;
	s2 =	simm.s32 $0x6080;
	[dreg:$0x11] =	wrdreg s11  }
0x28: {  	vm0 =	vmor vm0, vm1;
	vm1 =	vcmask $0x2320;
	s3 =	simm.s32 $0xA080;
	s7 =	simm.s32 $0xE080;
	[dreg:$0x12] =	wrdreg s26  }
0x29: {  	v0 =	vlaneseq.u32;
	vm0 =	vmor vm0, vm1;
	vm1 =	vcmask $0x2B28;
	s10 =	simm.s32 $0x0;
	[dreg:$0x13] =	wrdreg s9;
	s22 =	sadd.s32 s19, s24  }
0x2a: {  	v0 =	vmul.u32 $0xFFFFFFFF, v0;
	vm0 =	vmor vm0, vm1;
	vm1 =	vcmask $0x3330;
	s26 =	sshrl.u32 s6, $0x3;
	s24 =	simm.s32 $0x80;
	s6 =	simm.s32 $0x2  }
0x2b: {  	vm0 =	vmor vm0, vm1;
	vm1 =	vcmask $0x3B38;
	s9 =	simm.s32 $0x4;
	s25 =	sadd.s32 s19, s26;
	s26 =	sadd.s32 s19, s4  }
0x2c: {  	v0 =	vadd.s32 $0xF, v0;
	vm0 =	vmor vm0, vm1;
	_ =	strace $0x80000047;
	s19 =	simm.s32 $0x8080;
	s4 =	simm.s32 $0x1  }
.LBB2_1:
0x2d: {  	s11 =	simm.s32 $0x0  }
0x2e: {  	[tilespmem:s11], [sflag:$0x5] =	stream.linear.gather [hbm4b:s28+s11], $0x80, $0x38;
	[tilespmem:$0x10080] =	vst v63  }
0x2f: {  	_ =	swait.ge [sflag:s30], $0x80  }
0x30: {  	[sflag:s30] =	ssyncset.done $0x0  }
0x31: {  	[sflag:s30] =	ssyncadd.s32 $0xFFFFFF80  }
0x32: {  	v1 =	vld [tilespmem:$0x0];
	_ =	sdelay $0x4  }
0x33: {  	v2 =	vperm.xlane v1, v0;
	_ =	sdelay $0x1  }
0x34: {  	s13 =	rddreg [dreg:$0x5];
	v3 =	vadd.f32 v2, v1  }
0x35: {  	[tilespmem:s24], [sflag:$0x1] =	stream.strided.gather [hbm4b:s13+s24], $0x2000, s31, s24, $0x38;
	[tilespmem:$0x10080] =	vst v63  }
0x36: {  	s14 =	rddreg [dreg:$0x6];
	(erf) = vrcp.f32 v3  }
0x37: {  	[tilespmem:s0], [sflag:$0x1] =	stream.strided.gather [hbm4b:s14+s24], $0x2000, s31, s24, $0x38;
	[tilespmem:$0x10080] =	vst v63  }
0x38: {  	s15 =	rddreg [dreg:$0x7]  }
0x39: {  	[tilespmem:s19], [sflag:$0x1] =	stream.strided.gather [hbm4b:s15+s24], $0x2000, s31, s24, $0x38;
	[tilespmem:$0x10080] =	vst v63  }
0x3a: {  	s12 =	rddreg [dreg:$0x8]  }
0x3b: {  	[tilespmem:s1], [sflag:$0x2] =	stream.strided.gather [hbm4b:s12+s24], $0x2000, s31, s24, $0x38;
	[tilespmem:$0x10080] =	vst v63  }
0x3c: {  	s13 =	rddreg [dreg:$0x9]  }
0x3d: {  	[tilespmem:s2], [sflag:$0x2] =	stream.strided.gather [hbm4b:s13+s24], $0x2000, s31, s24, $0x38;
	[tilespmem:$0x10080] =	vst v63  }
0x3e: {  	s14 =	rddreg [dreg:$0xa]  }
0x3f: {  	[tilespmem:s3], [sflag:$0x2] =	stream.strided.gather [hbm4b:s14+s24], $0x2000, s31, s24, $0x38;
	v3 =	vpop (erf);
	[tilespmem:$0x10080] =	vst v63  }
0x40: {  	_ =	swait.ge [sflag:s4], $0x2000  }
0x41: {  	[sflag:s4] =	ssyncset.done $0x0  }
0x42: {  	[sflag:s4] =	ssyncadd.s32 $0xFFFFE000  }
0x43: {  	_ =	swait.ge [sflag:s4], $0x2000  }
0x44: {  	[sflag:s4] =	ssyncset.done $0x0  }
0x45: {  	[sflag:s4] =	ssyncadd.s32 $0xFFFFE000  }
0x46: {  	_ =	swait.ge [sflag:s4], $0x2000  }
0x47: {  	[sflag:s4] =	ssyncset.done $0x0  }
0x48: {  	s15 =	simm.s32 $0x40C0;
	[sflag:s4] =	ssyncadd.s32 $0xFFFFE000  }
0x49: {  	v4 =	vld [tilespmem:s15+$0x30]  }
0x4a: {  	v5 =	vld [tilespmem:s15+$0xFFFFFFD0]  }
0x4b: {  	v6 =	vld [tilespmem:s15+$0xFFFFFFE0]  }
0x4c: {  	v7 =	vld [tilespmem:s15+$0xFFFFFFF0]  }
0x4d: {  	v8 =	vld [tilespmem:s15+$0x0]  }
0x4e: {  	v1 =	vsel vm0, v1, v2;
	v9 =	vld [tilespmem:s15+$0x10]  }
0x4f: {  	s12 =	simm.s32 $0xC0;
	v1 =	vmul.f32 v3, v1;
	v3 =	vld [tilespmem:s15+$0xFFFFFFC0]  }
0x50: {  	v23 =	vld [tilespmem:s12+$0x30]  }
0x51: {  	v50 =	vld [tilespmem:s12+$0xFFFFFFC0]  }
0x52: {  	v52 =	vld [tilespmem:s12+$0xFFFFFFE0]  }
0x53: {  	v59 =	vld [tilespmem:s12+$0xFFFFFFF0]  }
0x54: {  	v60 =	vld [tilespmem:s12+$0x0]  }
0x55: {  	v61 =	vld [tilespmem:s12+$0x10];
	v4 =	vsub.f32 $1.000000000e+00, v4  }
0x56: {  	v2 =	vsub.f32 $1.000000000e+00, v5;
	v6 =	vsub.f32 $1.000000000e+00, v6  }
0x57: {  	v7 =	vsub.f32 $1.000000000e+00, v7;
	v8 =	vsub.f32 $1.000000000e+00, v8  }
0x58: {  	v9 =	vsub.f32 $1.000000000e+00, v9;
	v3 =	vsub.f32 $1.000000000e+00, v3  }
0x59: {  	vm1 =	vge.f32 v23, v1;
	vm3 =	vge.f32 v50, v1;
	vm2 =	vge.f32 v52, v1  }
0x5a: {  	vm5 =	vge.f32 v59, v1;
	vm4 =	vge.f32 v60, v1;
	vm6 =	vge.f32 v61, v1  }
0x5b: {  	v10 =	vand.u32 $0x7FFFFF, v4;
	v11 =	vand.u32 $0x7FFFFF, v2;
	v12 =	vand.u32 $0x7FFFFF, v6  }
0x5c: {  	v13 =	vand.u32 $0x7FFFFF, v7;
	v18 =	vand.u32 $0x7FFFFF, v3;
	v3 =	vcvt.s32.f32 v3  }
0x5d: {  	v14 =	vand.u32 $0x7FFFFF, v8;
	v4 =	vcvt.s32.f32 v4;
	v2 =	vcvt.s32.f32 v2  }
0x5e: {  	v16 =	vand.u32 $0x7FFFFF, v9;
	v6 =	vcvt.s32.f32 v6;
	v7 =	vcvt.s32.f32 v7  }
0x5f: {  	v8 =	vcvt.s32.f32 v8;
	v9 =	vcvt.s32.f32 v9;
	v10 =	vor.u32 $0x3F800000, v10  }
0x60: {  	v11 =	vor.u32 $0x3F800000, v11;
	v12 =	vor.u32 $0x3F800000, v12;
	v13 =	vor.u32 $0x3F800000, v13  }
0x61: {  	v14 =	vor.u32 $0x3F800000, v14;
	v18 =	vor.u32 $0x3F800000, v18;
	v10 =	vadd.f32 $-1.000000000e+00, v10  }
0x62: {  	v5 =	vld [tilespmem:s15+$0x20];
	v16 =	vor.u32 $0x3F800000, v16;
	v18 =	vadd.f32 $-1.000000000e+00, v18;
	v11 =	vadd.f32 $-1.000000000e+00, v11  }
0x63: {  	v12 =	vadd.f32 $-1.000000000e+00, v12;
	v4 =	vmul.f32 $1.192092900e-07, v4;
	v3 =	vmul.f32 $1.192092900e-07, v3  }
0x64: {  	v13 =	vadd.f32 $-1.000000000e+00, v13;
	v2 =	vmul.f32 $1.192092900e-07, v2;
	v6 =	vmul.f32 $1.192092900e-07, v6  }
0x65: {  	v14 =	vadd.f32 $-1.000000000e+00, v14;
	v7 =	vmul.f32 $1.192092900e-07, v7;
	v15 =	vmul.f32 $1.554459930e-01, v10  }
0x66: {  	v16 =	vadd.f32 $-1.000000000e+00, v16;
	v8 =	vmul.f32 $1.192092900e-07, v8;
	v9 =	vmul.f32 $1.192092900e-07, v9  }
0x67: {  	v5 =	vsub.f32 $1.000000000e+00, v5;
	v19 =	vmul.f32 $1.554459930e-01, v18;
	v15 =	vadd.f32 $-5.729210380e-01, v15  }
0x68: {  	v21 =	vmul.f32 $1.554459930e-01, v12;
	v22 =	vmul.f32 $1.554459930e-01, v13;
	v4 =	vadd.f32 $-1.270000000e+02, v4  }
0x69: {  	s11 =	simm.s32 $0x80C0;
	v24 =	vmul.f32 $1.554459930e-01, v14;
	v3 =	vadd.f32 $-1.270000000e+02, v3;
	v15 =	vmul.f32 v15, v10  }
0x6a: {  	v57 =	vld [tilespmem:s11+$0x10];
	v25 =	vmul.f32 $1.554459930e-01, v16;
	v2 =	vadd.f32 $-1.270000000e+02, v2;
	v6 =	vadd.f32 $-1.270000000e+02, v6  }
0x6b: {  	v7 =	vadd.f32 $-1.270000000e+02, v7;
	v17 =	vand.u32 $0x7FFFFF, v5;
	v15 =	vadd.f32 $4.172998070e-01, v15  }
0x6c: {  	v20 =	vld [tilespmem:s11+$0x30];
	v8 =	vadd.f32 $-1.270000000e+02, v8;
	v9 =	vadd.f32 $-1.270000000e+02, v9;
	v17 =	vor.u32 $0x3F800000, v17  }
0x6d: {  	v19 =	vadd.f32 $-5.729210380e-01, v19;
	v44 =	vadd.f32 $-5.729210380e-01, v21;
	v10 =	vmul.f32 v15, v10  }
0x6e: {  	v5 =	vcvt.s32.f32 v5;
	v45 =	vadd.f32 $-5.729210380e-01, v22;
	v17 =	vadd.f32 $-1.000000000e+00, v17  }
0x6f: {  	v46 =	vadd.f32 $-5.729210380e-01, v24;
	v21 =	vmul.f32 $2.000000030e-01, v57;
	v10 =	vadd.f32 $7.252173960e-04, v10  }
0x70: {  	v47 =	vadd.f32 $-5.729210380e-01, v25;
	v5 =	vmul.f32 $1.192092900e-07, v5;
	v26 =	vmul.f32 $1.554459930e-01, v17  }
0x71: {  	v15 =	vmul.f32 $1.554459930e-01, v11;
	v4 =	vadd.f32 v10, v4;
	v10 =	vmul.f32 $2.000000030e-01, v20  }
0x72: {  	v19 =	vmul.f32 v19, v18;
	v22 =	vmul.f32 v46, v14;
	v48 =	vadd.f32 $-5.729210380e-01, v26  }
0x73: {  	v15 =	vadd.f32 $-5.729210380e-01, v15;
	v4 =	vmul.f32 $-6.931471820e-01, v4;
	v10 =	vadd.f32 $5.000000000e-01, v10  }
0x74: {  	v49 =	vmul.f32 v45, v13;
	v24 =	vmul.f32 v47, v16;
	v22 =	vadd.f32 $4.172998070e-01, v22  }
0x75: {  	v23 =	vmul.f32 v48, v17;
	v15 =	vmul.f32 v15, v11;
	v4 =	vsel vm1, v10, v4  }
0x76: {  	v5 =	vadd.f32 $-1.270000000e+02, v5;
	v14 =	vmul.f32 v22, v14;
	v4 =	vmax.f32 v4, $0.0e+00  }
0x77: {  	v23 =	vadd.f32 $4.172998070e-01, v23;
	v15 =	vadd.f32 $4.172998070e-01, v15;
	v51 =	vmin.f32 v4, $1.000000000e+01;
	v4 =	vld [tilespmem:s12+$0xFFFFFFD0]  }
0x78: {  	v19 =	vadd.f32 $4.172998070e-01, v19;
	v24 =	vadd.f32 $4.172998070e-01, v24;
	v10 =	vmul.f32 v44, v12  }
0x79: {  	v54 =	vld [tilespmem:s11+$0xFFFFFFE0];
	v14 =	vadd.f32 $7.252173960e-04, v14;
	v17 =	vmul.f32 v23, v17;
	v11 =	vmul.f32 v15, v11  }
0x7a: {  	v55 =	vld [tilespmem:s11+$0xFFFFFFF0];
	v20 =	vadd.f32 $4.172998070e-01, v49;
	v15 =	vmul.f32 v24, v16;
	v10 =	vadd.f32 $4.172998070e-01, v10  }
0x7b: {  	v53 =	vld [tilespmem:s11+$0xFFFFFFD0];
	v18 =	vmul.f32 v19, v18;
	v17 =	vadd.f32 $7.252173960e-04, v17;
	v11 =	vadd.f32 $7.252173960e-04, v11  }
0x7c: {  	v56 =	vld [tilespmem:s11+$0x0];
	v15 =	vadd.f32 $7.252173960e-04, v15;
	vm1 =	vge.f32 v4, v1;
	v4 =	vmul.f32 v10, v12  }
0x7d: {  	v58 =	vld [tilespmem:s11+$0x20];
	v2 =	vadd.f32 v11, v2;
	v10 =	vmul.f32 v20, v13;
	v13 =	vadd.f32 $7.252173960e-04, v18  }
0x7e: {  	v9 =	vadd.f32 v15, v9;
	v12 =	vld [tilespmem:s11+$0xFFFFFFC0];
	v18 =	vmul.f32 $2.000000030e-01, v54;
	v4 =	vadd.f32 $7.252173960e-04, v4  }
0x7f: {  	v19 =	vmul.f32 $2.000000030e-01, v55;
	v10 =	vadd.f32 $7.252173960e-04, v10;
	v3 =	vadd.f32 v13, v3  }
0x80: {  	v16 =	vmul.f32 $2.000000030e-01, v53;
	v13 =	vadd.f32 v17, v5;
	v11 =	vadd.f32 $5.000000000e-01, v18  }
0x81: {  	v20 =	vmul.f32 $2.000000030e-01, v56;
	v4 =	vadd.f32 v4, v6;
	v7 =	vadd.f32 v10, v7  }
0x82: {  	v15 =	vld [tilespmem:s12+$0x20];
	v10 =	vadd.f32 v14, v8;
	v14 =	vmul.f32 $2.000000030e-01, v58;
	v62 =	vmul.f32 $-6.931471820e-01, v3  }
0x83: {  	v6 =	vmul.f32 $-6.931471820e-01, v2;
	v8 =	vadd.f32 $5.000000000e-01, v16;
	v12 =	vmul.f32 $2.000000030e-01, v12  }
0x84: {  	v2 =	vmul.f32 $-6.931471820e-01, v13;
	v13 =	vadd.f32 $5.000000000e-01, v19;
	v5 =	vmul.f32 $-6.931471820e-01, v4  }
0x85: {  	v7 =	vmul.f32 $-6.931471820e-01, v7;
	v3 =	vmul.f32 $-6.931471820e-01, v10;
	v63 =	vadd.f32 $5.000000000e-01, v12  }
0x86: {  	s13 =	simm.s32 $0xC0C0;
	v4 =	vmul.f32 $-6.931471820e-01, v9;
	v10 =	vadd.f32 $5.000000000e-01, v20;
	v9 =	vadd.f32 $5.000000000e-01, v14  }
0x87: {  	s14 =	simm.s32 $0x0;
	s15 =	simm.s32 $0x4140;
	[tilespmem:s13+$0x30] =	vst v51;
	v12 =	vadd.f32 $5.000000000e-01, v21;
	v14 =	vsel vm3, v63, v62;
	vm3 =	vge.f32 v15, v1  }
.LBB2_2:
0x88: {  	v15 =	vld [tilespmem:s15+$0x30];
	s14 =	sadd.s32 $0x8, s14;
	v6 =	vsel vm1, v8, v6;
	v5 =	vsel vm2, v11, v5;
	v7 =	vsel vm5, v13, v7  }
0x89: {  	v3 =	vsel vm4, v10, v3;
	v4 =	vsel vm6, v12, v4;
	v2 =	vsel vm3, v9, v2;
	v8 =	vld [tilespmem:s15+$0xFFFFFFD0];
	p0 =	slt.u32 s14, $0x1F8  }
0x8a: {  	v10 =	vmax.f32 v14, $0.0e+00;
	v6 =	vmax.f32 v6, $0.0e+00;
	v5 =	vmax.f32 v5, $0.0e+00;
	v9 =	vld [tilespmem:s15+$0xFFFFFFE0]  }
0x8b: {  	v7 =	vmax.f32 v7, $0.0e+00;
	v3 =	vmax.f32 v3, $0.0e+00;
	v4 =	vmax.f32 v4, $0.0e+00;
	v11 =	vld [tilespmem:s15+$0xFFFFFFF0]  }
0x8c: {  	v10 =	vmin.f32 v10, $1.000000000e+01;
	v2 =	vmax.f32 v2, $0.0e+00;
	v6 =	vmin.f32 v6, $1.000000000e+01;
	v12 =	vld [tilespmem:s15+$0x0]  }
0x8d: {  	v5 =	vmin.f32 v5, $1.000000000e+01;
	v7 =	vmin.f32 v7, $1.000000000e+01;
	v13 =	vld [tilespmem:s15+$0x10];
	v14 =	vsub.f32 $1.000000000e+00, v15;
	[tilespmem:s13+$0xFFFFFFC0] =	vst v10  }
0x8e: {  	v3 =	vmin.f32 v3, $1.000000000e+01;
	v4 =	vmin.f32 v4, $1.000000000e+01;
	v8 =	vsub.f32 $1.000000000e+00, v8;
	v10 =	vld [tilespmem:s15+$0x20];
	[tilespmem:s13+$0xFFFFFFD0] =	vst v6  }
0x8f: {  	v2 =	vmin.f32 v2, $1.000000000e+01;
	v6 =	vld [tilespmem:s15+$0xFFFFFFC0];
	v9 =	vsub.f32 $1.000000000e+00, v9;
	v15 =	vand.u32 $0x7FFFFF, v14;
	[tilespmem:s13+$0xFFFFFFE0] =	vst v5  }
0x90: {  	v5 =	vand.u32 $0x7FFFFF, v8;
	v11 =	vsub.f32 $1.000000000e+00, v11;
	v15 =	vor.u32 $0x3F800000, v15;
	[tilespmem:s13+$0xFFFFFFF0] =	vst v7  }
0x91: {  	v7 =	vand.u32 $0x7FFFFF, v9;
	v12 =	vsub.f32 $1.000000000e+00, v12;
	v15 =	vadd.f32 $-1.000000000e+00, v15;
	[tilespmem:s13+$0x0] =	vst v3  }
0x92: {  	v3 =	vor.u32 $0x3F800000, v5;
	v5 =	vand.u32 $0x7FFFFF, v11;
	v13 =	vsub.f32 $1.000000000e+00, v13;
	[tilespmem:s13+$0x10] =	vst v4  }
0x93: {  	v4 =	vand.u32 $0x7FFFFF, v12;
	v10 =	vsub.f32 $1.000000000e+00, v10;
	v16 =	vmul.f32 $1.554459930e-01, v15;
	[tilespmem:s13+$0x20] =	vst v2  }
0x94: {  	v2 =	vsub.f32 $1.000000000e+00, v6;
	v6 =	vor.u32 $0x3F800000, v7;
	v7 =	vand.u32 $0x7FFFFF, v13  }
0x95: {  	v5 =	vor.u32 $0x3F800000, v5;
	v17 =	vand.u32 $0x7FFFFF, v10;
	v16 =	vadd.f32 $-5.729210380e-01, v16  }
0x96: {  	v4 =	vor.u32 $0x3F800000, v4;
	v7 =	vor.u32 $0x3F800000, v7;
	v18 =	vand.u32 $0x7FFFFF, v2  }
0x97: {  	v17 =	vor.u32 $0x3F800000, v17;
	v18 =	vor.u32 $0x3F800000, v18;
	v16 =	vmul.f32 v16, v15  }
0x98: {  	v3 =	vadd.f32 $-1.000000000e+00, v3;
	v2 =	vcvt.s32.f32 v2;
	v18 =	vadd.f32 $-1.000000000e+00, v18  }
0x99: {  	s11 =	sadd.s32 $0x80, s11;
	v14 =	vcvt.s32.f32 v14;
	v6 =	vadd.f32 $-1.000000000e+00, v6;
	v16 =	vadd.f32 $4.172998070e-01, v16  }
0x9a: {  	v5 =	vadd.f32 $-1.000000000e+00, v5;
	v4 =	vadd.f32 $-1.000000000e+00, v4;
	v19 =	vmul.f32 $1.554459930e-01, v18;
	v20 =	vld [tilespmem:s11+$0x30]  }
0x9b: {  	v14 =	vmul.f32 $1.192092900e-07, v14;
	v7 =	vadd.f32 $-1.000000000e+00, v7;
	v21 =	vld [tilespmem:s11+$0xFFFFFFC0];
	v15 =	vmul.f32 v16, v15  }
0x9c: {  	s12 =	sadd.s32 $0x80, s12;
	v23 =	vmul.f32 $1.554459930e-01, v6;
	v17 =	vadd.f32 $-1.000000000e+00, v17;
	v16 =	vmul.f32 $1.554459930e-01, v3;
	v22 =	vld [tilespmem:s11+$0xFFFFFFD0]  }
0x9d: {  	v14 =	vadd.f32 $-1.270000000e+02, v14;
	v24 =	vmul.f32 $1.554459930e-01, v5;
	v15 =	vadd.f32 $7.252173960e-04, v15;
	v25 =	vld [tilespmem:s12+$0x30]  }
0x9e: {  	v27 =	vmul.f32 $1.554459930e-01, v4;
	v28 =	vmul.f32 $1.554459930e-01, v7;
	v19 =	vadd.f32 $-5.729210380e-01, v19;
	v26 =	vld [tilespmem:s11+$0xFFFFFFE0]  }
0x9f: {  	v30 =	vmul.f32 $1.554459930e-01, v17;
	v29 =	vld [tilespmem:s11+$0xFFFFFFF0];
	v14 =	vadd.f32 v15, v14;
	v15 =	vmul.f32 $2.000000030e-01, v20  }
0xa0: {  	v16 =	vadd.f32 $-5.729210380e-01, v16;
	v19 =	vmul.f32 v19, v18;
	v20 =	vadd.f32 $-5.729210380e-01, v23;
	v23 =	vld [tilespmem:s11+$0x0]  }
0xa1: {  	v24 =	vadd.f32 $-5.729210380e-01, v24;
	v31 =	vld [tilespmem:s11+$0x10];
	v14 =	vmul.f32 $-6.931471820e-01, v14;
	v15 =	vadd.f32 $5.000000000e-01, v15  }
0xa2: {  	v27 =	vadd.f32 $-5.729210380e-01, v27;
	v28 =	vadd.f32 $-5.729210380e-01, v28;
	v32 =	vld [tilespmem:s11+$0x20];
	vm1 =	vge.f32 v25, v1  }
0xa3: {  	v30 =	vadd.f32 $-5.729210380e-01, v30;
	v16 =	vmul.f32 v16, v3;
	v25 =	vld [tilespmem:s12+$0xFFFFFFC0];
	v14 =	vsel vm1, v15, v14  }
0xa4: {  	v24 =	vmul.f32 v24, v5;
	v20 =	vmul.f32 v20, v6;
	v15 =	vld [tilespmem:s12+$0xFFFFFFD0];
	v14 =	vmax.f32 v14, $0.0e+00  }
0xa5: {  	s13 =	sadd.s32 $0x80, s13;
	v27 =	vmul.f32 v27, v4;
	v28 =	vmul.f32 v28, v7;
	v33 =	vld [tilespmem:s12+$0xFFFFFFE0];
	v14 =	vmin.f32 v14, $1.000000000e+01  }
0xa6: {  	v30 =	vmul.f32 v30, v17;
	v19 =	vadd.f32 $4.172998070e-01, v19;
	v16 =	vadd.f32 $4.172998070e-01, v16;
	v34 =	vld [tilespmem:s12+$0xFFFFFFF0];
	[tilespmem:s13+$0x30] =	vst v14  }
0xa7: {  	v8 =	vcvt.s32.f32 v8;
	v14 =	vadd.f32 $4.172998070e-01, v20;
	v20 =	vadd.f32 $4.172998070e-01, v24;
	v24 =	vld [tilespmem:s12+$0x0]  }
0xa8: {  	v9 =	vcvt.s32.f32 v9;
	v27 =	vadd.f32 $4.172998070e-01, v27;
	v28 =	vadd.f32 $4.172998070e-01, v28;
	v35 =	vld [tilespmem:s12+$0x10]  }
0xa9: {  	v11 =	vcvt.s32.f32 v11;
	v12 =	vcvt.s32.f32 v12;
	v30 =	vadd.f32 $4.172998070e-01, v30;
	v36 =	vld [tilespmem:s12+$0x20]  }
0xaa: {  	v13 =	vcvt.s32.f32 v13;
	v10 =	vcvt.s32.f32 v10;
	vm3 =	vge.f32 v25, v1  }
0xab: {  	v18 =	vmul.f32 v19, v18;
	v3 =	vmul.f32 v16, v3;
	vm1 =	vge.f32 v15, v1  }
0xac: {  	v6 =	vmul.f32 v14, v6;
	v5 =	vmul.f32 v20, v5;
	vm2 =	vge.f32 v33, v1  }
0xad: {  	v4 =	vmul.f32 v27, v4;
	v7 =	vmul.f32 v28, v7;
	v14 =	vadd.f32 $7.252173960e-04, v18  }
0xae: {  	v2 =	vmul.f32 $1.192092900e-07, v2;
	v3 =	vadd.f32 $7.252173960e-04, v3;
	v15 =	vmul.f32 v30, v17  }
0xaf: {  	v8 =	vmul.f32 $1.192092900e-07, v8;
	v9 =	vmul.f32 $1.192092900e-07, v9;
	v6 =	vadd.f32 $7.252173960e-04, v6  }
0xb0: {  	v11 =	vmul.f32 $1.192092900e-07, v11;
	v12 =	vmul.f32 $1.192092900e-07, v12;
	v5 =	vadd.f32 $7.252173960e-04, v5  }
0xb1: {  	v13 =	vmul.f32 $1.192092900e-07, v13;
	v10 =	vmul.f32 $1.192092900e-07, v10;
	v4 =	vadd.f32 $7.252173960e-04, v4  }
0xb2: {  	v7 =	vadd.f32 $7.252173960e-04, v7;
	v16 =	vmul.f32 $2.000000030e-01, v21;
	v15 =	vadd.f32 $7.252173960e-04, v15  }
0xb3: {  	v8 =	vadd.f32 $-1.270000000e+02, v8;
	v2 =	vadd.f32 $-1.270000000e+02, v2;
	v17 =	vmul.f32 $2.000000030e-01, v22  }
0xb4: {  	v9 =	vadd.f32 $-1.270000000e+02, v9;
	v11 =	vadd.f32 $-1.270000000e+02, v11;
	v18 =	vmul.f32 $2.000000030e-01, v26  }
0xb5: {  	v12 =	vadd.f32 $-1.270000000e+02, v12;
	v13 =	vadd.f32 $-1.270000000e+02, v13;
	v19 =	vmul.f32 $2.000000030e-01, v29  }
0xb6: {  	v10 =	vadd.f32 $-1.270000000e+02, v10;
	v2 =	vadd.f32 v14, v2;
	v14 =	vmul.f32 $2.000000030e-01, v23  }
0xb7: {  	v3 =	vadd.f32 v3, v8;
	v8 =	vadd.f32 v6, v9;
	v9 =	vmul.f32 $2.000000030e-01, v31  }
0xb8: {  	v4 =	vadd.f32 v4, v12;
	v20 =	vmul.f32 $2.000000030e-01, v32;
	v11 =	vadd.f32 v5, v11  }
0xb9: {  	v21 =	vmul.f32 $-6.931471820e-01, v2;
	v2 =	vadd.f32 v7, v13;
	v10 =	vadd.f32 v15, v10  }
0xba: {  	v6 =	vmul.f32 $-6.931471820e-01, v3;
	v15 =	vadd.f32 $5.000000000e-01, v16;
	v5 =	vmul.f32 $-6.931471820e-01, v8  }
.Ltmp0:
0xbb: {  	v3 =	vmul.f32 $-6.931471820e-01, v4;
	v8 =	vadd.f32 $5.000000000e-01, v17;
	v7 =	vmul.f32 $-6.931471820e-01, v11;
	(pc) =	sbr.rel @p0 .LBB2_2-.Ltmp0, $4  }
0xbc: {  	v11 =	vadd.f32 $5.000000000e-01, v18;
	v4 =	vmul.f32 $-6.931471820e-01, v2;
	v2 =	vmul.f32 $-6.931471820e-01, v10  }
0xbd: {  	vm5 =	vge.f32 v34, v1;
	v13 =	vadd.f32 $5.000000000e-01, v19;
	v10 =	vadd.f32 $5.000000000e-01, v14  }
0xbe: {  	vm4 =	vge.f32 v24, v1;
	v12 =	vadd.f32 $5.000000000e-01, v9;
	v9 =	vadd.f32 $5.000000000e-01, v20  }
0xbf: {  	s15 =	sadd.s32 $0x80, s15;
	vm6 =	vge.f32 v35, v1;
	v14 =	vsel vm3, v15, v21;
	vm3 =	vge.f32 v36, v1  }
0xc0: {  	v6 =	vsel vm1, v8, v6;
	v8 =	vmax.f32 v14, $0.0e+00  }
0xc1: {  	v5 =	vsel vm2, v11, v5;
	v6 =	vmax.f32 v6, $0.0e+00;
	v8 =	vmin.f32 v8, $1.000000000e+01  }
0xc2: {  	v3 =	vsel vm4, v10, v3;
	v5 =	vmax.f32 v5, $0.0e+00;
	v6 =	vmin.f32 v6, $1.000000000e+01;
	[tilespmem:s13+$0xFFFFFFC0] =	vst v8  }
0xc3: {  	v4 =	vsel vm6, v12, v4;
	v3 =	vmax.f32 v3, $0.0e+00;
	v5 =	vmin.f32 v5, $1.000000000e+01;
	[tilespmem:s13+$0xFFFFFFD0] =	vst v6  }
0xc4: {  	v2 =	vsel vm3, v9, v2;
	v4 =	vmax.f32 v4, $0.0e+00;
	v3 =	vmin.f32 v3, $1.000000000e+01;
	[tilespmem:s13+$0xFFFFFFE0] =	vst v5  }
0xc5: {  	v7 =	vsel vm5, v13, v7;
	v2 =	vmax.f32 v2, $0.0e+00;
	v4 =	vmin.f32 v4, $1.000000000e+01;
	[tilespmem:s13+$0x0] =	vst v3  }
0xc6: {  	v7 =	vmax.f32 v7, $0.0e+00;
	v2 =	vmin.f32 v2, $1.000000000e+01;
	[tilespmem:s13+$0x10] =	vst v4  }
0xc7: {  	v6 =	vmin.f32 v7, $1.000000000e+01;
	[tilespmem:s13+$0x20] =	vst v2  }
0xc8: {  	[tilespmem:s13+$0xFFFFFFF0] =	vst v6  }
0xc9: {  	[hbm4b:s20+s24] =	stream.strided.scatter [tilespmem:s5], [sflag:$0x3], $0x2000, s31, s24, $0x38;
	[tilespmem:$0x10080] =	vst v63  }
0xca: {  	s11 =	rddreg [dreg:$0xb]  }
0xcb: {  	[tilespmem:s24], [sflag:$0x1] =	stream.strided.gather [hbm4b:s11+s24], $0x2000, s31, s24, $0x38;
	[tilespmem:$0x10080] =	vst v63  }
0xcc: {  	s13 =	rddreg [dreg:$0xc]  }
0xcd: {  	[tilespmem:s0], [sflag:$0x1] =	stream.strided.gather [hbm4b:s13+s24], $0x2000, s31, s24, $0x38;
	[tilespmem:$0x10080] =	vst v63  }
0xce: {  	s14 =	rddreg [dreg:$0xd]  }
0xcf: {  	[tilespmem:s19], [sflag:$0x1] =	stream.strided.gather [hbm4b:s14+s24], $0x2000, s31, s24, $0x38;
	[tilespmem:$0x10080] =	vst v63  }
0xd0: {  	_ =	swait.ge [sflag:s6], $0x2000  }
0xd1: {  	[sflag:s6] =	ssyncset.done $0x0  }
0xd2: {  	[sflag:s6] =	ssyncadd.s32 $0xFFFFE000  }
0xd3: {  	_ =	swait.ge [sflag:s6], $0x2000  }
0xd4: {  	[sflag:s6] =	ssyncset.done $0x0  }
0xd5: {  	[sflag:s6] =	ssyncadd.s32 $0xFFFFE000  }
0xd6: {  	_ =	swait.ge [sflag:s6], $0x2000  }
0xd7: {  	[sflag:s6] =	ssyncset.done $0x0  }
0xd8: {  	s15 =	simm.s32 $0x60C0;
	[sflag:s6] =	ssyncadd.s32 $0xFFFFE000  }
0xd9: {  	v2 =	vld [tilespmem:s15+$0x30]  }
0xda: {  	v3 =	vld [tilespmem:s15+$0xFFFFFFD0]  }
0xdb: {  	v4 =	vld [tilespmem:s15+$0xFFFFFFE0]  }
0xdc: {  	v5 =	vld [tilespmem:s15+$0xFFFFFFF0]  }
0xdd: {  	v6 =	vld [tilespmem:s15+$0x0]  }
0xde: {  	v7 =	vld [tilespmem:s15+$0x10]  }
0xdf: {  	v8 =	vld [tilespmem:s15+$0x20]  }
0xe0: {  	s12 =	simm.s32 $0x20C0;
	v9 =	vld [tilespmem:s15+$0xFFFFFFC0]  }
0xe1: {  	v23 =	vld [tilespmem:s12+$0x30]  }
0xe2: {  	v50 =	vld [tilespmem:s12+$0xFFFFFFC0]  }
0xe3: {  	v52 =	vld [tilespmem:s12+$0xFFFFFFE0]  }
0xe4: {  	v59 =	vld [tilespmem:s12+$0xFFFFFFF0]  }
0xe5: {  	v60 =	vld [tilespmem:s12+$0x0];
	v2 =	vsub.f32 $1.000000000e+00, v2  }
0xe6: {  	v3 =	vsub.f32 $1.000000000e+00, v3;
	v4 =	vsub.f32 $1.000000000e+00, v4  }
0xe7: {  	v5 =	vsub.f32 $1.000000000e+00, v5;
	v6 =	vsub.f32 $1.000000000e+00, v6  }
0xe8: {  	v7 =	vsub.f32 $1.000000000e+00, v7;
	v8 =	vsub.f32 $1.000000000e+00, v8  }
0xe9: {  	v9 =	vsub.f32 $1.000000000e+00, v9;
	vm1 =	vge.f32 v23, v1;
	vm3 =	vge.f32 v50, v1  }
0xea: {  	vm2 =	vge.f32 v52, v1;
	vm5 =	vge.f32 v59, v1;
	vm4 =	vge.f32 v60, v1  }
0xeb: {  	v10 =	vand.u32 $0x7FFFFF, v2;
	v11 =	vand.u32 $0x7FFFFF, v3;
	v12 =	vand.u32 $0x7FFFFF, v4  }
0xec: {  	v13 =	vand.u32 $0x7FFFFF, v5;
	v18 =	vand.u32 $0x7FFFFF, v9;
	v9 =	vcvt.s32.f32 v9  }
0xed: {  	v14 =	vand.u32 $0x7FFFFF, v6;
	v2 =	vcvt.s32.f32 v2;
	v3 =	vcvt.s32.f32 v3  }
0xee: {  	v16 =	vand.u32 $0x7FFFFF, v7;
	v4 =	vcvt.s32.f32 v4;
	v5 =	vcvt.s32.f32 v5  }
0xef: {  	v17 =	vand.u32 $0x7FFFFF, v8;
	v6 =	vcvt.s32.f32 v6;
	v7 =	vcvt.s32.f32 v7  }
0xf0: {  	v8 =	vcvt.s32.f32 v8;
	v10 =	vor.u32 $0x3F800000, v10;
	v11 =	vor.u32 $0x3F800000, v11  }
0xf1: {  	v12 =	vor.u32 $0x3F800000, v12;
	v13 =	vor.u32 $0x3F800000, v13;
	v14 =	vor.u32 $0x3F800000, v14  }
0xf2: {  	v16 =	vor.u32 $0x3F800000, v16;
	v18 =	vor.u32 $0x3F800000, v18;
	v10 =	vadd.f32 $-1.000000000e+00, v10  }
0xf3: {  	v17 =	vor.u32 $0x3F800000, v17;
	v18 =	vadd.f32 $-1.000000000e+00, v18;
	v11 =	vadd.f32 $-1.000000000e+00, v11  }
0xf4: {  	v12 =	vadd.f32 $-1.000000000e+00, v12;
	v13 =	vadd.f32 $-1.000000000e+00, v13;
	v2 =	vmul.f32 $1.192092900e-07, v2  }
0xf5: {  	v14 =	vadd.f32 $-1.000000000e+00, v14;
	v9 =	vmul.f32 $1.192092900e-07, v9;
	v15 =	vmul.f32 $1.554459930e-01, v10  }
0xf6: {  	v16 =	vadd.f32 $-1.000000000e+00, v16;
	v3 =	vmul.f32 $1.192092900e-07, v3;
	v4 =	vmul.f32 $1.192092900e-07, v4  }
0xf7: {  	v5 =	vmul.f32 $1.192092900e-07, v5;
	v6 =	vmul.f32 $1.192092900e-07, v6;
	v15 =	vadd.f32 $-5.729210380e-01, v15  }
0xf8: {  	v17 =	vadd.f32 $-1.000000000e+00, v17;
	v7 =	vmul.f32 $1.192092900e-07, v7;
	v8 =	vmul.f32 $1.192092900e-07, v8  }
0xf9: {  	v19 =	vmul.f32 $1.554459930e-01, v18;
	v2 =	vadd.f32 $-1.270000000e+02, v2;
	v15 =	vmul.f32 v15, v10  }
0xfa: {  	s11 =	simm.s32 $0xA0C0;
	v61 =	vld [tilespmem:s12+$0x10];
	v21 =	vmul.f32 $1.554459930e-01, v12;
	v9 =	vadd.f32 $-1.270000000e+02, v9;
	v3 =	vadd.f32 $-1.270000000e+02, v3  }
0xfb: {  	v20 =	vld [tilespmem:s11+$0x30];
	v22 =	vmul.f32 $1.554459930e-01, v13;
	v4 =	vadd.f32 $-1.270000000e+02, v4;
	v15 =	vadd.f32 $4.172998070e-01, v15  }
0xfc: {  	v57 =	vld [tilespmem:s11+$0x10];
	v24 =	vmul.f32 $1.554459930e-01, v14;
	v5 =	vadd.f32 $-1.270000000e+02, v5;
	v6 =	vadd.f32 $-1.270000000e+02, v6  }
0xfd: {  	v7 =	vadd.f32 $-1.270000000e+02, v7;
	v8 =	vadd.f32 $-1.270000000e+02, v8;
	v10 =	vmul.f32 v15, v10  }
0xfe: {  	v25 =	vmul.f32 $1.554459930e-01, v16;
	v19 =	vadd.f32 $-5.729210380e-01, v19;
	v44 =	vadd.f32 $-5.729210380e-01, v21  }
0xff: {  	vm6 =	vge.f32 v61, v1;
	v45 =	vadd.f32 $-5.729210380e-01, v22;
	v10 =	vadd.f32 $7.252173960e-04, v10  }
0x100: {  	v26 =	vmul.f32 $1.554459930e-01, v17;
	v46 =	vadd.f32 $-5.729210380e-01, v24;
	v47 =	vadd.f32 $-5.729210380e-01, v25  }
0x101: {  	v21 =	vmul.f32 $2.000000030e-01, v57;
	v2 =	vadd.f32 v10, v2;
	v10 =	vmul.f32 $2.000000030e-01, v20  }
0x102: {  	v48 =	vadd.f32 $-5.729210380e-01, v26;
	v19 =	vmul.f32 v19, v18;
	v15 =	vmul.f32 $1.554459930e-01, v11  }
0x103: {  	v49 =	vmul.f32 v45, v13;
	v2 =	vmul.f32 $-6.931471820e-01, v2;
	v10 =	vadd.f32 $5.000000000e-01, v10  }
0x104: {  	v55 =	vld [tilespmem:s11+$0xFFFFFFF0];
	v22 =	vmul.f32 v46, v14;
	v24 =	vmul.f32 v47, v16;
	v15 =	vadd.f32 $-5.729210380e-01, v15  }
0x105: {  	v23 =	vmul.f32 v48, v17;
	v19 =	vadd.f32 $4.172998070e-01, v19;
	v2 =	vsel vm1, v10, v2  }
0x106: {  	v22 =	vadd.f32 $4.172998070e-01, v22;
	v15 =	vmul.f32 v15, v11;
	v2 =	vmax.f32 v2, $0.0e+00  }
0x107: {  	v23 =	vadd.f32 $4.172998070e-01, v23;
	v18 =	vmul.f32 v19, v18;
	v51 =	vmin.f32 v2, $1.000000000e+01;
	v2 =	vld [tilespmem:s12+$0xFFFFFFD0]  }
0x108: {  	v14 =	vmul.f32 v22, v14;
	v15 =	vadd.f32 $4.172998070e-01, v15;
	v10 =	vmul.f32 v44, v12  }
0x109: {  	v53 =	vld [tilespmem:s11+$0xFFFFFFD0];
	v24 =	vadd.f32 $4.172998070e-01, v24;
	v17 =	vmul.f32 v23, v17;
	v19 =	vmul.f32 $2.000000030e-01, v55  }
0x10a: {  	v54 =	vld [tilespmem:s11+$0xFFFFFFE0];
	v14 =	vadd.f32 $7.252173960e-04, v14;
	v11 =	vmul.f32 v15, v11;
	v10 =	vadd.f32 $4.172998070e-01, v10  }
0x10b: {  	v56 =	vld [tilespmem:s11+$0x0];
	v17 =	vadd.f32 $7.252173960e-04, v17;
	v20 =	vadd.f32 $4.172998070e-01, v49;
	v15 =	vmul.f32 v24, v16  }
0x10c: {  	v58 =	vld [tilespmem:s11+$0x20];
	v11 =	vadd.f32 $7.252173960e-04, v11;
	vm1 =	vge.f32 v2, v1;
	v2 =	vmul.f32 v10, v12  }
0x10d: {  	v15 =	vadd.f32 $7.252173960e-04, v15;
	v10 =	vmul.f32 v20, v13;
	v13 =	vadd.f32 $7.252173960e-04, v18  }
0x10e: {  	v16 =	vmul.f32 $2.000000030e-01, v53;
	v3 =	vadd.f32 v11, v3;
	v12 =	vld [tilespmem:s11+$0xFFFFFFC0];
	v2 =	vadd.f32 $7.252173960e-04, v2  }
0x10f: {  	v18 =	vmul.f32 $2.000000030e-01, v54;
	v10 =	vadd.f32 $7.252173960e-04, v10;
	v9 =	vadd.f32 v13, v9  }
0x110: {  	v20 =	vmul.f32 $2.000000030e-01, v56;
	v13 =	vadd.f32 v17, v8;
	v2 =	vadd.f32 v2, v4  }
0x111: {  	v4 =	vadd.f32 v10, v5;
	v10 =	vadd.f32 v14, v6;
	v14 =	vmul.f32 $2.000000030e-01, v58  }
0x112: {  	v62 =	vmul.f32 $-6.931471820e-01, v9;
	v9 =	vadd.f32 v15, v7;
	v15 =	vld [tilespmem:s12+$0x20];
	v6 =	vmul.f32 $-6.931471820e-01, v3  }
0x113: {  	v8 =	vadd.f32 $5.000000000e-01, v16;
	v12 =	vmul.f32 $2.000000030e-01, v12;
	v5 =	vmul.f32 $-6.931471820e-01, v2  }
0x114: {  	v11 =	vadd.f32 $5.000000000e-01, v18;
	v7 =	vmul.f32 $-6.931471820e-01, v4;
	v3 =	vmul.f32 $-6.931471820e-01, v10  }
0x115: {  	v2 =	vmul.f32 $-6.931471820e-01, v13;
	v13 =	vadd.f32 $5.000000000e-01, v19;
	v63 =	vadd.f32 $5.000000000e-01, v12  }
0x116: {  	s13 =	simm.s32 $0xE0C0;
	v4 =	vmul.f32 $-6.931471820e-01, v9;
	v10 =	vadd.f32 $5.000000000e-01, v20;
	v9 =	vadd.f32 $5.000000000e-01, v14  }
0x117: {  	s14 =	simm.s32 $0x0;
	s15 =	simm.s32 $0x6140;
	[tilespmem:s13+$0x30] =	vst v51;
	v12 =	vadd.f32 $5.000000000e-01, v21;
	v14 =	vsel vm3, v63, v62;
	vm3 =	vge.f32 v15, v1  }
.LBB2_4:
0x118: {  	v15 =	vld [tilespmem:s15+$0x30];
	s14 =	sadd.s32 $0x8, s14;
	v6 =	vsel vm1, v8, v6;
	v5 =	vsel vm2, v11, v5;
	v7 =	vsel vm5, v13, v7  }
0x119: {  	v3 =	vsel vm4, v10, v3;
	v4 =	vsel vm6, v12, v4;
	v2 =	vsel vm3, v9, v2;
	v8 =	vld [tilespmem:s15+$0xFFFFFFD0];
	p0 =	slt.u32 s14, $0x1F8  }
0x11a: {  	v10 =	vmax.f32 v14, $0.0e+00;
	v6 =	vmax.f32 v6, $0.0e+00;
	v5 =	vmax.f32 v5, $0.0e+00;
	v9 =	vld [tilespmem:s15+$0xFFFFFFE0]  }
0x11b: {  	v7 =	vmax.f32 v7, $0.0e+00;
	v3 =	vmax.f32 v3, $0.0e+00;
	v4 =	vmax.f32 v4, $0.0e+00;
	v11 =	vld [tilespmem:s15+$0xFFFFFFF0]  }
0x11c: {  	v10 =	vmin.f32 v10, $1.000000000e+01;
	v2 =	vmax.f32 v2, $0.0e+00;
	v6 =	vmin.f32 v6, $1.000000000e+01;
	v12 =	vld [tilespmem:s15+$0x0]  }
0x11d: {  	v5 =	vmin.f32 v5, $1.000000000e+01;
	v7 =	vmin.f32 v7, $1.000000000e+01;
	v13 =	vld [tilespmem:s15+$0x10];
	v14 =	vsub.f32 $1.000000000e+00, v15;
	[tilespmem:s13+$0xFFFFFFC0] =	vst v10  }
0x11e: {  	v3 =	vmin.f32 v3, $1.000000000e+01;
	v4 =	vmin.f32 v4, $1.000000000e+01;
	v8 =	vsub.f32 $1.000000000e+00, v8;
	v10 =	vld [tilespmem:s15+$0x20];
	[tilespmem:s13+$0xFFFFFFD0] =	vst v6  }
0x11f: {  	v2 =	vmin.f32 v2, $1.000000000e+01;
	v6 =	vld [tilespmem:s15+$0xFFFFFFC0];
	v9 =	vsub.f32 $1.000000000e+00, v9;
	v15 =	vand.u32 $0x7FFFFF, v14;
	[tilespmem:s13+$0xFFFFFFE0] =	vst v5  }
0x120: {  	v5 =	vand.u32 $0x7FFFFF, v8;
	v11 =	vsub.f32 $1.000000000e+00, v11;
	v15 =	vor.u32 $0x3F800000, v15;
	[tilespmem:s13+$0xFFFFFFF0] =	vst v7  }
0x121: {  	v7 =	vand.u32 $0x7FFFFF, v9;
	v12 =	vsub.f32 $1.000000000e+00, v12;
	v15 =	vadd.f32 $-1.000000000e+00, v15;
	[tilespmem:s13+$0x0] =	vst v3  }
0x122: {  	v3 =	vor.u32 $0x3F800000, v5;
	v5 =	vand.u32 $0x7FFFFF, v11;
	v13 =	vsub.f32 $1.000000000e+00, v13;
	[tilespmem:s13+$0x10] =	vst v4  }
0x123: {  	v4 =	vand.u32 $0x7FFFFF, v12;
	v10 =	vsub.f32 $1.000000000e+00, v10;
	v16 =	vmul.f32 $1.554459930e-01, v15;
	[tilespmem:s13+$0x20] =	vst v2  }
0x124: {  	v2 =	vsub.f32 $1.000000000e+00, v6;
	v6 =	vor.u32 $0x3F800000, v7;
	v7 =	vand.u32 $0x7FFFFF, v13  }
0x125: {  	v5 =	vor.u32 $0x3F800000, v5;
	v17 =	vand.u32 $0x7FFFFF, v10;
	v16 =	vadd.f32 $-5.729210380e-01, v16  }
0x126: {  	v4 =	vor.u32 $0x3F800000, v4;
	v7 =	vor.u32 $0x3F800000, v7;
	v18 =	vand.u32 $0x7FFFFF, v2  }
0x127: {  	v17 =	vor.u32 $0x3F800000, v17;
	v18 =	vor.u32 $0x3F800000, v18;
	v16 =	vmul.f32 v16, v15  }
0x128: {  	v3 =	vadd.f32 $-1.000000000e+00, v3;
	v2 =	vcvt.s32.f32 v2;
	v18 =	vadd.f32 $-1.000000000e+00, v18  }
0x129: {  	s11 =	sadd.s32 $0x80, s11;
	v14 =	vcvt.s32.f32 v14;
	v6 =	vadd.f32 $-1.000000000e+00, v6;
	v16 =	vadd.f32 $4.172998070e-01, v16  }
0x12a: {  	v5 =	vadd.f32 $-1.000000000e+00, v5;
	v4 =	vadd.f32 $-1.000000000e+00, v4;
	v19 =	vmul.f32 $1.554459930e-01, v18;
	v20 =	vld [tilespmem:s11+$0x30]  }
0x12b: {  	v14 =	vmul.f32 $1.192092900e-07, v14;
	v7 =	vadd.f32 $-1.000000000e+00, v7;
	v21 =	vld [tilespmem:s11+$0xFFFFFFC0];
	v15 =	vmul.f32 v16, v15  }
0x12c: {  	s12 =	sadd.s32 $0x80, s12;
	v23 =	vmul.f32 $1.554459930e-01, v6;
	v17 =	vadd.f32 $-1.000000000e+00, v17;
	v16 =	vmul.f32 $1.554459930e-01, v3;
	v22 =	vld [tilespmem:s11+$0xFFFFFFD0]  }
0x12d: {  	v14 =	vadd.f32 $-1.270000000e+02, v14;
	v24 =	vmul.f32 $1.554459930e-01, v5;
	v15 =	vadd.f32 $7.252173960e-04, v15;
	v25 =	vld [tilespmem:s12+$0x30]  }
0x12e: {  	v27 =	vmul.f32 $1.554459930e-01, v4;
	v28 =	vmul.f32 $1.554459930e-01, v7;
	v19 =	vadd.f32 $-5.729210380e-01, v19;
	v26 =	vld [tilespmem:s11+$0xFFFFFFE0]  }
0x12f: {  	v30 =	vmul.f32 $1.554459930e-01, v17;
	v29 =	vld [tilespmem:s11+$0xFFFFFFF0];
	v14 =	vadd.f32 v15, v14;
	v15 =	vmul.f32 $2.000000030e-01, v20  }
0x130: {  	v16 =	vadd.f32 $-5.729210380e-01, v16;
	v19 =	vmul.f32 v19, v18;
	v20 =	vadd.f32 $-5.729210380e-01, v23;
	v23 =	vld [tilespmem:s11+$0x0]  }
0x131: {  	v24 =	vadd.f32 $-5.729210380e-01, v24;
	v31 =	vld [tilespmem:s11+$0x10];
	v14 =	vmul.f32 $-6.931471820e-01, v14;
	v15 =	vadd.f32 $5.000000000e-01, v15  }
0x132: {  	v27 =	vadd.f32 $-5.729210380e-01, v27;
	v28 =	vadd.f32 $-5.729210380e-01, v28;
	v32 =	vld [tilespmem:s11+$0x20];
	vm1 =	vge.f32 v25, v1  }
0x133: {  	v30 =	vadd.f32 $-5.729210380e-01, v30;
	v16 =	vmul.f32 v16, v3;
	v25 =	vld [tilespmem:s12+$0xFFFFFFC0];
	v14 =	vsel vm1, v15, v14  }
0x134: {  	v24 =	vmul.f32 v24, v5;
	v20 =	vmul.f32 v20, v6;
	v15 =	vld [tilespmem:s12+$0xFFFFFFD0];
	v14 =	vmax.f32 v14, $0.0e+00  }
0x135: {  	s13 =	sadd.s32 $0x80, s13;
	v27 =	vmul.f32 v27, v4;
	v28 =	vmul.f32 v28, v7;
	v33 =	vld [tilespmem:s12+$0xFFFFFFE0];
	v14 =	vmin.f32 v14, $1.000000000e+01  }
0x136: {  	v30 =	vmul.f32 v30, v17;
	v19 =	vadd.f32 $4.172998070e-01, v19;
	v16 =	vadd.f32 $4.172998070e-01, v16;
	v34 =	vld [tilespmem:s12+$0xFFFFFFF0];
	[tilespmem:s13+$0x30] =	vst v14  }
0x137: {  	v8 =	vcvt.s32.f32 v8;
	v14 =	vadd.f32 $4.172998070e-01, v20;
	v20 =	vadd.f32 $4.172998070e-01, v24;
	v24 =	vld [tilespmem:s12+$0x0]  }
0x138: {  	v9 =	vcvt.s32.f32 v9;
	v27 =	vadd.f32 $4.172998070e-01, v27;
	v28 =	vadd.f32 $4.172998070e-01, v28;
	v35 =	vld [tilespmem:s12+$0x10]  }
0x139: {  	v11 =	vcvt.s32.f32 v11;
	v12 =	vcvt.s32.f32 v12;
	v30 =	vadd.f32 $4.172998070e-01, v30;
	v36 =	vld [tilespmem:s12+$0x20]  }
0x13a: {  	v13 =	vcvt.s32.f32 v13;
	v10 =	vcvt.s32.f32 v10;
	vm3 =	vge.f32 v25, v1  }
0x13b: {  	v18 =	vmul.f32 v19, v18;
	v3 =	vmul.f32 v16, v3;
	vm1 =	vge.f32 v15, v1  }
0x13c: {  	v6 =	vmul.f32 v14, v6;
	v5 =	vmul.f32 v20, v5;
	vm2 =	vge.f32 v33, v1  }
0x13d: {  	v4 =	vmul.f32 v27, v4;
	v7 =	vmul.f32 v28, v7;
	v14 =	vadd.f32 $7.252173960e-04, v18  }
0x13e: {  	v2 =	vmul.f32 $1.192092900e-07, v2;
	v3 =	vadd.f32 $7.252173960e-04, v3;
	v15 =	vmul.f32 v30, v17  }
0x13f: {  	v8 =	vmul.f32 $1.192092900e-07, v8;
	v9 =	vmul.f32 $1.192092900e-07, v9;
	v6 =	vadd.f32 $7.252173960e-04, v6  }
0x140: {  	v11 =	vmul.f32 $1.192092900e-07, v11;
	v12 =	vmul.f32 $1.192092900e-07, v12;
	v5 =	vadd.f32 $7.252173960e-04, v5  }
0x141: {  	v13 =	vmul.f32 $1.192092900e-07, v13;
	v10 =	vmul.f32 $1.192092900e-07, v10;
	v4 =	vadd.f32 $7.252173960e-04, v4  }
0x142: {  	v7 =	vadd.f32 $7.252173960e-04, v7;
	v16 =	vmul.f32 $2.000000030e-01, v21;
	v15 =	vadd.f32 $7.252173960e-04, v15  }
0x143: {  	v8 =	vadd.f32 $-1.270000000e+02, v8;
	v2 =	vadd.f32 $-1.270000000e+02, v2;
	v17 =	vmul.f32 $2.000000030e-01, v22  }
0x144: {  	v9 =	vadd.f32 $-1.270000000e+02, v9;
	v11 =	vadd.f32 $-1.270000000e+02, v11;
	v18 =	vmul.f32 $2.000000030e-01, v26  }
0x145: {  	v12 =	vadd.f32 $-1.270000000e+02, v12;
	v13 =	vadd.f32 $-1.270000000e+02, v13;
	v19 =	vmul.f32 $2.000000030e-01, v29  }
0x146: {  	v10 =	vadd.f32 $-1.270000000e+02, v10;
	v2 =	vadd.f32 v14, v2;
	v14 =	vmul.f32 $2.000000030e-01, v23  }
0x147: {  	v3 =	vadd.f32 v3, v8;
	v8 =	vadd.f32 v6, v9;
	v9 =	vmul.f32 $2.000000030e-01, v31  }
0x148: {  	v4 =	vadd.f32 v4, v12;
	v20 =	vmul.f32 $2.000000030e-01, v32;
	v11 =	vadd.f32 v5, v11  }
0x149: {  	v21 =	vmul.f32 $-6.931471820e-01, v2;
	v2 =	vadd.f32 v7, v13;
	v10 =	vadd.f32 v15, v10  }
0x14a: {  	v6 =	vmul.f32 $-6.931471820e-01, v3;
	v15 =	vadd.f32 $5.000000000e-01, v16;
	v5 =	vmul.f32 $-6.931471820e-01, v8  }
.Ltmp1:
0x14b: {  	v3 =	vmul.f32 $-6.931471820e-01, v4;
	v8 =	vadd.f32 $5.000000000e-01, v17;
	v7 =	vmul.f32 $-6.931471820e-01, v11;
	(pc) =	sbr.rel @p0 .LBB2_4-.Ltmp1, $4  }
0x14c: {  	v11 =	vadd.f32 $5.000000000e-01, v18;
	v4 =	vmul.f32 $-6.931471820e-01, v2;
	v2 =	vmul.f32 $-6.931471820e-01, v10  }
0x14d: {  	vm5 =	vge.f32 v34, v1;
	v13 =	vadd.f32 $5.000000000e-01, v19;
	v10 =	vadd.f32 $5.000000000e-01, v14  }
0x14e: {  	vm4 =	vge.f32 v24, v1;
	v12 =	vadd.f32 $5.000000000e-01, v9;
	v9 =	vadd.f32 $5.000000000e-01, v20  }
0x14f: {  	s15 =	sadd.s32 $0x80, s15;
	vm6 =	vge.f32 v35, v1;
	v14 =	vsel vm3, v15, v21;
	vm3 =	vge.f32 v36, v1  }
0x150: {  	v6 =	vsel vm1, v8, v6;
	v8 =	vmax.f32 v14, $0.0e+00  }
0x151: {  	v5 =	vsel vm2, v11, v5;
	v6 =	vmax.f32 v6, $0.0e+00;
	v8 =	vmin.f32 v8, $1.000000000e+01  }
0x152: {  	v3 =	vsel vm4, v10, v3;
	v5 =	vmax.f32 v5, $0.0e+00;
	v6 =	vmin.f32 v6, $1.000000000e+01;
	[tilespmem:s13+$0xFFFFFFC0] =	vst v8  }
0x153: {  	v4 =	vsel vm6, v12, v4;
	v3 =	vmax.f32 v3, $0.0e+00;
	v5 =	vmin.f32 v5, $1.000000000e+01;
	[tilespmem:s13+$0xFFFFFFD0] =	vst v6  }
0x154: {  	v2 =	vsel vm3, v9, v2;
	v4 =	vmax.f32 v4, $0.0e+00;
	v3 =	vmin.f32 v3, $1.000000000e+01;
	[tilespmem:s13+$0xFFFFFFE0] =	vst v5  }
0x155: {  	v7 =	vsel vm5, v13, v7;
	v2 =	vmax.f32 v2, $0.0e+00;
	v4 =	vmin.f32 v4, $1.000000000e+01;
	[tilespmem:s13+$0x0] =	vst v3  }
0x156: {  	v7 =	vmax.f32 v7, $0.0e+00;
	v2 =	vmin.f32 v2, $1.000000000e+01;
	[tilespmem:s13+$0x10] =	vst v4  }
0x157: {  	v6 =	vmin.f32 v7, $1.000000000e+01;
	[tilespmem:s13+$0x20] =	vst v2  }
0x158: {  	[tilespmem:s13+$0xFFFFFFF0] =	vst v6  }
0x159: {  	[hbm4b:s21+s24] =	stream.strided.scatter [tilespmem:s7], [sflag:$0x4], $0x2000, s31, s24, $0x38;
	[tilespmem:$0x10080] =	vst v63  }
0x15a: {  	s11 =	rddreg [dreg:$0xe]  }
0x15b: {  	[tilespmem:s1], [sflag:$0x2] =	stream.strided.gather [hbm4b:s11+s24], $0x2000, s31, s24, $0x38;
	[tilespmem:$0x10080] =	vst v63  }
0x15c: {  	s13 =	rddreg [dreg:$0xf]  }
0x15d: {  	[tilespmem:s2], [sflag:$0x2] =	stream.strided.gather [hbm4b:s13+s24], $0x2000, s31, s24, $0x38;
	[tilespmem:$0x10080] =	vst v63  }
0x15e: {  	s14 =	rddreg [dreg:$0x10]  }
0x15f: {  	[tilespmem:s3], [sflag:$0x2] =	stream.strided.gather [hbm4b:s14+s24], $0x2000, s31, s24, $0x38;
	[tilespmem:$0x10080] =	vst v63  }
0x160: {  	_ =	swait.ge [sflag:s4], $0x2000  }
0x161: {  	[sflag:s4] =	ssyncset.done $0x0  }
0x162: {  	[sflag:s4] =	ssyncadd.s32 $0xFFFFE000  }
0x163: {  	_ =	swait.ge [sflag:s4], $0x2000  }
0x164: {  	[sflag:s4] =	ssyncset.done $0x0  }
0x165: {  	[sflag:s4] =	ssyncadd.s32 $0xFFFFE000  }
0x166: {  	_ =	swait.ge [sflag:s4], $0x2000  }
0x167: {  	[sflag:s4] =	ssyncset.done $0x0  }
0x168: {  	[sflag:s4] =	ssyncadd.s32 $0xFFFFE000  }
0x169: {  	_ =	swait.ge [sflag:s8], $0x2000  }
0x16a: {  	[sflag:s8] =	ssyncset.done $0x0  }
0x16b: {  	s15 =	simm.s32 $0x40C0;
	[sflag:s8] =	ssyncadd.s32 $0xFFFFE000  }
0x16c: {  	v2 =	vld [tilespmem:s15+$0x30]  }
0x16d: {  	v3 =	vld [tilespmem:s15+$0xFFFFFFD0]  }
0x16e: {  	v4 =	vld [tilespmem:s15+$0xFFFFFFE0]  }
0x16f: {  	v5 =	vld [tilespmem:s15+$0xFFFFFFF0]  }
0x170: {  	v6 =	vld [tilespmem:s15+$0x0]  }
0x171: {  	v7 =	vld [tilespmem:s15+$0x10]  }
0x172: {  	v8 =	vld [tilespmem:s15+$0x20]  }
0x173: {  	s12 =	simm.s32 $0xC0;
	v9 =	vld [tilespmem:s15+$0xFFFFFFC0]  }
0x174: {  	v23 =	vld [tilespmem:s12+$0x30]  }
0x175: {  	v50 =	vld [tilespmem:s12+$0xFFFFFFC0]  }
0x176: {  	v52 =	vld [tilespmem:s12+$0xFFFFFFE0]  }
0x177: {  	v59 =	vld [tilespmem:s12+$0xFFFFFFF0]  }
0x178: {  	v60 =	vld [tilespmem:s12+$0x0];
	v2 =	vsub.f32 $1.000000000e+00, v2  }
0x179: {  	v3 =	vsub.f32 $1.000000000e+00, v3;
	v4 =	vsub.f32 $1.000000000e+00, v4  }
0x17a: {  	v5 =	vsub.f32 $1.000000000e+00, v5;
	v6 =	vsub.f32 $1.000000000e+00, v6  }
0x17b: {  	v7 =	vsub.f32 $1.000000000e+00, v7;
	v8 =	vsub.f32 $1.000000000e+00, v8  }
0x17c: {  	v9 =	vsub.f32 $1.000000000e+00, v9;
	vm1 =	vge.f32 v23, v1;
	vm3 =	vge.f32 v50, v1  }
0x17d: {  	vm2 =	vge.f32 v52, v1;
	vm5 =	vge.f32 v59, v1;
	vm4 =	vge.f32 v60, v1  }
0x17e: {  	v10 =	vand.u32 $0x7FFFFF, v2;
	v11 =	vand.u32 $0x7FFFFF, v3;
	v12 =	vand.u32 $0x7FFFFF, v4  }
0x17f: {  	v13 =	vand.u32 $0x7FFFFF, v5;
	v18 =	vand.u32 $0x7FFFFF, v9;
	v9 =	vcvt.s32.f32 v9  }
0x180: {  	v14 =	vand.u32 $0x7FFFFF, v6;
	v2 =	vcvt.s32.f32 v2;
	v3 =	vcvt.s32.f32 v3  }
0x181: {  	v16 =	vand.u32 $0x7FFFFF, v7;
	v4 =	vcvt.s32.f32 v4;
	v5 =	vcvt.s32.f32 v5  }
0x182: {  	v17 =	vand.u32 $0x7FFFFF, v8;
	v6 =	vcvt.s32.f32 v6;
	v7 =	vcvt.s32.f32 v7  }
0x183: {  	v8 =	vcvt.s32.f32 v8;
	v10 =	vor.u32 $0x3F800000, v10;
	v11 =	vor.u32 $0x3F800000, v11  }
0x184: {  	v12 =	vor.u32 $0x3F800000, v12;
	v13 =	vor.u32 $0x3F800000, v13;
	v14 =	vor.u32 $0x3F800000, v14  }
0x185: {  	v16 =	vor.u32 $0x3F800000, v16;
	v18 =	vor.u32 $0x3F800000, v18;
	v10 =	vadd.f32 $-1.000000000e+00, v10  }
0x186: {  	v17 =	vor.u32 $0x3F800000, v17;
	v18 =	vadd.f32 $-1.000000000e+00, v18;
	v11 =	vadd.f32 $-1.000000000e+00, v11  }
0x187: {  	v12 =	vadd.f32 $-1.000000000e+00, v12;
	v13 =	vadd.f32 $-1.000000000e+00, v13;
	v2 =	vmul.f32 $1.192092900e-07, v2  }
0x188: {  	v14 =	vadd.f32 $-1.000000000e+00, v14;
	v9 =	vmul.f32 $1.192092900e-07, v9;
	v15 =	vmul.f32 $1.554459930e-01, v10  }
0x189: {  	v16 =	vadd.f32 $-1.000000000e+00, v16;
	v3 =	vmul.f32 $1.192092900e-07, v3;
	v4 =	vmul.f32 $1.192092900e-07, v4  }
0x18a: {  	v5 =	vmul.f32 $1.192092900e-07, v5;
	v6 =	vmul.f32 $1.192092900e-07, v6;
	v15 =	vadd.f32 $-5.729210380e-01, v15  }
0x18b: {  	v17 =	vadd.f32 $-1.000000000e+00, v17;
	v7 =	vmul.f32 $1.192092900e-07, v7;
	v8 =	vmul.f32 $1.192092900e-07, v8  }
0x18c: {  	v19 =	vmul.f32 $1.554459930e-01, v18;
	v2 =	vadd.f32 $-1.270000000e+02, v2;
	v15 =	vmul.f32 v15, v10  }
0x18d: {  	s11 =	simm.s32 $0x80C0;
	v61 =	vld [tilespmem:s12+$0x10];
	v21 =	vmul.f32 $1.554459930e-01, v12;
	v9 =	vadd.f32 $-1.270000000e+02, v9;
	v3 =	vadd.f32 $-1.270000000e+02, v3  }
0x18e: {  	v20 =	vld [tilespmem:s11+$0x30];
	v22 =	vmul.f32 $1.554459930e-01, v13;
	v4 =	vadd.f32 $-1.270000000e+02, v4;
	v15 =	vadd.f32 $4.172998070e-01, v15  }
0x18f: {  	v57 =	vld [tilespmem:s11+$0x10];
	v24 =	vmul.f32 $1.554459930e-01, v14;
	v5 =	vadd.f32 $-1.270000000e+02, v5;
	v6 =	vadd.f32 $-1.270000000e+02, v6  }
0x190: {  	v7 =	vadd.f32 $-1.270000000e+02, v7;
	v8 =	vadd.f32 $-1.270000000e+02, v8;
	v10 =	vmul.f32 v15, v10  }
0x191: {  	v25 =	vmul.f32 $1.554459930e-01, v16;
	v19 =	vadd.f32 $-5.729210380e-01, v19;
	v44 =	vadd.f32 $-5.729210380e-01, v21  }
0x192: {  	vm6 =	vge.f32 v61, v1;
	v45 =	vadd.f32 $-5.729210380e-01, v22;
	v10 =	vadd.f32 $7.252173960e-04, v10  }
0x193: {  	v26 =	vmul.f32 $1.554459930e-01, v17;
	v46 =	vadd.f32 $-5.729210380e-01, v24;
	v47 =	vadd.f32 $-5.729210380e-01, v25  }
0x194: {  	v21 =	vmul.f32 $2.000000030e-01, v57;
	v2 =	vadd.f32 v10, v2;
	v10 =	vmul.f32 $2.000000030e-01, v20  }
0x195: {  	v48 =	vadd.f32 $-5.729210380e-01, v26;
	v19 =	vmul.f32 v19, v18;
	v15 =	vmul.f32 $1.554459930e-01, v11  }
0x196: {  	v49 =	vmul.f32 v45, v13;
	v2 =	vmul.f32 $-6.931471820e-01, v2;
	v10 =	vadd.f32 $5.000000000e-01, v10  }
0x197: {  	v55 =	vld [tilespmem:s11+$0xFFFFFFF0];
	v22 =	vmul.f32 v46, v14;
	v24 =	vmul.f32 v47, v16;
	v15 =	vadd.f32 $-5.729210380e-01, v15  }
0x198: {  	v23 =	vmul.f32 v48, v17;
	v19 =	vadd.f32 $4.172998070e-01, v19;
	v2 =	vsel vm1, v10, v2  }
0x199: {  	v22 =	vadd.f32 $4.172998070e-01, v22;
	v15 =	vmul.f32 v15, v11;
	v2 =	vmax.f32 v2, $0.0e+00  }
0x19a: {  	v23 =	vadd.f32 $4.172998070e-01, v23;
	v18 =	vmul.f32 v19, v18;
	v51 =	vmin.f32 v2, $1.000000000e+01;
	v2 =	vld [tilespmem:s12+$0xFFFFFFD0]  }
0x19b: {  	v14 =	vmul.f32 v22, v14;
	v15 =	vadd.f32 $4.172998070e-01, v15;
	v10 =	vmul.f32 v44, v12  }
0x19c: {  	v53 =	vld [tilespmem:s11+$0xFFFFFFD0];
	v24 =	vadd.f32 $4.172998070e-01, v24;
	v17 =	vmul.f32 v23, v17;
	v19 =	vmul.f32 $2.000000030e-01, v55  }
0x19d: {  	v54 =	vld [tilespmem:s11+$0xFFFFFFE0];
	v14 =	vadd.f32 $7.252173960e-04, v14;
	v11 =	vmul.f32 v15, v11;
	v10 =	vadd.f32 $4.172998070e-01, v10  }
0x19e: {  	v56 =	vld [tilespmem:s11+$0x0];
	v17 =	vadd.f32 $7.252173960e-04, v17;
	v20 =	vadd.f32 $4.172998070e-01, v49;
	v15 =	vmul.f32 v24, v16  }
0x19f: {  	v58 =	vld [tilespmem:s11+$0x20];
	v11 =	vadd.f32 $7.252173960e-04, v11;
	vm1 =	vge.f32 v2, v1;
	v2 =	vmul.f32 v10, v12  }
0x1a0: {  	v15 =	vadd.f32 $7.252173960e-04, v15;
	v10 =	vmul.f32 v20, v13;
	v13 =	vadd.f32 $7.252173960e-04, v18  }
0x1a1: {  	v16 =	vmul.f32 $2.000000030e-01, v53;
	v3 =	vadd.f32 v11, v3;
	v12 =	vld [tilespmem:s11+$0xFFFFFFC0];
	v2 =	vadd.f32 $7.252173960e-04, v2  }
0x1a2: {  	v18 =	vmul.f32 $2.000000030e-01, v54;
	v10 =	vadd.f32 $7.252173960e-04, v10;
	v9 =	vadd.f32 v13, v9  }
0x1a3: {  	v20 =	vmul.f32 $2.000000030e-01, v56;
	v13 =	vadd.f32 v17, v8;
	v2 =	vadd.f32 v2, v4  }
0x1a4: {  	v4 =	vadd.f32 v10, v5;
	v10 =	vadd.f32 v14, v6;
	v14 =	vmul.f32 $2.000000030e-01, v58  }
0x1a5: {  	v62 =	vmul.f32 $-6.931471820e-01, v9;
	v9 =	vadd.f32 v15, v7;
	v15 =	vld [tilespmem:s12+$0x20];
	v6 =	vmul.f32 $-6.931471820e-01, v3  }
0x1a6: {  	v8 =	vadd.f32 $5.000000000e-01, v16;
	v12 =	vmul.f32 $2.000000030e-01, v12;
	v5 =	vmul.f32 $-6.931471820e-01, v2  }
0x1a7: {  	v11 =	vadd.f32 $5.000000000e-01, v18;
	v7 =	vmul.f32 $-6.931471820e-01, v4;
	v3 =	vmul.f32 $-6.931471820e-01, v10  }
0x1a8: {  	v2 =	vmul.f32 $-6.931471820e-01, v13;
	v13 =	vadd.f32 $5.000000000e-01, v19;
	v63 =	vadd.f32 $5.000000000e-01, v12  }
0x1a9: {  	s13 =	simm.s32 $0xC0C0;
	v4 =	vmul.f32 $-6.931471820e-01, v9;
	v10 =	vadd.f32 $5.000000000e-01, v20;
	v9 =	vadd.f32 $5.000000000e-01, v14  }
0x1aa: {  	s14 =	simm.s32 $0x0;
	s15 =	simm.s32 $0x4140;
	[tilespmem:s13+$0x30] =	vst v51;
	v12 =	vadd.f32 $5.000000000e-01, v21;
	v14 =	vsel vm3, v63, v62;
	vm3 =	vge.f32 v15, v1  }
.LBB2_6:
0x1ab: {  	v15 =	vld [tilespmem:s15+$0x30];
	s14 =	sadd.s32 $0x8, s14;
	v6 =	vsel vm1, v8, v6;
	v5 =	vsel vm2, v11, v5;
	v7 =	vsel vm5, v13, v7  }
0x1ac: {  	v3 =	vsel vm4, v10, v3;
	v4 =	vsel vm6, v12, v4;
	v2 =	vsel vm3, v9, v2;
	v8 =	vld [tilespmem:s15+$0xFFFFFFD0];
	p0 =	slt.u32 s14, $0x1F8  }
0x1ad: {  	v10 =	vmax.f32 v14, $0.0e+00;
	v6 =	vmax.f32 v6, $0.0e+00;
	v5 =	vmax.f32 v5, $0.0e+00;
	v9 =	vld [tilespmem:s15+$0xFFFFFFE0]  }
0x1ae: {  	v7 =	vmax.f32 v7, $0.0e+00;
	v3 =	vmax.f32 v3, $0.0e+00;
	v4 =	vmax.f32 v4, $0.0e+00;
	v11 =	vld [tilespmem:s15+$0xFFFFFFF0]  }
0x1af: {  	v10 =	vmin.f32 v10, $1.000000000e+01;
	v2 =	vmax.f32 v2, $0.0e+00;
	v6 =	vmin.f32 v6, $1.000000000e+01;
	v12 =	vld [tilespmem:s15+$0x0]  }
0x1b0: {  	v5 =	vmin.f32 v5, $1.000000000e+01;
	v7 =	vmin.f32 v7, $1.000000000e+01;
	v13 =	vld [tilespmem:s15+$0x10];
	v14 =	vsub.f32 $1.000000000e+00, v15;
	[tilespmem:s13+$0xFFFFFFC0] =	vst v10  }
0x1b1: {  	v3 =	vmin.f32 v3, $1.000000000e+01;
	v4 =	vmin.f32 v4, $1.000000000e+01;
	v8 =	vsub.f32 $1.000000000e+00, v8;
	v10 =	vld [tilespmem:s15+$0x20];
	[tilespmem:s13+$0xFFFFFFD0] =	vst v6  }
0x1b2: {  	v2 =	vmin.f32 v2, $1.000000000e+01;
	v6 =	vld [tilespmem:s15+$0xFFFFFFC0];
	v9 =	vsub.f32 $1.000000000e+00, v9;
	v15 =	vand.u32 $0x7FFFFF, v14;
	[tilespmem:s13+$0xFFFFFFE0] =	vst v5  }
0x1b3: {  	v5 =	vand.u32 $0x7FFFFF, v8;
	v11 =	vsub.f32 $1.000000000e+00, v11;
	v15 =	vor.u32 $0x3F800000, v15;
	[tilespmem:s13+$0xFFFFFFF0] =	vst v7  }
0x1b4: {  	v7 =	vand.u32 $0x7FFFFF, v9;
	v12 =	vsub.f32 $1.000000000e+00, v12;
	v15 =	vadd.f32 $-1.000000000e+00, v15;
	[tilespmem:s13+$0x0] =	vst v3  }
0x1b5: {  	v3 =	vor.u32 $0x3F800000, v5;
	v5 =	vand.u32 $0x7FFFFF, v11;
	v13 =	vsub.f32 $1.000000000e+00, v13;
	[tilespmem:s13+$0x10] =	vst v4  }
0x1b6: {  	v4 =	vand.u32 $0x7FFFFF, v12;
	v10 =	vsub.f32 $1.000000000e+00, v10;
	v16 =	vmul.f32 $1.554459930e-01, v15;
	[tilespmem:s13+$0x20] =	vst v2  }
0x1b7: {  	v2 =	vsub.f32 $1.000000000e+00, v6;
	v6 =	vor.u32 $0x3F800000, v7;
	v7 =	vand.u32 $0x7FFFFF, v13  }
0x1b8: {  	v5 =	vor.u32 $0x3F800000, v5;
	v17 =	vand.u32 $0x7FFFFF, v10;
	v16 =	vadd.f32 $-5.729210380e-01, v16  }
0x1b9: {  	v4 =	vor.u32 $0x3F800000, v4;
	v7 =	vor.u32 $0x3F800000, v7;
	v18 =	vand.u32 $0x7FFFFF, v2  }
0x1ba: {  	v17 =	vor.u32 $0x3F800000, v17;
	v18 =	vor.u32 $0x3F800000, v18;
	v16 =	vmul.f32 v16, v15  }
0x1bb: {  	v3 =	vadd.f32 $-1.000000000e+00, v3;
	v2 =	vcvt.s32.f32 v2;
	v18 =	vadd.f32 $-1.000000000e+00, v18  }
0x1bc: {  	s11 =	sadd.s32 $0x80, s11;
	v14 =	vcvt.s32.f32 v14;
	v6 =	vadd.f32 $-1.000000000e+00, v6;
	v16 =	vadd.f32 $4.172998070e-01, v16  }
0x1bd: {  	v5 =	vadd.f32 $-1.000000000e+00, v5;
	v4 =	vadd.f32 $-1.000000000e+00, v4;
	v19 =	vmul.f32 $1.554459930e-01, v18;
	v20 =	vld [tilespmem:s11+$0x30]  }
0x1be: {  	v14 =	vmul.f32 $1.192092900e-07, v14;
	v7 =	vadd.f32 $-1.000000000e+00, v7;
	v21 =	vld [tilespmem:s11+$0xFFFFFFC0];
	v15 =	vmul.f32 v16, v15  }
0x1bf: {  	s12 =	sadd.s32 $0x80, s12;
	v23 =	vmul.f32 $1.554459930e-01, v6;
	v17 =	vadd.f32 $-1.000000000e+00, v17;
	v16 =	vmul.f32 $1.554459930e-01, v3;
	v22 =	vld [tilespmem:s11+$0xFFFFFFD0]  }
0x1c0: {  	v14 =	vadd.f32 $-1.270000000e+02, v14;
	v24 =	vmul.f32 $1.554459930e-01, v5;
	v15 =	vadd.f32 $7.252173960e-04, v15;
	v25 =	vld [tilespmem:s12+$0x30]  }
0x1c1: {  	v27 =	vmul.f32 $1.554459930e-01, v4;
	v28 =	vmul.f32 $1.554459930e-01, v7;
	v19 =	vadd.f32 $-5.729210380e-01, v19;
	v26 =	vld [tilespmem:s11+$0xFFFFFFE0]  }
0x1c2: {  	v30 =	vmul.f32 $1.554459930e-01, v17;
	v29 =	vld [tilespmem:s11+$0xFFFFFFF0];
	v14 =	vadd.f32 v15, v14;
	v15 =	vmul.f32 $2.000000030e-01, v20  }
0x1c3: {  	v16 =	vadd.f32 $-5.729210380e-01, v16;
	v19 =	vmul.f32 v19, v18;
	v20 =	vadd.f32 $-5.729210380e-01, v23;
	v23 =	vld [tilespmem:s11+$0x0]  }
0x1c4: {  	v24 =	vadd.f32 $-5.729210380e-01, v24;
	v31 =	vld [tilespmem:s11+$0x10];
	v14 =	vmul.f32 $-6.931471820e-01, v14;
	v15 =	vadd.f32 $5.000000000e-01, v15  }
0x1c5: {  	v27 =	vadd.f32 $-5.729210380e-01, v27;
	v28 =	vadd.f32 $-5.729210380e-01, v28;
	v32 =	vld [tilespmem:s11+$0x20];
	vm1 =	vge.f32 v25, v1  }
0x1c6: {  	v30 =	vadd.f32 $-5.729210380e-01, v30;
	v16 =	vmul.f32 v16, v3;
	v25 =	vld [tilespmem:s12+$0xFFFFFFC0];
	v14 =	vsel vm1, v15, v14  }
0x1c7: {  	v24 =	vmul.f32 v24, v5;
	v20 =	vmul.f32 v20, v6;
	v15 =	vld [tilespmem:s12+$0xFFFFFFD0];
	v14 =	vmax.f32 v14, $0.0e+00  }
0x1c8: {  	s13 =	sadd.s32 $0x80, s13;
	v27 =	vmul.f32 v27, v4;
	v28 =	vmul.f32 v28, v7;
	v33 =	vld [tilespmem:s12+$0xFFFFFFE0];
	v14 =	vmin.f32 v14, $1.000000000e+01  }
0x1c9: {  	v30 =	vmul.f32 v30, v17;
	v19 =	vadd.f32 $4.172998070e-01, v19;
	v16 =	vadd.f32 $4.172998070e-01, v16;
	v34 =	vld [tilespmem:s12+$0xFFFFFFF0];
	[tilespmem:s13+$0x30] =	vst v14  }
0x1ca: {  	v8 =	vcvt.s32.f32 v8;
	v14 =	vadd.f32 $4.172998070e-01, v20;
	v20 =	vadd.f32 $4.172998070e-01, v24;
	v24 =	vld [tilespmem:s12+$0x0]  }
0x1cb: {  	v9 =	vcvt.s32.f32 v9;
	v27 =	vadd.f32 $4.172998070e-01, v27;
	v28 =	vadd.f32 $4.172998070e-01, v28;
	v35 =	vld [tilespmem:s12+$0x10]  }
0x1cc: {  	v11 =	vcvt.s32.f32 v11;
	v12 =	vcvt.s32.f32 v12;
	v30 =	vadd.f32 $4.172998070e-01, v30;
	v36 =	vld [tilespmem:s12+$0x20]  }
0x1cd: {  	v13 =	vcvt.s32.f32 v13;
	v10 =	vcvt.s32.f32 v10;
	vm3 =	vge.f32 v25, v1  }
0x1ce: {  	v18 =	vmul.f32 v19, v18;
	v3 =	vmul.f32 v16, v3;
	vm1 =	vge.f32 v15, v1  }
0x1cf: {  	v6 =	vmul.f32 v14, v6;
	v5 =	vmul.f32 v20, v5;
	vm2 =	vge.f32 v33, v1  }
0x1d0: {  	v4 =	vmul.f32 v27, v4;
	v7 =	vmul.f32 v28, v7;
	v14 =	vadd.f32 $7.252173960e-04, v18  }
0x1d1: {  	v2 =	vmul.f32 $1.192092900e-07, v2;
	v3 =	vadd.f32 $7.252173960e-04, v3;
	v15 =	vmul.f32 v30, v17  }
0x1d2: {  	v8 =	vmul.f32 $1.192092900e-07, v8;
	v9 =	vmul.f32 $1.192092900e-07, v9;
	v6 =	vadd.f32 $7.252173960e-04, v6  }
0x1d3: {  	v11 =	vmul.f32 $1.192092900e-07, v11;
	v12 =	vmul.f32 $1.192092900e-07, v12;
	v5 =	vadd.f32 $7.252173960e-04, v5  }
0x1d4: {  	v13 =	vmul.f32 $1.192092900e-07, v13;
	v10 =	vmul.f32 $1.192092900e-07, v10;
	v4 =	vadd.f32 $7.252173960e-04, v4  }
0x1d5: {  	v7 =	vadd.f32 $7.252173960e-04, v7;
	v16 =	vmul.f32 $2.000000030e-01, v21;
	v15 =	vadd.f32 $7.252173960e-04, v15  }
0x1d6: {  	v8 =	vadd.f32 $-1.270000000e+02, v8;
	v2 =	vadd.f32 $-1.270000000e+02, v2;
	v17 =	vmul.f32 $2.000000030e-01, v22  }
0x1d7: {  	v9 =	vadd.f32 $-1.270000000e+02, v9;
	v11 =	vadd.f32 $-1.270000000e+02, v11;
	v18 =	vmul.f32 $2.000000030e-01, v26  }
0x1d8: {  	v12 =	vadd.f32 $-1.270000000e+02, v12;
	v13 =	vadd.f32 $-1.270000000e+02, v13;
	v19 =	vmul.f32 $2.000000030e-01, v29  }
0x1d9: {  	v10 =	vadd.f32 $-1.270000000e+02, v10;
	v2 =	vadd.f32 v14, v2;
	v14 =	vmul.f32 $2.000000030e-01, v23  }
0x1da: {  	v3 =	vadd.f32 v3, v8;
	v8 =	vadd.f32 v6, v9;
	v9 =	vmul.f32 $2.000000030e-01, v31  }
0x1db: {  	v4 =	vadd.f32 v4, v12;
	v20 =	vmul.f32 $2.000000030e-01, v32;
	v11 =	vadd.f32 v5, v11  }
0x1dc: {  	v21 =	vmul.f32 $-6.931471820e-01, v2;
	v2 =	vadd.f32 v7, v13;
	v10 =	vadd.f32 v15, v10  }
0x1dd: {  	v6 =	vmul.f32 $-6.931471820e-01, v3;
	v15 =	vadd.f32 $5.000000000e-01, v16;
	v5 =	vmul.f32 $-6.931471820e-01, v8  }
.Ltmp2:
0x1de: {  	v3 =	vmul.f32 $-6.931471820e-01, v4;
	v8 =	vadd.f32 $5.000000000e-01, v17;
	v7 =	vmul.f32 $-6.931471820e-01, v11;
	(pc) =	sbr.rel @p0 .LBB2_6-.Ltmp2, $4  }
0x1df: {  	v11 =	vadd.f32 $5.000000000e-01, v18;
	v4 =	vmul.f32 $-6.931471820e-01, v2;
	v2 =	vmul.f32 $-6.931471820e-01, v10  }
0x1e0: {  	vm5 =	vge.f32 v34, v1;
	v13 =	vadd.f32 $5.000000000e-01, v19;
	v10 =	vadd.f32 $5.000000000e-01, v14  }
0x1e1: {  	vm4 =	vge.f32 v24, v1;
	v12 =	vadd.f32 $5.000000000e-01, v9;
	v9 =	vadd.f32 $5.000000000e-01, v20  }
0x1e2: {  	s15 =	sadd.s32 $0x80, s15;
	vm6 =	vge.f32 v35, v1;
	v14 =	vsel vm3, v15, v21;
	vm3 =	vge.f32 v36, v1  }
0x1e3: {  	v6 =	vsel vm1, v8, v6;
	v8 =	vmax.f32 v14, $0.0e+00  }
0x1e4: {  	v5 =	vsel vm2, v11, v5;
	v6 =	vmax.f32 v6, $0.0e+00;
	v8 =	vmin.f32 v8, $1.000000000e+01  }
0x1e5: {  	v3 =	vsel vm4, v10, v3;
	v5 =	vmax.f32 v5, $0.0e+00;
	v6 =	vmin.f32 v6, $1.000000000e+01;
	[tilespmem:s13+$0xFFFFFFC0] =	vst v8  }
0x1e6: {  	v4 =	vsel vm6, v12, v4;
	v3 =	vmax.f32 v3, $0.0e+00;
	v5 =	vmin.f32 v5, $1.000000000e+01;
	[tilespmem:s13+$0xFFFFFFD0] =	vst v6  }
0x1e7: {  	v2 =	vsel vm3, v9, v2;
	v4 =	vmax.f32 v4, $0.0e+00;
	v3 =	vmin.f32 v3, $1.000000000e+01;
	[tilespmem:s13+$0xFFFFFFE0] =	vst v5  }
0x1e8: {  	v7 =	vsel vm5, v13, v7;
	v2 =	vmax.f32 v2, $0.0e+00;
	v4 =	vmin.f32 v4, $1.000000000e+01;
	[tilespmem:s13+$0x0] =	vst v3  }
0x1e9: {  	v7 =	vmax.f32 v7, $0.0e+00;
	v2 =	vmin.f32 v2, $1.000000000e+01;
	[tilespmem:s13+$0x10] =	vst v4  }
0x1ea: {  	v6 =	vmin.f32 v7, $1.000000000e+01;
	[tilespmem:s13+$0x20] =	vst v2  }
0x1eb: {  	[tilespmem:s13+$0xFFFFFFF0] =	vst v6  }
0x1ec: {  	[hbm4b:s22+s24] =	stream.strided.scatter [tilespmem:s5], [sflag:$0x3], $0x2000, s31, s24, $0x38;
	[tilespmem:$0x10080] =	vst v63  }
0x1ed: {  	s11 =	rddreg [dreg:$0x11]  }
0x1ee: {  	[tilespmem:s24], [sflag:$0x1] =	stream.strided.gather [hbm4b:s11+s24], $0x2000, s31, s24, $0x38;
	[tilespmem:$0x10080] =	vst v63  }
0x1ef: {  	s13 =	rddreg [dreg:$0x12]  }
0x1f0: {  	[tilespmem:s0], [sflag:$0x1] =	stream.strided.gather [hbm4b:s13+s24], $0x2000, s31, s24, $0x38;
	[tilespmem:$0x10080] =	vst v63  }
0x1f1: {  	s14 =	rddreg [dreg:$0x13]  }
0x1f2: {  	[tilespmem:s19], [sflag:$0x1] =	stream.strided.gather [hbm4b:s14+s24], $0x2000, s31, s24, $0x38;
	[tilespmem:$0x10080] =	vst v63  }
0x1f3: {  	_ =	swait.ge [sflag:s6], $0x2000  }
0x1f4: {  	[sflag:s6] =	ssyncset.done $0x0  }
0x1f5: {  	[sflag:s6] =	ssyncadd.s32 $0xFFFFE000  }
0x1f6: {  	_ =	swait.ge [sflag:s6], $0x2000  }
0x1f7: {  	[sflag:s6] =	ssyncset.done $0x0  }
0x1f8: {  	[sflag:s6] =	ssyncadd.s32 $0xFFFFE000  }
0x1f9: {  	_ =	swait.ge [sflag:s6], $0x2000  }
0x1fa: {  	[sflag:s6] =	ssyncset.done $0x0  }
0x1fb: {  	[sflag:s6] =	ssyncadd.s32 $0xFFFFE000  }
0x1fc: {  	_ =	swait.ge [sflag:s9], $0x2000  }
0x1fd: {  	[sflag:s9] =	ssyncset.done $0x0  }
0x1fe: {  	s15 =	simm.s32 $0x60C0;
	[sflag:s9] =	ssyncadd.s32 $0xFFFFE000  }
0x1ff: {  	v2 =	vld [tilespmem:s15+$0x30]  }
0x200: {  	v3 =	vld [tilespmem:s15+$0xFFFFFFD0]  }
0x201: {  	v4 =	vld [tilespmem:s15+$0xFFFFFFE0]  }
0x202: {  	v5 =	vld [tilespmem:s15+$0xFFFFFFF0]  }
0x203: {  	v6 =	vld [tilespmem:s15+$0x0]  }
0x204: {  	v7 =	vld [tilespmem:s15+$0x10]  }
0x205: {  	v8 =	vld [tilespmem:s15+$0x20]  }
0x206: {  	s12 =	simm.s32 $0x20C0;
	v9 =	vld [tilespmem:s15+$0xFFFFFFC0]  }
0x207: {  	v23 =	vld [tilespmem:s12+$0x30]  }
0x208: {  	v50 =	vld [tilespmem:s12+$0xFFFFFFC0]  }
0x209: {  	v52 =	vld [tilespmem:s12+$0xFFFFFFE0]  }
0x20a: {  	v59 =	vld [tilespmem:s12+$0xFFFFFFF0]  }
0x20b: {  	v60 =	vld [tilespmem:s12+$0x0];
	v2 =	vsub.f32 $1.000000000e+00, v2  }
0x20c: {  	v3 =	vsub.f32 $1.000000000e+00, v3;
	v4 =	vsub.f32 $1.000000000e+00, v4  }
0x20d: {  	v5 =	vsub.f32 $1.000000000e+00, v5;
	v6 =	vsub.f32 $1.000000000e+00, v6  }
0x20e: {  	v7 =	vsub.f32 $1.000000000e+00, v7;
	v8 =	vsub.f32 $1.000000000e+00, v8  }
0x20f: {  	v9 =	vsub.f32 $1.000000000e+00, v9;
	vm1 =	vge.f32 v23, v1;
	vm3 =	vge.f32 v50, v1  }
0x210: {  	vm2 =	vge.f32 v52, v1;
	vm5 =	vge.f32 v59, v1;
	vm4 =	vge.f32 v60, v1  }
0x211: {  	v10 =	vand.u32 $0x7FFFFF, v2;
	v11 =	vand.u32 $0x7FFFFF, v3;
	v12 =	vand.u32 $0x7FFFFF, v4  }
0x212: {  	v13 =	vand.u32 $0x7FFFFF, v5;
	v18 =	vand.u32 $0x7FFFFF, v9;
	v9 =	vcvt.s32.f32 v9  }
0x213: {  	v14 =	vand.u32 $0x7FFFFF, v6;
	v2 =	vcvt.s32.f32 v2;
	v3 =	vcvt.s32.f32 v3  }
0x214: {  	v16 =	vand.u32 $0x7FFFFF, v7;
	v4 =	vcvt.s32.f32 v4;
	v5 =	vcvt.s32.f32 v5  }
0x215: {  	v17 =	vand.u32 $0x7FFFFF, v8;
	v6 =	vcvt.s32.f32 v6;
	v7 =	vcvt.s32.f32 v7  }
0x216: {  	v8 =	vcvt.s32.f32 v8;
	v10 =	vor.u32 $0x3F800000, v10;
	v11 =	vor.u32 $0x3F800000, v11  }
0x217: {  	v12 =	vor.u32 $0x3F800000, v12;
	v13 =	vor.u32 $0x3F800000, v13;
	v14 =	vor.u32 $0x3F800000, v14  }
0x218: {  	v16 =	vor.u32 $0x3F800000, v16;
	v18 =	vor.u32 $0x3F800000, v18;
	v10 =	vadd.f32 $-1.000000000e+00, v10  }
0x219: {  	v17 =	vor.u32 $0x3F800000, v17;
	v18 =	vadd.f32 $-1.000000000e+00, v18;
	v11 =	vadd.f32 $-1.000000000e+00, v11  }
0x21a: {  	v12 =	vadd.f32 $-1.000000000e+00, v12;
	v13 =	vadd.f32 $-1.000000000e+00, v13;
	v2 =	vmul.f32 $1.192092900e-07, v2  }
0x21b: {  	v14 =	vadd.f32 $-1.000000000e+00, v14;
	v9 =	vmul.f32 $1.192092900e-07, v9;
	v15 =	vmul.f32 $1.554459930e-01, v10  }
0x21c: {  	v16 =	vadd.f32 $-1.000000000e+00, v16;
	v3 =	vmul.f32 $1.192092900e-07, v3;
	v4 =	vmul.f32 $1.192092900e-07, v4  }
0x21d: {  	v5 =	vmul.f32 $1.192092900e-07, v5;
	v6 =	vmul.f32 $1.192092900e-07, v6;
	v15 =	vadd.f32 $-5.729210380e-01, v15  }
0x21e: {  	v17 =	vadd.f32 $-1.000000000e+00, v17;
	v7 =	vmul.f32 $1.192092900e-07, v7;
	v8 =	vmul.f32 $1.192092900e-07, v8  }
0x21f: {  	v19 =	vmul.f32 $1.554459930e-01, v18;
	v2 =	vadd.f32 $-1.270000000e+02, v2;
	v15 =	vmul.f32 v15, v10  }
0x220: {  	s11 =	simm.s32 $0xA0C0;
	v61 =	vld [tilespmem:s12+$0x10];
	v21 =	vmul.f32 $1.554459930e-01, v12;
	v9 =	vadd.f32 $-1.270000000e+02, v9;
	v3 =	vadd.f32 $-1.270000000e+02, v3  }
0x221: {  	v20 =	vld [tilespmem:s11+$0x30];
	v22 =	vmul.f32 $1.554459930e-01, v13;
	v4 =	vadd.f32 $-1.270000000e+02, v4;
	v15 =	vadd.f32 $4.172998070e-01, v15  }
0x222: {  	v57 =	vld [tilespmem:s11+$0x10];
	v24 =	vmul.f32 $1.554459930e-01, v14;
	v5 =	vadd.f32 $-1.270000000e+02, v5;
	v6 =	vadd.f32 $-1.270000000e+02, v6  }
0x223: {  	v7 =	vadd.f32 $-1.270000000e+02, v7;
	v8 =	vadd.f32 $-1.270000000e+02, v8;
	v10 =	vmul.f32 v15, v10  }
0x224: {  	v25 =	vmul.f32 $1.554459930e-01, v16;
	v19 =	vadd.f32 $-5.729210380e-01, v19;
	v44 =	vadd.f32 $-5.729210380e-01, v21  }
0x225: {  	vm6 =	vge.f32 v61, v1;
	v45 =	vadd.f32 $-5.729210380e-01, v22;
	v10 =	vadd.f32 $7.252173960e-04, v10  }
0x226: {  	v26 =	vmul.f32 $1.554459930e-01, v17;
	v46 =	vadd.f32 $-5.729210380e-01, v24;
	v47 =	vadd.f32 $-5.729210380e-01, v25  }
0x227: {  	v21 =	vmul.f32 $2.000000030e-01, v57;
	v2 =	vadd.f32 v10, v2;
	v10 =	vmul.f32 $2.000000030e-01, v20  }
0x228: {  	v48 =	vadd.f32 $-5.729210380e-01, v26;
	v19 =	vmul.f32 v19, v18;
	v15 =	vmul.f32 $1.554459930e-01, v11  }
0x229: {  	v49 =	vmul.f32 v45, v13;
	v2 =	vmul.f32 $-6.931471820e-01, v2;
	v10 =	vadd.f32 $5.000000000e-01, v10  }
0x22a: {  	v55 =	vld [tilespmem:s11+$0xFFFFFFF0];
	v22 =	vmul.f32 v46, v14;
	v24 =	vmul.f32 v47, v16;
	v15 =	vadd.f32 $-5.729210380e-01, v15  }
0x22b: {  	v23 =	vmul.f32 v48, v17;
	v19 =	vadd.f32 $4.172998070e-01, v19;
	v2 =	vsel vm1, v10, v2  }
0x22c: {  	v22 =	vadd.f32 $4.172998070e-01, v22;
	v15 =	vmul.f32 v15, v11;
	v2 =	vmax.f32 v2, $0.0e+00  }
0x22d: {  	v23 =	vadd.f32 $4.172998070e-01, v23;
	v18 =	vmul.f32 v19, v18;
	v51 =	vmin.f32 v2, $1.000000000e+01;
	v2 =	vld [tilespmem:s12+$0xFFFFFFD0]  }
0x22e: {  	v14 =	vmul.f32 v22, v14;
	v15 =	vadd.f32 $4.172998070e-01, v15;
	v10 =	vmul.f32 v44, v12  }
0x22f: {  	v53 =	vld [tilespmem:s11+$0xFFFFFFD0];
	v24 =	vadd.f32 $4.172998070e-01, v24;
	v17 =	vmul.f32 v23, v17;
	v19 =	vmul.f32 $2.000000030e-01, v55  }
0x230: {  	v54 =	vld [tilespmem:s11+$0xFFFFFFE0];
	v14 =	vadd.f32 $7.252173960e-04, v14;
	v11 =	vmul.f32 v15, v11;
	v10 =	vadd.f32 $4.172998070e-01, v10  }
0x231: {  	v56 =	vld [tilespmem:s11+$0x0];
	v17 =	vadd.f32 $7.252173960e-04, v17;
	v20 =	vadd.f32 $4.172998070e-01, v49;
	v15 =	vmul.f32 v24, v16  }
0x232: {  	v58 =	vld [tilespmem:s11+$0x20];
	v11 =	vadd.f32 $7.252173960e-04, v11;
	vm1 =	vge.f32 v2, v1;
	v2 =	vmul.f32 v10, v12  }
0x233: {  	v15 =	vadd.f32 $7.252173960e-04, v15;
	v10 =	vmul.f32 v20, v13;
	v13 =	vadd.f32 $7.252173960e-04, v18  }
0x234: {  	v16 =	vmul.f32 $2.000000030e-01, v53;
	v3 =	vadd.f32 v11, v3;
	v12 =	vld [tilespmem:s11+$0xFFFFFFC0];
	v2 =	vadd.f32 $7.252173960e-04, v2  }
0x235: {  	v18 =	vmul.f32 $2.000000030e-01, v54;
	v10 =	vadd.f32 $7.252173960e-04, v10;
	v9 =	vadd.f32 v13, v9  }
0x236: {  	v20 =	vmul.f32 $2.000000030e-01, v56;
	v13 =	vadd.f32 v17, v8;
	v2 =	vadd.f32 v2, v4  }
0x237: {  	v4 =	vadd.f32 v10, v5;
	v10 =	vadd.f32 v14, v6;
	v14 =	vmul.f32 $2.000000030e-01, v58  }
0x238: {  	v62 =	vmul.f32 $-6.931471820e-01, v9;
	v9 =	vadd.f32 v15, v7;
	v15 =	vld [tilespmem:s12+$0x20];
	v6 =	vmul.f32 $-6.931471820e-01, v3  }
0x239: {  	v8 =	vadd.f32 $5.000000000e-01, v16;
	v12 =	vmul.f32 $2.000000030e-01, v12;
	v5 =	vmul.f32 $-6.931471820e-01, v2  }
0x23a: {  	v11 =	vadd.f32 $5.000000000e-01, v18;
	v7 =	vmul.f32 $-6.931471820e-01, v4;
	v3 =	vmul.f32 $-6.931471820e-01, v10  }
0x23b: {  	v2 =	vmul.f32 $-6.931471820e-01, v13;
	v13 =	vadd.f32 $5.000000000e-01, v19;
	v63 =	vadd.f32 $5.000000000e-01, v12  }
0x23c: {  	s13 =	simm.s32 $0xE0C0;
	v4 =	vmul.f32 $-6.931471820e-01, v9;
	v10 =	vadd.f32 $5.000000000e-01, v20;
	v9 =	vadd.f32 $5.000000000e-01, v14  }
0x23d: {  	s14 =	simm.s32 $0x0;
	s15 =	simm.s32 $0x6140;
	[tilespmem:s13+$0x30] =	vst v51;
	v12 =	vadd.f32 $5.000000000e-01, v21;
	v14 =	vsel vm3, v63, v62;
	vm3 =	vge.f32 v15, v1  }
.LBB2_8:
0x23e: {  	v15 =	vld [tilespmem:s15+$0x30];
	s14 =	sadd.s32 $0x8, s14;
	v6 =	vsel vm1, v8, v6;
	v5 =	vsel vm2, v11, v5;
	v7 =	vsel vm5, v13, v7  }
0x23f: {  	v3 =	vsel vm4, v10, v3;
	v4 =	vsel vm6, v12, v4;
	v2 =	vsel vm3, v9, v2;
	v8 =	vld [tilespmem:s15+$0xFFFFFFD0];
	p0 =	slt.u32 s14, $0x1F8  }
0x240: {  	v10 =	vmax.f32 v14, $0.0e+00;
	v6 =	vmax.f32 v6, $0.0e+00;
	v5 =	vmax.f32 v5, $0.0e+00;
	v9 =	vld [tilespmem:s15+$0xFFFFFFE0]  }
0x241: {  	v7 =	vmax.f32 v7, $0.0e+00;
	v3 =	vmax.f32 v3, $0.0e+00;
	v4 =	vmax.f32 v4, $0.0e+00;
	v11 =	vld [tilespmem:s15+$0xFFFFFFF0]  }
0x242: {  	v10 =	vmin.f32 v10, $1.000000000e+01;
	v2 =	vmax.f32 v2, $0.0e+00;
	v6 =	vmin.f32 v6, $1.000000000e+01;
	v12 =	vld [tilespmem:s15+$0x0]  }
0x243: {  	v5 =	vmin.f32 v5, $1.000000000e+01;
	v7 =	vmin.f32 v7, $1.000000000e+01;
	v13 =	vld [tilespmem:s15+$0x10];
	v14 =	vsub.f32 $1.000000000e+00, v15;
	[tilespmem:s13+$0xFFFFFFC0] =	vst v10  }
0x244: {  	v3 =	vmin.f32 v3, $1.000000000e+01;
	v4 =	vmin.f32 v4, $1.000000000e+01;
	v8 =	vsub.f32 $1.000000000e+00, v8;
	v10 =	vld [tilespmem:s15+$0x20];
	[tilespmem:s13+$0xFFFFFFD0] =	vst v6  }
0x245: {  	v2 =	vmin.f32 v2, $1.000000000e+01;
	v6 =	vld [tilespmem:s15+$0xFFFFFFC0];
	v9 =	vsub.f32 $1.000000000e+00, v9;
	v15 =	vand.u32 $0x7FFFFF, v14;
	[tilespmem:s13+$0xFFFFFFE0] =	vst v5  }
0x246: {  	v5 =	vand.u32 $0x7FFFFF, v8;
	v11 =	vsub.f32 $1.000000000e+00, v11;
	v15 =	vor.u32 $0x3F800000, v15;
	[tilespmem:s13+$0xFFFFFFF0] =	vst v7  }
0x247: {  	v7 =	vand.u32 $0x7FFFFF, v9;
	v12 =	vsub.f32 $1.000000000e+00, v12;
	v15 =	vadd.f32 $-1.000000000e+00, v15;
	[tilespmem:s13+$0x0] =	vst v3  }
0x248: {  	v3 =	vor.u32 $0x3F800000, v5;
	v5 =	vand.u32 $0x7FFFFF, v11;
	v13 =	vsub.f32 $1.000000000e+00, v13;
	[tilespmem:s13+$0x10] =	vst v4  }
0x249: {  	v4 =	vand.u32 $0x7FFFFF, v12;
	v10 =	vsub.f32 $1.000000000e+00, v10;
	v16 =	vmul.f32 $1.554459930e-01, v15;
	[tilespmem:s13+$0x20] =	vst v2  }
0x24a: {  	v2 =	vsub.f32 $1.000000000e+00, v6;
	v6 =	vor.u32 $0x3F800000, v7;
	v7 =	vand.u32 $0x7FFFFF, v13  }
0x24b: {  	v5 =	vor.u32 $0x3F800000, v5;
	v17 =	vand.u32 $0x7FFFFF, v10;
	v16 =	vadd.f32 $-5.729210380e-01, v16  }
0x24c: {  	v4 =	vor.u32 $0x3F800000, v4;
	v7 =	vor.u32 $0x3F800000, v7;
	v18 =	vand.u32 $0x7FFFFF, v2  }
0x24d: {  	v17 =	vor.u32 $0x3F800000, v17;
	v18 =	vor.u32 $0x3F800000, v18;
	v16 =	vmul.f32 v16, v15  }
0x24e: {  	v3 =	vadd.f32 $-1.000000000e+00, v3;
	v2 =	vcvt.s32.f32 v2;
	v18 =	vadd.f32 $-1.000000000e+00, v18  }
0x24f: {  	s11 =	sadd.s32 $0x80, s11;
	v14 =	vcvt.s32.f32 v14;
	v6 =	vadd.f32 $-1.000000000e+00, v6;
	v16 =	vadd.f32 $4.172998070e-01, v16  }
0x250: {  	v5 =	vadd.f32 $-1.000000000e+00, v5;
	v4 =	vadd.f32 $-1.000000000e+00, v4;
	v19 =	vmul.f32 $1.554459930e-01, v18;
	v20 =	vld [tilespmem:s11+$0x30]  }
0x251: {  	v14 =	vmul.f32 $1.192092900e-07, v14;
	v7 =	vadd.f32 $-1.000000000e+00, v7;
	v21 =	vld [tilespmem:s11+$0xFFFFFFC0];
	v15 =	vmul.f32 v16, v15  }
0x252: {  	s12 =	sadd.s32 $0x80, s12;
	v23 =	vmul.f32 $1.554459930e-01, v6;
	v17 =	vadd.f32 $-1.000000000e+00, v17;
	v16 =	vmul.f32 $1.554459930e-01, v3;
	v22 =	vld [tilespmem:s11+$0xFFFFFFD0]  }
0x253: {  	v14 =	vadd.f32 $-1.270000000e+02, v14;
	v24 =	vmul.f32 $1.554459930e-01, v5;
	v15 =	vadd.f32 $7.252173960e-04, v15;
	v25 =	vld [tilespmem:s12+$0x30]  }
0x254: {  	v27 =	vmul.f32 $1.554459930e-01, v4;
	v28 =	vmul.f32 $1.554459930e-01, v7;
	v19 =	vadd.f32 $-5.729210380e-01, v19;
	v26 =	vld [tilespmem:s11+$0xFFFFFFE0]  }
0x255: {  	v30 =	vmul.f32 $1.554459930e-01, v17;
	v29 =	vld [tilespmem:s11+$0xFFFFFFF0];
	v14 =	vadd.f32 v15, v14;
	v15 =	vmul.f32 $2.000000030e-01, v20  }
0x256: {  	v16 =	vadd.f32 $-5.729210380e-01, v16;
	v19 =	vmul.f32 v19, v18;
	v20 =	vadd.f32 $-5.729210380e-01, v23;
	v23 =	vld [tilespmem:s11+$0x0]  }
0x257: {  	v24 =	vadd.f32 $-5.729210380e-01, v24;
	v31 =	vld [tilespmem:s11+$0x10];
	v14 =	vmul.f32 $-6.931471820e-01, v14;
	v15 =	vadd.f32 $5.000000000e-01, v15  }
0x258: {  	v27 =	vadd.f32 $-5.729210380e-01, v27;
	v28 =	vadd.f32 $-5.729210380e-01, v28;
	v32 =	vld [tilespmem:s11+$0x20];
	vm1 =	vge.f32 v25, v1  }
0x259: {  	v30 =	vadd.f32 $-5.729210380e-01, v30;
	v16 =	vmul.f32 v16, v3;
	v25 =	vld [tilespmem:s12+$0xFFFFFFC0];
	v14 =	vsel vm1, v15, v14  }
0x25a: {  	v24 =	vmul.f32 v24, v5;
	v20 =	vmul.f32 v20, v6;
	v15 =	vld [tilespmem:s12+$0xFFFFFFD0];
	v14 =	vmax.f32 v14, $0.0e+00  }
0x25b: {  	s13 =	sadd.s32 $0x80, s13;
	v27 =	vmul.f32 v27, v4;
	v28 =	vmul.f32 v28, v7;
	v33 =	vld [tilespmem:s12+$0xFFFFFFE0];
	v14 =	vmin.f32 v14, $1.000000000e+01  }
0x25c: {  	v30 =	vmul.f32 v30, v17;
	v19 =	vadd.f32 $4.172998070e-01, v19;
	v16 =	vadd.f32 $4.172998070e-01, v16;
	v34 =	vld [tilespmem:s12+$0xFFFFFFF0];
	[tilespmem:s13+$0x30] =	vst v14  }
0x25d: {  	v8 =	vcvt.s32.f32 v8;
	v14 =	vadd.f32 $4.172998070e-01, v20;
	v20 =	vadd.f32 $4.172998070e-01, v24;
	v24 =	vld [tilespmem:s12+$0x0]  }
0x25e: {  	v9 =	vcvt.s32.f32 v9;
	v27 =	vadd.f32 $4.172998070e-01, v27;
	v28 =	vadd.f32 $4.172998070e-01, v28;
	v35 =	vld [tilespmem:s12+$0x10]  }
0x25f: {  	v11 =	vcvt.s32.f32 v11;
	v12 =	vcvt.s32.f32 v12;
	v30 =	vadd.f32 $4.172998070e-01, v30;
	v36 =	vld [tilespmem:s12+$0x20]  }
0x260: {  	v13 =	vcvt.s32.f32 v13;
	v10 =	vcvt.s32.f32 v10;
	vm3 =	vge.f32 v25, v1  }
0x261: {  	v18 =	vmul.f32 v19, v18;
	v3 =	vmul.f32 v16, v3;
	vm1 =	vge.f32 v15, v1  }
0x262: {  	v6 =	vmul.f32 v14, v6;
	v5 =	vmul.f32 v20, v5;
	vm2 =	vge.f32 v33, v1  }
0x263: {  	v4 =	vmul.f32 v27, v4;
	v7 =	vmul.f32 v28, v7;
	v14 =	vadd.f32 $7.252173960e-04, v18  }
0x264: {  	v2 =	vmul.f32 $1.192092900e-07, v2;
	v3 =	vadd.f32 $7.252173960e-04, v3;
	v15 =	vmul.f32 v30, v17  }
0x265: {  	v8 =	vmul.f32 $1.192092900e-07, v8;
	v9 =	vmul.f32 $1.192092900e-07, v9;
	v6 =	vadd.f32 $7.252173960e-04, v6  }
0x266: {  	v11 =	vmul.f32 $1.192092900e-07, v11;
	v12 =	vmul.f32 $1.192092900e-07, v12;
	v5 =	vadd.f32 $7.252173960e-04, v5  }
0x267: {  	v13 =	vmul.f32 $1.192092900e-07, v13;
	v10 =	vmul.f32 $1.192092900e-07, v10;
	v4 =	vadd.f32 $7.252173960e-04, v4  }
0x268: {  	v7 =	vadd.f32 $7.252173960e-04, v7;
	v16 =	vmul.f32 $2.000000030e-01, v21;
	v15 =	vadd.f32 $7.252173960e-04, v15  }
0x269: {  	v8 =	vadd.f32 $-1.270000000e+02, v8;
	v2 =	vadd.f32 $-1.270000000e+02, v2;
	v17 =	vmul.f32 $2.000000030e-01, v22  }
0x26a: {  	v9 =	vadd.f32 $-1.270000000e+02, v9;
	v11 =	vadd.f32 $-1.270000000e+02, v11;
	v18 =	vmul.f32 $2.000000030e-01, v26  }
0x26b: {  	v12 =	vadd.f32 $-1.270000000e+02, v12;
	v13 =	vadd.f32 $-1.270000000e+02, v13;
	v19 =	vmul.f32 $2.000000030e-01, v29  }
0x26c: {  	v10 =	vadd.f32 $-1.270000000e+02, v10;
	v2 =	vadd.f32 v14, v2;
	v14 =	vmul.f32 $2.000000030e-01, v23  }
0x26d: {  	v3 =	vadd.f32 v3, v8;
	v8 =	vadd.f32 v6, v9;
	v9 =	vmul.f32 $2.000000030e-01, v31  }
0x26e: {  	v4 =	vadd.f32 v4, v12;
	v20 =	vmul.f32 $2.000000030e-01, v32;
	v11 =	vadd.f32 v5, v11  }
0x26f: {  	v21 =	vmul.f32 $-6.931471820e-01, v2;
	v2 =	vadd.f32 v7, v13;
	v10 =	vadd.f32 v15, v10  }
0x270: {  	v6 =	vmul.f32 $-6.931471820e-01, v3;
	v15 =	vadd.f32 $5.000000000e-01, v16;
	v5 =	vmul.f32 $-6.931471820e-01, v8  }
.Ltmp3:
0x271: {  	v3 =	vmul.f32 $-6.931471820e-01, v4;
	v8 =	vadd.f32 $5.000000000e-01, v17;
	v7 =	vmul.f32 $-6.931471820e-01, v11;
	(pc) =	sbr.rel @p0 .LBB2_8-.Ltmp3, $4  }
0x272: {  	v11 =	vadd.f32 $5.000000000e-01, v18;
	v4 =	vmul.f32 $-6.931471820e-01, v2;
	v2 =	vmul.f32 $-6.931471820e-01, v10  }
0x273: {  	vm5 =	vge.f32 v34, v1;
	v13 =	vadd.f32 $5.000000000e-01, v19;
	v10 =	vadd.f32 $5.000000000e-01, v14  }
0x274: {  	vm4 =	vge.f32 v24, v1;
	v12 =	vadd.f32 $5.000000000e-01, v9;
	v9 =	vadd.f32 $5.000000000e-01, v20  }
0x275: {  	s15 =	sadd.s32 $0x80, s15;
	vm6 =	vge.f32 v35, v1;
	v14 =	vsel vm3, v15, v21;
	vm3 =	vge.f32 v36, v1  }
0x276: {  	v6 =	vsel vm1, v8, v6;
	v8 =	vmax.f32 v14, $0.0e+00  }
0x277: {  	v5 =	vsel vm2, v11, v5;
	v6 =	vmax.f32 v6, $0.0e+00;
	v8 =	vmin.f32 v8, $1.000000000e+01  }
0x278: {  	v3 =	vsel vm4, v10, v3;
	v5 =	vmax.f32 v5, $0.0e+00;
	v6 =	vmin.f32 v6, $1.000000000e+01;
	[tilespmem:s13+$0xFFFFFFC0] =	vst v8  }
0x279: {  	v4 =	vsel vm6, v12, v4;
	v3 =	vmax.f32 v3, $0.0e+00;
	v5 =	vmin.f32 v5, $1.000000000e+01;
	[tilespmem:s13+$0xFFFFFFD0] =	vst v6  }
0x27a: {  	v2 =	vsel vm3, v9, v2;
	v4 =	vmax.f32 v4, $0.0e+00;
	v3 =	vmin.f32 v3, $1.000000000e+01;
	[tilespmem:s13+$0xFFFFFFE0] =	vst v5  }
0x27b: {  	v7 =	vsel vm5, v13, v7;
	v2 =	vmax.f32 v2, $0.0e+00;
	v4 =	vmin.f32 v4, $1.000000000e+01;
	[tilespmem:s13+$0x0] =	vst v3  }
0x27c: {  	v7 =	vmax.f32 v7, $0.0e+00;
	v2 =	vmin.f32 v2, $1.000000000e+01;
	[tilespmem:s13+$0x10] =	vst v4  }
0x27d: {  	v6 =	vmin.f32 v7, $1.000000000e+01;
	[tilespmem:s13+$0x20] =	vst v2  }
0x27e: {  	[tilespmem:s13+$0xFFFFFFF0] =	vst v6  }
0x27f: {  	[hbm4b:s23+s24] =	stream.strided.scatter [tilespmem:s7], [sflag:$0x4], $0x2000, s31, s24, $0x38;
	[tilespmem:$0x10080] =	vst v63  }
0x280: {  	_ = 	snop  }
0x281: {  	[tilespmem:s1], [sflag:$0x2] =	stream.strided.gather [hbm4b:s16+s24], $0x2000, s31, s24, $0x38;
	[tilespmem:$0x10080] =	vst v63  }
0x282: {  	_ = 	snop  }
0x283: {  	[tilespmem:s2], [sflag:$0x2] =	stream.strided.gather [hbm4b:s17+s24], $0x2000, s31, s24, $0x38;
	[tilespmem:$0x10080] =	vst v63  }
0x284: {  	_ = 	snop  }
0x285: {  	[tilespmem:s3], [sflag:$0x2] =	stream.strided.gather [hbm4b:s18+s24], $0x2000, s31, s24, $0x38;
	[tilespmem:$0x10080] =	vst v63  }
0x286: {  	_ =	swait.ge [sflag:s4], $0x2000  }
0x287: {  	[sflag:s4] =	ssyncset.done $0x0  }
0x288: {  	[sflag:s4] =	ssyncadd.s32 $0xFFFFE000  }
0x289: {  	_ =	swait.ge [sflag:s4], $0x2000  }
0x28a: {  	[sflag:s4] =	ssyncset.done $0x0  }
0x28b: {  	[sflag:s4] =	ssyncadd.s32 $0xFFFFE000  }
0x28c: {  	_ =	swait.ge [sflag:s4], $0x2000  }
0x28d: {  	[sflag:s4] =	ssyncset.done $0x0  }
0x28e: {  	[sflag:s4] =	ssyncadd.s32 $0xFFFFE000  }
0x28f: {  	_ =	swait.ge [sflag:s8], $0x2000  }
0x290: {  	[sflag:s8] =	ssyncset.done $0x0  }
0x291: {  	s11 =	simm.s32 $0x40C0;
	[sflag:s8] =	ssyncadd.s32 $0xFFFFE000  }
0x292: {  	v2 =	vld [tilespmem:s11+$0x30]  }
0x293: {  	v3 =	vld [tilespmem:s11+$0xFFFFFFD0]  }
0x294: {  	v4 =	vld [tilespmem:s11+$0xFFFFFFE0]  }
0x295: {  	v5 =	vld [tilespmem:s11+$0xFFFFFFF0]  }
0x296: {  	v6 =	vld [tilespmem:s11+$0x0]  }
0x297: {  	v7 =	vld [tilespmem:s11+$0x10]  }
0x298: {  	v8 =	vld [tilespmem:s11+$0x20]  }
0x299: {  	s12 =	simm.s32 $0xC0;
	v9 =	vld [tilespmem:s11+$0xFFFFFFC0]  }
0x29a: {  	v23 =	vld [tilespmem:s12+$0x30]  }
0x29b: {  	v50 =	vld [tilespmem:s12+$0xFFFFFFC0]  }
0x29c: {  	v52 =	vld [tilespmem:s12+$0xFFFFFFE0]  }
0x29d: {  	v59 =	vld [tilespmem:s12+$0xFFFFFFF0]  }
0x29e: {  	v60 =	vld [tilespmem:s12+$0x0];
	v2 =	vsub.f32 $1.000000000e+00, v2  }
0x29f: {  	v3 =	vsub.f32 $1.000000000e+00, v3;
	v4 =	vsub.f32 $1.000000000e+00, v4  }
0x2a0: {  	v5 =	vsub.f32 $1.000000000e+00, v5;
	v6 =	vsub.f32 $1.000000000e+00, v6  }
0x2a1: {  	v7 =	vsub.f32 $1.000000000e+00, v7;
	v8 =	vsub.f32 $1.000000000e+00, v8  }
0x2a2: {  	v9 =	vsub.f32 $1.000000000e+00, v9;
	vm1 =	vge.f32 v23, v1;
	vm3 =	vge.f32 v50, v1  }
0x2a3: {  	vm2 =	vge.f32 v52, v1;
	vm5 =	vge.f32 v59, v1;
	vm4 =	vge.f32 v60, v1  }
0x2a4: {  	v10 =	vand.u32 $0x7FFFFF, v2;
	v11 =	vand.u32 $0x7FFFFF, v3;
	v12 =	vand.u32 $0x7FFFFF, v4  }
0x2a5: {  	v13 =	vand.u32 $0x7FFFFF, v5;
	v18 =	vand.u32 $0x7FFFFF, v9;
	v9 =	vcvt.s32.f32 v9  }
0x2a6: {  	v14 =	vand.u32 $0x7FFFFF, v6;
	v2 =	vcvt.s32.f32 v2;
	v3 =	vcvt.s32.f32 v3  }
0x2a7: {  	v16 =	vand.u32 $0x7FFFFF, v7;
	v4 =	vcvt.s32.f32 v4;
	v5 =	vcvt.s32.f32 v5  }
0x2a8: {  	v17 =	vand.u32 $0x7FFFFF, v8;
	v6 =	vcvt.s32.f32 v6;
	v7 =	vcvt.s32.f32 v7  }
0x2a9: {  	v8 =	vcvt.s32.f32 v8;
	v10 =	vor.u32 $0x3F800000, v10;
	v11 =	vor.u32 $0x3F800000, v11  }
0x2aa: {  	v12 =	vor.u32 $0x3F800000, v12;
	v13 =	vor.u32 $0x3F800000, v13;
	v14 =	vor.u32 $0x3F800000, v14  }
0x2ab: {  	v16 =	vor.u32 $0x3F800000, v16;
	v18 =	vor.u32 $0x3F800000, v18;
	v10 =	vadd.f32 $-1.000000000e+00, v10  }
0x2ac: {  	v17 =	vor.u32 $0x3F800000, v17;
	v18 =	vadd.f32 $-1.000000000e+00, v18;
	v11 =	vadd.f32 $-1.000000000e+00, v11  }
0x2ad: {  	v12 =	vadd.f32 $-1.000000000e+00, v12;
	v13 =	vadd.f32 $-1.000000000e+00, v13;
	v2 =	vmul.f32 $1.192092900e-07, v2  }
0x2ae: {  	v14 =	vadd.f32 $-1.000000000e+00, v14;
	v9 =	vmul.f32 $1.192092900e-07, v9;
	v15 =	vmul.f32 $1.554459930e-01, v10  }
0x2af: {  	v16 =	vadd.f32 $-1.000000000e+00, v16;
	v3 =	vmul.f32 $1.192092900e-07, v3;
	v4 =	vmul.f32 $1.192092900e-07, v4  }
0x2b0: {  	v5 =	vmul.f32 $1.192092900e-07, v5;
	v6 =	vmul.f32 $1.192092900e-07, v6;
	v15 =	vadd.f32 $-5.729210380e-01, v15  }
0x2b1: {  	v17 =	vadd.f32 $-1.000000000e+00, v17;
	v7 =	vmul.f32 $1.192092900e-07, v7;
	v8 =	vmul.f32 $1.192092900e-07, v8  }
0x2b2: {  	v19 =	vmul.f32 $1.554459930e-01, v18;
	v2 =	vadd.f32 $-1.270000000e+02, v2;
	v15 =	vmul.f32 v15, v10  }
0x2b3: {  	s11 =	simm.s32 $0x80C0;
	v61 =	vld [tilespmem:s12+$0x10];
	v21 =	vmul.f32 $1.554459930e-01, v12;
	v9 =	vadd.f32 $-1.270000000e+02, v9;
	v3 =	vadd.f32 $-1.270000000e+02, v3  }
0x2b4: {  	v20 =	vld [tilespmem:s11+$0x30];
	v22 =	vmul.f32 $1.554459930e-01, v13;
	v4 =	vadd.f32 $-1.270000000e+02, v4;
	v15 =	vadd.f32 $4.172998070e-01, v15  }
0x2b5: {  	v57 =	vld [tilespmem:s11+$0x10];
	v24 =	vmul.f32 $1.554459930e-01, v14;
	v5 =	vadd.f32 $-1.270000000e+02, v5;
	v6 =	vadd.f32 $-1.270000000e+02, v6  }
0x2b6: {  	v7 =	vadd.f32 $-1.270000000e+02, v7;
	v8 =	vadd.f32 $-1.270000000e+02, v8;
	v10 =	vmul.f32 v15, v10  }
0x2b7: {  	v25 =	vmul.f32 $1.554459930e-01, v16;
	v19 =	vadd.f32 $-5.729210380e-01, v19;
	v44 =	vadd.f32 $-5.729210380e-01, v21  }
0x2b8: {  	vm6 =	vge.f32 v61, v1;
	v45 =	vadd.f32 $-5.729210380e-01, v22;
	v10 =	vadd.f32 $7.252173960e-04, v10  }
0x2b9: {  	v26 =	vmul.f32 $1.554459930e-01, v17;
	v46 =	vadd.f32 $-5.729210380e-01, v24;
	v47 =	vadd.f32 $-5.729210380e-01, v25  }
0x2ba: {  	v21 =	vmul.f32 $2.000000030e-01, v57;
	v2 =	vadd.f32 v10, v2;
	v10 =	vmul.f32 $2.000000030e-01, v20  }
0x2bb: {  	v48 =	vadd.f32 $-5.729210380e-01, v26;
	v19 =	vmul.f32 v19, v18;
	v15 =	vmul.f32 $1.554459930e-01, v11  }
0x2bc: {  	v49 =	vmul.f32 v45, v13;
	v2 =	vmul.f32 $-6.931471820e-01, v2;
	v10 =	vadd.f32 $5.000000000e-01, v10  }
0x2bd: {  	v55 =	vld [tilespmem:s11+$0xFFFFFFF0];
	v22 =	vmul.f32 v46, v14;
	v24 =	vmul.f32 v47, v16;
	v15 =	vadd.f32 $-5.729210380e-01, v15  }
0x2be: {  	v23 =	vmul.f32 v48, v17;
	v19 =	vadd.f32 $4.172998070e-01, v19;
	v2 =	vsel vm1, v10, v2  }
0x2bf: {  	v22 =	vadd.f32 $4.172998070e-01, v22;
	v15 =	vmul.f32 v15, v11;
	v2 =	vmax.f32 v2, $0.0e+00  }
0x2c0: {  	v23 =	vadd.f32 $4.172998070e-01, v23;
	v18 =	vmul.f32 v19, v18;
	v51 =	vmin.f32 v2, $1.000000000e+01;
	v2 =	vld [tilespmem:s12+$0xFFFFFFD0]  }
0x2c1: {  	v14 =	vmul.f32 v22, v14;
	v15 =	vadd.f32 $4.172998070e-01, v15;
	v10 =	vmul.f32 v44, v12  }
0x2c2: {  	v53 =	vld [tilespmem:s11+$0xFFFFFFD0];
	v24 =	vadd.f32 $4.172998070e-01, v24;
	v17 =	vmul.f32 v23, v17;
	v19 =	vmul.f32 $2.000000030e-01, v55  }
0x2c3: {  	v54 =	vld [tilespmem:s11+$0xFFFFFFE0];
	v14 =	vadd.f32 $7.252173960e-04, v14;
	v11 =	vmul.f32 v15, v11;
	v10 =	vadd.f32 $4.172998070e-01, v10  }
0x2c4: {  	v56 =	vld [tilespmem:s11+$0x0];
	v17 =	vadd.f32 $7.252173960e-04, v17;
	v20 =	vadd.f32 $4.172998070e-01, v49;
	v15 =	vmul.f32 v24, v16  }
0x2c5: {  	v58 =	vld [tilespmem:s11+$0x20];
	v11 =	vadd.f32 $7.252173960e-04, v11;
	vm1 =	vge.f32 v2, v1;
	v2 =	vmul.f32 v10, v12  }
0x2c6: {  	v15 =	vadd.f32 $7.252173960e-04, v15;
	v10 =	vmul.f32 v20, v13;
	v13 =	vadd.f32 $7.252173960e-04, v18  }
0x2c7: {  	v16 =	vmul.f32 $2.000000030e-01, v53;
	v3 =	vadd.f32 v11, v3;
	v12 =	vld [tilespmem:s11+$0xFFFFFFC0];
	v2 =	vadd.f32 $7.252173960e-04, v2  }
0x2c8: {  	v18 =	vmul.f32 $2.000000030e-01, v54;
	v10 =	vadd.f32 $7.252173960e-04, v10;
	v9 =	vadd.f32 v13, v9  }
0x2c9: {  	v20 =	vmul.f32 $2.000000030e-01, v56;
	v13 =	vadd.f32 v17, v8;
	v2 =	vadd.f32 v2, v4  }
0x2ca: {  	v4 =	vadd.f32 v10, v5;
	v10 =	vadd.f32 v14, v6;
	v14 =	vmul.f32 $2.000000030e-01, v58  }
0x2cb: {  	v62 =	vmul.f32 $-6.931471820e-01, v9;
	v9 =	vadd.f32 v15, v7;
	v15 =	vld [tilespmem:s12+$0x20];
	v6 =	vmul.f32 $-6.931471820e-01, v3  }
0x2cc: {  	v8 =	vadd.f32 $5.000000000e-01, v16;
	v12 =	vmul.f32 $2.000000030e-01, v12;
	v5 =	vmul.f32 $-6.931471820e-01, v2  }
0x2cd: {  	v11 =	vadd.f32 $5.000000000e-01, v18;
	v7 =	vmul.f32 $-6.931471820e-01, v4;
	v3 =	vmul.f32 $-6.931471820e-01, v10  }
0x2ce: {  	v2 =	vmul.f32 $-6.931471820e-01, v13;
	v13 =	vadd.f32 $5.000000000e-01, v19;
	v63 =	vadd.f32 $5.000000000e-01, v12  }
0x2cf: {  	s13 =	simm.s32 $0xC0C0;
	v4 =	vmul.f32 $-6.931471820e-01, v9;
	v10 =	vadd.f32 $5.000000000e-01, v20;
	v9 =	vadd.f32 $5.000000000e-01, v14  }
0x2d0: {  	s14 =	simm.s32 $0x0;
	s15 =	simm.s32 $0x4140;
	[tilespmem:s13+$0x30] =	vst v51;
	v12 =	vadd.f32 $5.000000000e-01, v21;
	v14 =	vsel vm3, v63, v62;
	vm3 =	vge.f32 v15, v1  }
.LBB2_10:
0x2d1: {  	v15 =	vld [tilespmem:s15+$0x30];
	s14 =	sadd.s32 $0x8, s14;
	v6 =	vsel vm1, v8, v6;
	v5 =	vsel vm2, v11, v5;
	v7 =	vsel vm5, v13, v7  }
0x2d2: {  	v3 =	vsel vm4, v10, v3;
	v4 =	vsel vm6, v12, v4;
	v2 =	vsel vm3, v9, v2;
	v8 =	vld [tilespmem:s15+$0xFFFFFFD0];
	p0 =	slt.u32 s14, $0x1F8  }
0x2d3: {  	v10 =	vmax.f32 v14, $0.0e+00;
	v6 =	vmax.f32 v6, $0.0e+00;
	v5 =	vmax.f32 v5, $0.0e+00;
	v9 =	vld [tilespmem:s15+$0xFFFFFFE0]  }
0x2d4: {  	v7 =	vmax.f32 v7, $0.0e+00;
	v3 =	vmax.f32 v3, $0.0e+00;
	v4 =	vmax.f32 v4, $0.0e+00;
	v11 =	vld [tilespmem:s15+$0xFFFFFFF0]  }
0x2d5: {  	v10 =	vmin.f32 v10, $1.000000000e+01;
	v2 =	vmax.f32 v2, $0.0e+00;
	v6 =	vmin.f32 v6, $1.000000000e+01;
	v12 =	vld [tilespmem:s15+$0x0]  }
0x2d6: {  	v5 =	vmin.f32 v5, $1.000000000e+01;
	v7 =	vmin.f32 v7, $1.000000000e+01;
	v13 =	vld [tilespmem:s15+$0x10];
	v14 =	vsub.f32 $1.000000000e+00, v15;
	[tilespmem:s13+$0xFFFFFFC0] =	vst v10  }
0x2d7: {  	v3 =	vmin.f32 v3, $1.000000000e+01;
	v4 =	vmin.f32 v4, $1.000000000e+01;
	v8 =	vsub.f32 $1.000000000e+00, v8;
	v10 =	vld [tilespmem:s15+$0x20];
	[tilespmem:s13+$0xFFFFFFD0] =	vst v6  }
0x2d8: {  	v2 =	vmin.f32 v2, $1.000000000e+01;
	v6 =	vld [tilespmem:s15+$0xFFFFFFC0];
	v9 =	vsub.f32 $1.000000000e+00, v9;
	v15 =	vand.u32 $0x7FFFFF, v14;
	[tilespmem:s13+$0xFFFFFFE0] =	vst v5  }
0x2d9: {  	v5 =	vand.u32 $0x7FFFFF, v8;
	v11 =	vsub.f32 $1.000000000e+00, v11;
	v15 =	vor.u32 $0x3F800000, v15;
	[tilespmem:s13+$0xFFFFFFF0] =	vst v7  }
0x2da: {  	v7 =	vand.u32 $0x7FFFFF, v9;
	v12 =	vsub.f32 $1.000000000e+00, v12;
	v15 =	vadd.f32 $-1.000000000e+00, v15;
	[tilespmem:s13+$0x0] =	vst v3  }
0x2db: {  	v3 =	vor.u32 $0x3F800000, v5;
	v5 =	vand.u32 $0x7FFFFF, v11;
	v13 =	vsub.f32 $1.000000000e+00, v13;
	[tilespmem:s13+$0x10] =	vst v4  }
0x2dc: {  	v4 =	vand.u32 $0x7FFFFF, v12;
	v10 =	vsub.f32 $1.000000000e+00, v10;
	v16 =	vmul.f32 $1.554459930e-01, v15;
	[tilespmem:s13+$0x20] =	vst v2  }
0x2dd: {  	v2 =	vsub.f32 $1.000000000e+00, v6;
	v6 =	vor.u32 $0x3F800000, v7;
	v7 =	vand.u32 $0x7FFFFF, v13  }
0x2de: {  	v5 =	vor.u32 $0x3F800000, v5;
	v17 =	vand.u32 $0x7FFFFF, v10;
	v16 =	vadd.f32 $-5.729210380e-01, v16  }
0x2df: {  	v4 =	vor.u32 $0x3F800000, v4;
	v7 =	vor.u32 $0x3F800000, v7;
	v18 =	vand.u32 $0x7FFFFF, v2  }
0x2e0: {  	v17 =	vor.u32 $0x3F800000, v17;
	v18 =	vor.u32 $0x3F800000, v18;
	v16 =	vmul.f32 v16, v15  }
0x2e1: {  	v3 =	vadd.f32 $-1.000000000e+00, v3;
	v2 =	vcvt.s32.f32 v2;
	v18 =	vadd.f32 $-1.000000000e+00, v18  }
0x2e2: {  	s11 =	sadd.s32 $0x80, s11;
	v14 =	vcvt.s32.f32 v14;
	v6 =	vadd.f32 $-1.000000000e+00, v6;
	v16 =	vadd.f32 $4.172998070e-01, v16  }
0x2e3: {  	v5 =	vadd.f32 $-1.000000000e+00, v5;
	v4 =	vadd.f32 $-1.000000000e+00, v4;
	v19 =	vmul.f32 $1.554459930e-01, v18;
	v20 =	vld [tilespmem:s11+$0x30]  }
0x2e4: {  	v14 =	vmul.f32 $1.192092900e-07, v14;
	v7 =	vadd.f32 $-1.000000000e+00, v7;
	v21 =	vld [tilespmem:s11+$0xFFFFFFC0];
	v15 =	vmul.f32 v16, v15  }
0x2e5: {  	s12 =	sadd.s32 $0x80, s12;
	v23 =	vmul.f32 $1.554459930e-01, v6;
	v17 =	vadd.f32 $-1.000000000e+00, v17;
	v16 =	vmul.f32 $1.554459930e-01, v3;
	v22 =	vld [tilespmem:s11+$0xFFFFFFD0]  }
0x2e6: {  	v14 =	vadd.f32 $-1.270000000e+02, v14;
	v24 =	vmul.f32 $1.554459930e-01, v5;
	v15 =	vadd.f32 $7.252173960e-04, v15;
	v25 =	vld [tilespmem:s12+$0x30]  }
0x2e7: {  	v27 =	vmul.f32 $1.554459930e-01, v4;
	v28 =	vmul.f32 $1.554459930e-01, v7;
	v19 =	vadd.f32 $-5.729210380e-01, v19;
	v26 =	vld [tilespmem:s11+$0xFFFFFFE0]  }
0x2e8: {  	v30 =	vmul.f32 $1.554459930e-01, v17;
	v29 =	vld [tilespmem:s11+$0xFFFFFFF0];
	v14 =	vadd.f32 v15, v14;
	v15 =	vmul.f32 $2.000000030e-01, v20  }
0x2e9: {  	v16 =	vadd.f32 $-5.729210380e-01, v16;
	v19 =	vmul.f32 v19, v18;
	v20 =	vadd.f32 $-5.729210380e-01, v23;
	v23 =	vld [tilespmem:s11+$0x0]  }
0x2ea: {  	v24 =	vadd.f32 $-5.729210380e-01, v24;
	v31 =	vld [tilespmem:s11+$0x10];
	v14 =	vmul.f32 $-6.931471820e-01, v14;
	v15 =	vadd.f32 $5.000000000e-01, v15  }
0x2eb: {  	v27 =	vadd.f32 $-5.729210380e-01, v27;
	v28 =	vadd.f32 $-5.729210380e-01, v28;
	v32 =	vld [tilespmem:s11+$0x20];
	vm1 =	vge.f32 v25, v1  }
0x2ec: {  	v30 =	vadd.f32 $-5.729210380e-01, v30;
	v16 =	vmul.f32 v16, v3;
	v25 =	vld [tilespmem:s12+$0xFFFFFFC0];
	v14 =	vsel vm1, v15, v14  }
0x2ed: {  	v24 =	vmul.f32 v24, v5;
	v20 =	vmul.f32 v20, v6;
	v15 =	vld [tilespmem:s12+$0xFFFFFFD0];
	v14 =	vmax.f32 v14, $0.0e+00  }
0x2ee: {  	s13 =	sadd.s32 $0x80, s13;
	v27 =	vmul.f32 v27, v4;
	v28 =	vmul.f32 v28, v7;
	v33 =	vld [tilespmem:s12+$0xFFFFFFE0];
	v14 =	vmin.f32 v14, $1.000000000e+01  }
0x2ef: {  	v30 =	vmul.f32 v30, v17;
	v19 =	vadd.f32 $4.172998070e-01, v19;
	v16 =	vadd.f32 $4.172998070e-01, v16;
	v34 =	vld [tilespmem:s12+$0xFFFFFFF0];
	[tilespmem:s13+$0x30] =	vst v14  }
0x2f0: {  	v8 =	vcvt.s32.f32 v8;
	v14 =	vadd.f32 $4.172998070e-01, v20;
	v20 =	vadd.f32 $4.172998070e-01, v24;
	v24 =	vld [tilespmem:s12+$0x0]  }
0x2f1: {  	v9 =	vcvt.s32.f32 v9;
	v27 =	vadd.f32 $4.172998070e-01, v27;
	v28 =	vadd.f32 $4.172998070e-01, v28;
	v35 =	vld [tilespmem:s12+$0x10]  }
0x2f2: {  	v11 =	vcvt.s32.f32 v11;
	v12 =	vcvt.s32.f32 v12;
	v30 =	vadd.f32 $4.172998070e-01, v30;
	v36 =	vld [tilespmem:s12+$0x20]  }
0x2f3: {  	v13 =	vcvt.s32.f32 v13;
	v10 =	vcvt.s32.f32 v10;
	vm3 =	vge.f32 v25, v1  }
0x2f4: {  	v18 =	vmul.f32 v19, v18;
	v3 =	vmul.f32 v16, v3;
	vm1 =	vge.f32 v15, v1  }
0x2f5: {  	v6 =	vmul.f32 v14, v6;
	v5 =	vmul.f32 v20, v5;
	vm2 =	vge.f32 v33, v1  }
0x2f6: {  	v4 =	vmul.f32 v27, v4;
	v7 =	vmul.f32 v28, v7;
	v14 =	vadd.f32 $7.252173960e-04, v18  }
0x2f7: {  	v2 =	vmul.f32 $1.192092900e-07, v2;
	v3 =	vadd.f32 $7.252173960e-04, v3;
	v15 =	vmul.f32 v30, v17  }
0x2f8: {  	v8 =	vmul.f32 $1.192092900e-07, v8;
	v9 =	vmul.f32 $1.192092900e-07, v9;
	v6 =	vadd.f32 $7.252173960e-04, v6  }
0x2f9: {  	v11 =	vmul.f32 $1.192092900e-07, v11;
	v12 =	vmul.f32 $1.192092900e-07, v12;
	v5 =	vadd.f32 $7.252173960e-04, v5  }
0x2fa: {  	v13 =	vmul.f32 $1.192092900e-07, v13;
	v10 =	vmul.f32 $1.192092900e-07, v10;
	v4 =	vadd.f32 $7.252173960e-04, v4  }
0x2fb: {  	v7 =	vadd.f32 $7.252173960e-04, v7;
	v16 =	vmul.f32 $2.000000030e-01, v21;
	v15 =	vadd.f32 $7.252173960e-04, v15  }
0x2fc: {  	v8 =	vadd.f32 $-1.270000000e+02, v8;
	v2 =	vadd.f32 $-1.270000000e+02, v2;
	v17 =	vmul.f32 $2.000000030e-01, v22  }
0x2fd: {  	v9 =	vadd.f32 $-1.270000000e+02, v9;
	v11 =	vadd.f32 $-1.270000000e+02, v11;
	v18 =	vmul.f32 $2.000000030e-01, v26  }
0x2fe: {  	v12 =	vadd.f32 $-1.270000000e+02, v12;
	v13 =	vadd.f32 $-1.270000000e+02, v13;
	v19 =	vmul.f32 $2.000000030e-01, v29  }
0x2ff: {  	v10 =	vadd.f32 $-1.270000000e+02, v10;
	v2 =	vadd.f32 v14, v2;
	v14 =	vmul.f32 $2.000000030e-01, v23  }
0x300: {  	v3 =	vadd.f32 v3, v8;
	v8 =	vadd.f32 v6, v9;
	v9 =	vmul.f32 $2.000000030e-01, v31  }
0x301: {  	v4 =	vadd.f32 v4, v12;
	v20 =	vmul.f32 $2.000000030e-01, v32;
	v11 =	vadd.f32 v5, v11  }
0x302: {  	v21 =	vmul.f32 $-6.931471820e-01, v2;
	v2 =	vadd.f32 v7, v13;
	v10 =	vadd.f32 v15, v10  }
0x303: {  	v6 =	vmul.f32 $-6.931471820e-01, v3;
	v15 =	vadd.f32 $5.000000000e-01, v16;
	v5 =	vmul.f32 $-6.931471820e-01, v8  }
.Ltmp4:
0x304: {  	v3 =	vmul.f32 $-6.931471820e-01, v4;
	v8 =	vadd.f32 $5.000000000e-01, v17;
	v7 =	vmul.f32 $-6.931471820e-01, v11;
	(pc) =	sbr.rel @p0 .LBB2_10-.Ltmp4, $4  }
0x305: {  	v11 =	vadd.f32 $5.000000000e-01, v18;
	v4 =	vmul.f32 $-6.931471820e-01, v2;
	v2 =	vmul.f32 $-6.931471820e-01, v10  }
0x306: {  	vm5 =	vge.f32 v34, v1;
	v13 =	vadd.f32 $5.000000000e-01, v19;
	v10 =	vadd.f32 $5.000000000e-01, v14  }
0x307: {  	vm4 =	vge.f32 v24, v1;
	v12 =	vadd.f32 $5.000000000e-01, v9;
	v9 =	vadd.f32 $5.000000000e-01, v20  }
0x308: {  	s15 =	sadd.s32 $0x80, s15;
	vm6 =	vge.f32 v35, v1;
	v14 =	vsel vm3, v15, v21;
	vm3 =	vge.f32 v36, v1  }
0x309: {  	v6 =	vsel vm1, v8, v6;
	v8 =	vmax.f32 v14, $0.0e+00  }
0x30a: {  	v5 =	vsel vm2, v11, v5;
	v6 =	vmax.f32 v6, $0.0e+00;
	v8 =	vmin.f32 v8, $1.000000000e+01  }
0x30b: {  	v3 =	vsel vm4, v10, v3;
	v5 =	vmax.f32 v5, $0.0e+00;
	v6 =	vmin.f32 v6, $1.000000000e+01;
	[tilespmem:s13+$0xFFFFFFC0] =	vst v8  }
0x30c: {  	v4 =	vsel vm6, v12, v4;
	v3 =	vmax.f32 v3, $0.0e+00;
	v5 =	vmin.f32 v5, $1.000000000e+01;
	[tilespmem:s13+$0xFFFFFFD0] =	vst v6  }
0x30d: {  	v2 =	vsel vm3, v9, v2;
	v4 =	vmax.f32 v4, $0.0e+00;
	v3 =	vmin.f32 v3, $1.000000000e+01;
	[tilespmem:s13+$0xFFFFFFE0] =	vst v5  }
0x30e: {  	v7 =	vsel vm5, v13, v7;
	v2 =	vmax.f32 v2, $0.0e+00;
	v4 =	vmin.f32 v4, $1.000000000e+01;
	[tilespmem:s13+$0x0] =	vst v3  }
0x30f: {  	v7 =	vmax.f32 v7, $0.0e+00;
	v2 =	vmin.f32 v2, $1.000000000e+01;
	[tilespmem:s13+$0x10] =	vst v4  }
0x310: {  	v6 =	vmin.f32 v7, $1.000000000e+01;
	[tilespmem:s13+$0x20] =	vst v2  }
0x311: {  	[tilespmem:s13+$0xFFFFFFF0] =	vst v6  }
0x312: {  	[hbm4b:s25+s24] =	stream.strided.scatter [tilespmem:s5], [sflag:$0x3], $0x2000, s31, s24, $0x38;
	[tilespmem:$0x10080] =	vst v63  }
0x313: {  	_ =	swait.ge [sflag:s6], $0x2000  }
0x314: {  	[sflag:s6] =	ssyncset.done $0x0  }
0x315: {  	[sflag:s6] =	ssyncadd.s32 $0xFFFFE000  }
0x316: {  	_ =	swait.ge [sflag:s6], $0x2000  }
0x317: {  	[sflag:s6] =	ssyncset.done $0x0  }
0x318: {  	[sflag:s6] =	ssyncadd.s32 $0xFFFFE000  }
0x319: {  	_ =	swait.ge [sflag:s6], $0x2000  }
0x31a: {  	[sflag:s6] =	ssyncset.done $0x0  }
0x31b: {  	[sflag:s6] =	ssyncadd.s32 $0xFFFFE000  }
0x31c: {  	_ =	swait.ge [sflag:s9], $0x2000  }
0x31d: {  	[sflag:s9] =	ssyncset.done $0x0  }
0x31e: {  	s11 =	simm.s32 $0x60C0;
	[sflag:s9] =	ssyncadd.s32 $0xFFFFE000  }
0x31f: {  	v2 =	vld [tilespmem:s11+$0x30]  }
0x320: {  	v3 =	vld [tilespmem:s11+$0xFFFFFFD0]  }
0x321: {  	v4 =	vld [tilespmem:s11+$0xFFFFFFE0]  }
0x322: {  	v5 =	vld [tilespmem:s11+$0xFFFFFFF0]  }
0x323: {  	v6 =	vld [tilespmem:s11+$0x0]  }
0x324: {  	v7 =	vld [tilespmem:s11+$0x10]  }
0x325: {  	v8 =	vld [tilespmem:s11+$0x20]  }
0x326: {  	s12 =	simm.s32 $0x20C0;
	v9 =	vld [tilespmem:s11+$0xFFFFFFC0]  }
0x327: {  	v23 =	vld [tilespmem:s12+$0x30]  }
0x328: {  	v50 =	vld [tilespmem:s12+$0xFFFFFFC0]  }
0x329: {  	v52 =	vld [tilespmem:s12+$0xFFFFFFE0]  }
0x32a: {  	v59 =	vld [tilespmem:s12+$0xFFFFFFF0]  }
0x32b: {  	v60 =	vld [tilespmem:s12+$0x0];
	v2 =	vsub.f32 $1.000000000e+00, v2  }
0x32c: {  	v3 =	vsub.f32 $1.000000000e+00, v3;
	v4 =	vsub.f32 $1.000000000e+00, v4  }
0x32d: {  	v5 =	vsub.f32 $1.000000000e+00, v5;
	v6 =	vsub.f32 $1.000000000e+00, v6  }
0x32e: {  	v7 =	vsub.f32 $1.000000000e+00, v7;
	v8 =	vsub.f32 $1.000000000e+00, v8  }
0x32f: {  	v9 =	vsub.f32 $1.000000000e+00, v9;
	vm1 =	vge.f32 v23, v1;
	vm3 =	vge.f32 v50, v1  }
0x330: {  	vm2 =	vge.f32 v52, v1;
	vm5 =	vge.f32 v59, v1;
	vm4 =	vge.f32 v60, v1  }
0x331: {  	v10 =	vand.u32 $0x7FFFFF, v2;
	v11 =	vand.u32 $0x7FFFFF, v3;
	v12 =	vand.u32 $0x7FFFFF, v4  }
0x332: {  	v13 =	vand.u32 $0x7FFFFF, v5;
	v18 =	vand.u32 $0x7FFFFF, v9;
	v9 =	vcvt.s32.f32 v9  }
0x333: {  	v14 =	vand.u32 $0x7FFFFF, v6;
	v2 =	vcvt.s32.f32 v2;
	v3 =	vcvt.s32.f32 v3  }
0x334: {  	v16 =	vand.u32 $0x7FFFFF, v7;
	v4 =	vcvt.s32.f32 v4;
	v5 =	vcvt.s32.f32 v5  }
0x335: {  	v17 =	vand.u32 $0x7FFFFF, v8;
	v6 =	vcvt.s32.f32 v6;
	v7 =	vcvt.s32.f32 v7  }
0x336: {  	v8 =	vcvt.s32.f32 v8;
	v10 =	vor.u32 $0x3F800000, v10;
	v11 =	vor.u32 $0x3F800000, v11  }
0x337: {  	v12 =	vor.u32 $0x3F800000, v12;
	v13 =	vor.u32 $0x3F800000, v13;
	v14 =	vor.u32 $0x3F800000, v14  }
0x338: {  	v16 =	vor.u32 $0x3F800000, v16;
	v18 =	vor.u32 $0x3F800000, v18;
	v10 =	vadd.f32 $-1.000000000e+00, v10  }
0x339: {  	v17 =	vor.u32 $0x3F800000, v17;
	v18 =	vadd.f32 $-1.000000000e+00, v18;
	v11 =	vadd.f32 $-1.000000000e+00, v11  }
0x33a: {  	v12 =	vadd.f32 $-1.000000000e+00, v12;
	v13 =	vadd.f32 $-1.000000000e+00, v13;
	v2 =	vmul.f32 $1.192092900e-07, v2  }
0x33b: {  	v14 =	vadd.f32 $-1.000000000e+00, v14;
	v9 =	vmul.f32 $1.192092900e-07, v9;
	v15 =	vmul.f32 $1.554459930e-01, v10  }
0x33c: {  	v16 =	vadd.f32 $-1.000000000e+00, v16;
	v3 =	vmul.f32 $1.192092900e-07, v3;
	v4 =	vmul.f32 $1.192092900e-07, v4  }
0x33d: {  	v5 =	vmul.f32 $1.192092900e-07, v5;
	v6 =	vmul.f32 $1.192092900e-07, v6;
	v15 =	vadd.f32 $-5.729210380e-01, v15  }
0x33e: {  	v17 =	vadd.f32 $-1.000000000e+00, v17;
	v7 =	vmul.f32 $1.192092900e-07, v7;
	v8 =	vmul.f32 $1.192092900e-07, v8  }
0x33f: {  	v19 =	vmul.f32 $1.554459930e-01, v18;
	v2 =	vadd.f32 $-1.270000000e+02, v2;
	v15 =	vmul.f32 v15, v10  }
0x340: {  	s11 =	simm.s32 $0xA0C0;
	v61 =	vld [tilespmem:s12+$0x10];
	v21 =	vmul.f32 $1.554459930e-01, v12;
	v9 =	vadd.f32 $-1.270000000e+02, v9;
	v3 =	vadd.f32 $-1.270000000e+02, v3  }
0x341: {  	v20 =	vld [tilespmem:s11+$0x30];
	v22 =	vmul.f32 $1.554459930e-01, v13;
	v4 =	vadd.f32 $-1.270000000e+02, v4;
	v15 =	vadd.f32 $4.172998070e-01, v15  }
0x342: {  	v57 =	vld [tilespmem:s11+$0x10];
	v24 =	vmul.f32 $1.554459930e-01, v14;
	v5 =	vadd.f32 $-1.270000000e+02, v5;
	v6 =	vadd.f32 $-1.270000000e+02, v6  }
0x343: {  	v7 =	vadd.f32 $-1.270000000e+02, v7;
	v8 =	vadd.f32 $-1.270000000e+02, v8;
	v10 =	vmul.f32 v15, v10  }
0x344: {  	v25 =	vmul.f32 $1.554459930e-01, v16;
	v19 =	vadd.f32 $-5.729210380e-01, v19;
	v44 =	vadd.f32 $-5.729210380e-01, v21  }
0x345: {  	vm6 =	vge.f32 v61, v1;
	v45 =	vadd.f32 $-5.729210380e-01, v22;
	v10 =	vadd.f32 $7.252173960e-04, v10  }
0x346: {  	v26 =	vmul.f32 $1.554459930e-01, v17;
	v46 =	vadd.f32 $-5.729210380e-01, v24;
	v47 =	vadd.f32 $-5.729210380e-01, v25  }
0x347: {  	v21 =	vmul.f32 $2.000000030e-01, v57;
	v2 =	vadd.f32 v10, v2;
	v10 =	vmul.f32 $2.000000030e-01, v20  }
0x348: {  	v48 =	vadd.f32 $-5.729210380e-01, v26;
	v19 =	vmul.f32 v19, v18;
	v15 =	vmul.f32 $1.554459930e-01, v11  }
0x349: {  	v49 =	vmul.f32 v45, v13;
	v2 =	vmul.f32 $-6.931471820e-01, v2;
	v10 =	vadd.f32 $5.000000000e-01, v10  }
0x34a: {  	v55 =	vld [tilespmem:s11+$0xFFFFFFF0];
	v22 =	vmul.f32 v46, v14;
	v24 =	vmul.f32 v47, v16;
	v15 =	vadd.f32 $-5.729210380e-01, v15  }
0x34b: {  	v23 =	vmul.f32 v48, v17;
	v19 =	vadd.f32 $4.172998070e-01, v19;
	v2 =	vsel vm1, v10, v2  }
0x34c: {  	v22 =	vadd.f32 $4.172998070e-01, v22;
	v15 =	vmul.f32 v15, v11;
	v2 =	vmax.f32 v2, $0.0e+00  }
0x34d: {  	v23 =	vadd.f32 $4.172998070e-01, v23;
	v18 =	vmul.f32 v19, v18;
	v51 =	vmin.f32 v2, $1.000000000e+01;
	v2 =	vld [tilespmem:s12+$0xFFFFFFD0]  }
0x34e: {  	v14 =	vmul.f32 v22, v14;
	v15 =	vadd.f32 $4.172998070e-01, v15;
	v10 =	vmul.f32 v44, v12  }
0x34f: {  	v53 =	vld [tilespmem:s11+$0xFFFFFFD0];
	v24 =	vadd.f32 $4.172998070e-01, v24;
	v17 =	vmul.f32 v23, v17;
	v19 =	vmul.f32 $2.000000030e-01, v55  }
0x350: {  	v54 =	vld [tilespmem:s11+$0xFFFFFFE0];
	v14 =	vadd.f32 $7.252173960e-04, v14;
	v11 =	vmul.f32 v15, v11;
	v10 =	vadd.f32 $4.172998070e-01, v10  }
0x351: {  	v56 =	vld [tilespmem:s11+$0x0];
	v17 =	vadd.f32 $7.252173960e-04, v17;
	v20 =	vadd.f32 $4.172998070e-01, v49;
	v15 =	vmul.f32 v24, v16  }
0x352: {  	v58 =	vld [tilespmem:s11+$0x20];
	v11 =	vadd.f32 $7.252173960e-04, v11;
	vm1 =	vge.f32 v2, v1;
	v2 =	vmul.f32 v10, v12  }
0x353: {  	v15 =	vadd.f32 $7.252173960e-04, v15;
	v10 =	vmul.f32 v20, v13;
	v13 =	vadd.f32 $7.252173960e-04, v18  }
0x354: {  	v16 =	vmul.f32 $2.000000030e-01, v53;
	v3 =	vadd.f32 v11, v3;
	v12 =	vld [tilespmem:s11+$0xFFFFFFC0];
	v2 =	vadd.f32 $7.252173960e-04, v2  }
0x355: {  	v18 =	vmul.f32 $2.000000030e-01, v54;
	v10 =	vadd.f32 $7.252173960e-04, v10;
	v9 =	vadd.f32 v13, v9  }
0x356: {  	v20 =	vmul.f32 $2.000000030e-01, v56;
	v13 =	vadd.f32 v17, v8;
	v2 =	vadd.f32 v2, v4  }
0x357: {  	v4 =	vadd.f32 v10, v5;
	v10 =	vadd.f32 v14, v6;
	v14 =	vmul.f32 $2.000000030e-01, v58  }
0x358: {  	v62 =	vmul.f32 $-6.931471820e-01, v9;
	v9 =	vadd.f32 v15, v7;
	v15 =	vld [tilespmem:s12+$0x20];
	v6 =	vmul.f32 $-6.931471820e-01, v3  }
0x359: {  	v8 =	vadd.f32 $5.000000000e-01, v16;
	v12 =	vmul.f32 $2.000000030e-01, v12;
	v5 =	vmul.f32 $-6.931471820e-01, v2  }
0x35a: {  	v11 =	vadd.f32 $5.000000000e-01, v18;
	v7 =	vmul.f32 $-6.931471820e-01, v4;
	v3 =	vmul.f32 $-6.931471820e-01, v10  }
0x35b: {  	v2 =	vmul.f32 $-6.931471820e-01, v13;
	v13 =	vadd.f32 $5.000000000e-01, v19;
	v63 =	vadd.f32 $5.000000000e-01, v12  }
0x35c: {  	s13 =	simm.s32 $0xE0C0;
	v4 =	vmul.f32 $-6.931471820e-01, v9;
	v10 =	vadd.f32 $5.000000000e-01, v20;
	v9 =	vadd.f32 $5.000000000e-01, v14  }
0x35d: {  	s14 =	simm.s32 $0x0;
	s15 =	simm.s32 $0x6140;
	[tilespmem:s13+$0x30] =	vst v51;
	v12 =	vadd.f32 $5.000000000e-01, v21;
	v14 =	vsel vm3, v63, v62;
	vm3 =	vge.f32 v15, v1  }
.LBB2_12:
0x35e: {  	v15 =	vld [tilespmem:s15+$0x30];
	s14 =	sadd.s32 $0x8, s14;
	v6 =	vsel vm1, v8, v6;
	v5 =	vsel vm2, v11, v5;
	v7 =	vsel vm5, v13, v7  }
0x35f: {  	v3 =	vsel vm4, v10, v3;
	v4 =	vsel vm6, v12, v4;
	v2 =	vsel vm3, v9, v2;
	v8 =	vld [tilespmem:s15+$0xFFFFFFD0];
	p0 =	slt.u32 s14, $0x1F8  }
0x360: {  	v10 =	vmax.f32 v14, $0.0e+00;
	v6 =	vmax.f32 v6, $0.0e+00;
	v5 =	vmax.f32 v5, $0.0e+00;
	v9 =	vld [tilespmem:s15+$0xFFFFFFE0]  }
0x361: {  	v7 =	vmax.f32 v7, $0.0e+00;
	v3 =	vmax.f32 v3, $0.0e+00;
	v4 =	vmax.f32 v4, $0.0e+00;
	v11 =	vld [tilespmem:s15+$0xFFFFFFF0]  }
0x362: {  	v10 =	vmin.f32 v10, $1.000000000e+01;
	v2 =	vmax.f32 v2, $0.0e+00;
	v6 =	vmin.f32 v6, $1.000000000e+01;
	v12 =	vld [tilespmem:s15+$0x0]  }
0x363: {  	v5 =	vmin.f32 v5, $1.000000000e+01;
	v7 =	vmin.f32 v7, $1.000000000e+01;
	v13 =	vld [tilespmem:s15+$0x10];
	v14 =	vsub.f32 $1.000000000e+00, v15;
	[tilespmem:s13+$0xFFFFFFC0] =	vst v10  }
0x364: {  	v3 =	vmin.f32 v3, $1.000000000e+01;
	v4 =	vmin.f32 v4, $1.000000000e+01;
	v8 =	vsub.f32 $1.000000000e+00, v8;
	v10 =	vld [tilespmem:s15+$0x20];
	[tilespmem:s13+$0xFFFFFFD0] =	vst v6  }
0x365: {  	v2 =	vmin.f32 v2, $1.000000000e+01;
	v6 =	vld [tilespmem:s15+$0xFFFFFFC0];
	v9 =	vsub.f32 $1.000000000e+00, v9;
	v15 =	vand.u32 $0x7FFFFF, v14;
	[tilespmem:s13+$0xFFFFFFE0] =	vst v5  }
0x366: {  	v5 =	vand.u32 $0x7FFFFF, v8;
	v11 =	vsub.f32 $1.000000000e+00, v11;
	v15 =	vor.u32 $0x3F800000, v15;
	[tilespmem:s13+$0xFFFFFFF0] =	vst v7  }
0x367: {  	v7 =	vand.u32 $0x7FFFFF, v9;
	v12 =	vsub.f32 $1.000000000e+00, v12;
	v15 =	vadd.f32 $-1.000000000e+00, v15;
	[tilespmem:s13+$0x0] =	vst v3  }
0x368: {  	v3 =	vor.u32 $0x3F800000, v5;
	v5 =	vand.u32 $0x7FFFFF, v11;
	v13 =	vsub.f32 $1.000000000e+00, v13;
	[tilespmem:s13+$0x10] =	vst v4  }
0x369: {  	v4 =	vand.u32 $0x7FFFFF, v12;
	v10 =	vsub.f32 $1.000000000e+00, v10;
	v16 =	vmul.f32 $1.554459930e-01, v15;
	[tilespmem:s13+$0x20] =	vst v2  }
0x36a: {  	v2 =	vsub.f32 $1.000000000e+00, v6;
	v6 =	vor.u32 $0x3F800000, v7;
	v7 =	vand.u32 $0x7FFFFF, v13  }
0x36b: {  	v5 =	vor.u32 $0x3F800000, v5;
	v17 =	vand.u32 $0x7FFFFF, v10;
	v16 =	vadd.f32 $-5.729210380e-01, v16  }
0x36c: {  	v4 =	vor.u32 $0x3F800000, v4;
	v7 =	vor.u32 $0x3F800000, v7;
	v18 =	vand.u32 $0x7FFFFF, v2  }
0x36d: {  	v17 =	vor.u32 $0x3F800000, v17;
	v18 =	vor.u32 $0x3F800000, v18;
	v16 =	vmul.f32 v16, v15  }
0x36e: {  	v3 =	vadd.f32 $-1.000000000e+00, v3;
	v2 =	vcvt.s32.f32 v2;
	v18 =	vadd.f32 $-1.000000000e+00, v18  }
0x36f: {  	s11 =	sadd.s32 $0x80, s11;
	v14 =	vcvt.s32.f32 v14;
	v6 =	vadd.f32 $-1.000000000e+00, v6;
	v16 =	vadd.f32 $4.172998070e-01, v16  }
0x370: {  	v5 =	vadd.f32 $-1.000000000e+00, v5;
	v4 =	vadd.f32 $-1.000000000e+00, v4;
	v19 =	vmul.f32 $1.554459930e-01, v18;
	v20 =	vld [tilespmem:s11+$0x30]  }
0x371: {  	v14 =	vmul.f32 $1.192092900e-07, v14;
	v7 =	vadd.f32 $-1.000000000e+00, v7;
	v21 =	vld [tilespmem:s11+$0xFFFFFFC0];
	v15 =	vmul.f32 v16, v15  }
0x372: {  	s12 =	sadd.s32 $0x80, s12;
	v23 =	vmul.f32 $1.554459930e-01, v6;
	v17 =	vadd.f32 $-1.000000000e+00, v17;
	v16 =	vmul.f32 $1.554459930e-01, v3;
	v22 =	vld [tilespmem:s11+$0xFFFFFFD0]  }
0x373: {  	v14 =	vadd.f32 $-1.270000000e+02, v14;
	v24 =	vmul.f32 $1.554459930e-01, v5;
	v15 =	vadd.f32 $7.252173960e-04, v15;
	v25 =	vld [tilespmem:s12+$0x30]  }
0x374: {  	v27 =	vmul.f32 $1.554459930e-01, v4;
	v28 =	vmul.f32 $1.554459930e-01, v7;
	v19 =	vadd.f32 $-5.729210380e-01, v19;
	v26 =	vld [tilespmem:s11+$0xFFFFFFE0]  }
0x375: {  	v30 =	vmul.f32 $1.554459930e-01, v17;
	v29 =	vld [tilespmem:s11+$0xFFFFFFF0];
	v14 =	vadd.f32 v15, v14;
	v15 =	vmul.f32 $2.000000030e-01, v20  }
0x376: {  	v16 =	vadd.f32 $-5.729210380e-01, v16;
	v19 =	vmul.f32 v19, v18;
	v20 =	vadd.f32 $-5.729210380e-01, v23;
	v23 =	vld [tilespmem:s11+$0x0]  }
0x377: {  	v24 =	vadd.f32 $-5.729210380e-01, v24;
	v31 =	vld [tilespmem:s11+$0x10];
	v14 =	vmul.f32 $-6.931471820e-01, v14;
	v15 =	vadd.f32 $5.000000000e-01, v15  }
0x378: {  	v27 =	vadd.f32 $-5.729210380e-01, v27;
	v28 =	vadd.f32 $-5.729210380e-01, v28;
	v32 =	vld [tilespmem:s11+$0x20];
	vm1 =	vge.f32 v25, v1  }
0x379: {  	v30 =	vadd.f32 $-5.729210380e-01, v30;
	v16 =	vmul.f32 v16, v3;
	v25 =	vld [tilespmem:s12+$0xFFFFFFC0];
	v14 =	vsel vm1, v15, v14  }
0x37a: {  	v24 =	vmul.f32 v24, v5;
	v20 =	vmul.f32 v20, v6;
	v15 =	vld [tilespmem:s12+$0xFFFFFFD0];
	v14 =	vmax.f32 v14, $0.0e+00  }
0x37b: {  	s13 =	sadd.s32 $0x80, s13;
	v27 =	vmul.f32 v27, v4;
	v28 =	vmul.f32 v28, v7;
	v33 =	vld [tilespmem:s12+$0xFFFFFFE0];
	v14 =	vmin.f32 v14, $1.000000000e+01  }
0x37c: {  	v30 =	vmul.f32 v30, v17;
	v19 =	vadd.f32 $4.172998070e-01, v19;
	v16 =	vadd.f32 $4.172998070e-01, v16;
	v34 =	vld [tilespmem:s12+$0xFFFFFFF0];
	[tilespmem:s13+$0x30] =	vst v14  }
0x37d: {  	v8 =	vcvt.s32.f32 v8;
	v14 =	vadd.f32 $4.172998070e-01, v20;
	v20 =	vadd.f32 $4.172998070e-01, v24;
	v24 =	vld [tilespmem:s12+$0x0]  }
0x37e: {  	v9 =	vcvt.s32.f32 v9;
	v27 =	vadd.f32 $4.172998070e-01, v27;
	v28 =	vadd.f32 $4.172998070e-01, v28;
	v35 =	vld [tilespmem:s12+$0x10]  }
0x37f: {  	v11 =	vcvt.s32.f32 v11;
	v12 =	vcvt.s32.f32 v12;
	v30 =	vadd.f32 $4.172998070e-01, v30;
	v36 =	vld [tilespmem:s12+$0x20]  }
0x380: {  	v13 =	vcvt.s32.f32 v13;
	v10 =	vcvt.s32.f32 v10;
	vm3 =	vge.f32 v25, v1  }
0x381: {  	v18 =	vmul.f32 v19, v18;
	v3 =	vmul.f32 v16, v3;
	vm1 =	vge.f32 v15, v1  }
0x382: {  	v6 =	vmul.f32 v14, v6;
	v5 =	vmul.f32 v20, v5;
	vm2 =	vge.f32 v33, v1  }
0x383: {  	v4 =	vmul.f32 v27, v4;
	v7 =	vmul.f32 v28, v7;
	v14 =	vadd.f32 $7.252173960e-04, v18  }
0x384: {  	v2 =	vmul.f32 $1.192092900e-07, v2;
	v3 =	vadd.f32 $7.252173960e-04, v3;
	v15 =	vmul.f32 v30, v17  }
0x385: {  	v8 =	vmul.f32 $1.192092900e-07, v8;
	v9 =	vmul.f32 $1.192092900e-07, v9;
	v6 =	vadd.f32 $7.252173960e-04, v6  }
0x386: {  	v11 =	vmul.f32 $1.192092900e-07, v11;
	v12 =	vmul.f32 $1.192092900e-07, v12;
	v5 =	vadd.f32 $7.252173960e-04, v5  }
0x387: {  	v13 =	vmul.f32 $1.192092900e-07, v13;
	v10 =	vmul.f32 $1.192092900e-07, v10;
	v4 =	vadd.f32 $7.252173960e-04, v4  }
0x388: {  	v7 =	vadd.f32 $7.252173960e-04, v7;
	v16 =	vmul.f32 $2.000000030e-01, v21;
	v15 =	vadd.f32 $7.252173960e-04, v15  }
0x389: {  	v8 =	vadd.f32 $-1.270000000e+02, v8;
	v2 =	vadd.f32 $-1.270000000e+02, v2;
	v17 =	vmul.f32 $2.000000030e-01, v22  }
0x38a: {  	v9 =	vadd.f32 $-1.270000000e+02, v9;
	v11 =	vadd.f32 $-1.270000000e+02, v11;
	v18 =	vmul.f32 $2.000000030e-01, v26  }
0x38b: {  	v12 =	vadd.f32 $-1.270000000e+02, v12;
	v13 =	vadd.f32 $-1.270000000e+02, v13;
	v19 =	vmul.f32 $2.000000030e-01, v29  }
0x38c: {  	v10 =	vadd.f32 $-1.270000000e+02, v10;
	v2 =	vadd.f32 v14, v2;
	v14 =	vmul.f32 $2.000000030e-01, v23  }
0x38d: {  	v3 =	vadd.f32 v3, v8;
	v8 =	vadd.f32 v6, v9;
	v9 =	vmul.f32 $2.000000030e-01, v31  }
0x38e: {  	v4 =	vadd.f32 v4, v12;
	v20 =	vmul.f32 $2.000000030e-01, v32;
	v11 =	vadd.f32 v5, v11  }
0x38f: {  	v21 =	vmul.f32 $-6.931471820e-01, v2;
	v2 =	vadd.f32 v7, v13;
	v10 =	vadd.f32 v15, v10  }
0x390: {  	v6 =	vmul.f32 $-6.931471820e-01, v3;
	v15 =	vadd.f32 $5.000000000e-01, v16;
	v5 =	vmul.f32 $-6.931471820e-01, v8  }
.Ltmp5:
0x391: {  	v3 =	vmul.f32 $-6.931471820e-01, v4;
	v8 =	vadd.f32 $5.000000000e-01, v17;
	v7 =	vmul.f32 $-6.931471820e-01, v11;
	(pc) =	sbr.rel @p0 .LBB2_12-.Ltmp5, $4  }
0x392: {  	v11 =	vadd.f32 $5.000000000e-01, v18;
	v4 =	vmul.f32 $-6.931471820e-01, v2;
	v2 =	vmul.f32 $-6.931471820e-01, v10  }
0x393: {  	vm5 =	vge.f32 v34, v1;
	v13 =	vadd.f32 $5.000000000e-01, v19;
	v10 =	vadd.f32 $5.000000000e-01, v14  }
0x394: {  	vm4 =	vge.f32 v24, v1;
	v12 =	vadd.f32 $5.000000000e-01, v9;
	v9 =	vadd.f32 $5.000000000e-01, v20  }
0x395: {  	s15 =	sadd.s32 $0x80, s15;
	vm6 =	vge.f32 v35, v1;
	v14 =	vsel vm3, v15, v21;
	vm3 =	vge.f32 v36, v1  }
0x396: {  	v1 =	vsel vm1, v8, v6;
	v61 =	vmax.f32 v14, $0.0e+00  }
0x397: {  	v5 =	vsel vm2, v11, v5;
	v1 =	vmax.f32 v1, $0.0e+00;
	v6 =	vmin.f32 v61, $1.000000000e+01  }
0x398: {  	v7 =	vsel vm5, v13, v7;
	v5 =	vmax.f32 v5, $0.0e+00;
	v1 =	vmin.f32 v1, $1.000000000e+01;
	[tilespmem:s13+$0xFFFFFFC0] =	vst v6  }
0x399: {  	v3 =	vsel vm4, v10, v3;
	v62 =	vmax.f32 v7, $0.0e+00;
	v5 =	vmin.f32 v5, $1.000000000e+01;
	[tilespmem:s13+$0xFFFFFFD0] =	vst v1  }
0x39a: {  	v2 =	vsel vm3, v9, v2;
	v3 =	vmax.f32 v3, $0.0e+00;
	v63 =	vmin.f32 v62, $1.000000000e+01;
	[tilespmem:s13+$0xFFFFFFE0] =	vst v5  }
0x39b: {  	v2 =	vmax.f32 v2, $0.0e+00;
	v3 =	vmin.f32 v3, $1.000000000e+01;
	v1 =	vsel vm6, v12, v4;
	[tilespmem:s13+$0xFFFFFFF0] =	vst v63  }
0x39c: {  	v2 =	vmin.f32 v2, $1.000000000e+01;
	[tilespmem:s13+$0x0] =	vst v3;
	v1 =	vmax.f32 v1, $0.0e+00  }
0x39d: {  	[tilespmem:s13+$0x20] =	vst v2;
	v1 =	vmin.f32 v1, $1.000000000e+01  }
0x39e: {  	s10 =	sadd.s32 $0x1, s10;
	[tilespmem:s13+$0x10] =	vst v1  }
0x39f: {  	[hbm4b:s26+s24] =	stream.strided.scatter [tilespmem:s7], [sflag:$0x4], $0x2000, s31, s24, $0x38;
	[tilespmem:$0x10080] =	vst v63  }
0x3a0: {  	p0 =	sne.s32 s10, s29;
	_ =	swait.ge [sflag:s8], $0x2000  }
.Ltmp6:
0x3a1: {  	[sflag:s8] =	ssyncset.done $0x0;
	(pc) =	sbr.rel @p0 .LBB2_1-.Ltmp6, $4  }
0x3a2: {  	[sflag:s8] =	ssyncadd.s32 $0xFFFFE000  }
0x3a3: {  	_ =	swait.ge [sflag:s9], $0x2000  }
0x3a4: {  	[sflag:s9] =	ssyncset.done $0x0  }
0x3a5: {  	[sflag:s9] =	ssyncadd.s32 $0xFFFFE000  }
0x3a6: {  	_ =	sfence.sel $0x180000  }
0x3a7: {  	[bflag:$0x0] =	sbarrier.arrive $0xFFFF  }
0x3a8: {  	_ =	strace $0x90000047  }
0x3a9: {  	s0 =	stileid.u32;
	[bflag:$0x2] =	sbarrier.arrive $0xFFFF  }
0x3aa: {  	p0 =	sne.s32 s0, $0x0;
	s0 =	rddreg [dreg:$0x4]  }
0x3ab: {  	s0 =	sadd.s32 @!p0 $0x100000, s0  }
0x3ac: {  	[sflag:s0] =	ssyncadd.tile.s32 @!p0 $0x1;
	_ =	shalt  }
.Lfunc_end2:
_tile_overlayer_lowered:
.L_overlay_start_2:
0x3ad: {  	(tag) =	ssettag $0x2  }
0x3ae: {  	s0 =	rddreg [dreg:$0x0];
	s2 =	stileid.u32  }
0x3af: {  	s1 =	rddreg [dreg:$0x1];
	p0 =	sne.s32 s2, $0x0  }
0x3b0: {  	s3 =	rddreg [dreg:$0x2];
	[bflag:$0x3] =	sbarrier.arrive $0xFFFF;
	s2 =	simm.s32 @!p0 $0x1C05  }
0x3b1: {  	[timem:s3], [sflag:s2] =	dma.local @!p0 [hbm:s0], s1  }
0x3b2: {  	s0 =	simm.s32 @!p0 $0x5  }
0x3b3: {  	_ =	swait.ge @!p0 [sflag:s0], s1  }
0x3b4: {  	s1 =	ssub.s32 @!p0 $0x0, s1;
	[sflag:s0] =	ssyncset.done @!p0 $0x0  }
0x3b5: {  	[sflag:s0] =	ssyncadd.s32 @!p0 s1  }
0x3b6: {  	[bflag:$0x3] =	sbarrier.arrive $0xFFFF  }
0x3b7: {  	_ =	shalt  }

</sc_bundles>
